<compile_context>
chip_gen: v7x
topology: tpu7x:2x2x1
jax: 0.10.2.dev20260603
libtpu: 0.0.44.dev20260713+nightly
codegen_flags: <defaults>
</compile_context>

<pallas_src>
import functools

import jax
import jax.numpy as jnp
from jax import lax
from jax.experimental import pallas as pl
from jax.experimental.pallas import tpu as pltpu
from jax.experimental.pallas import tpu_sc as plsc

NN = 10000
EE = 320000
BG = 256
FIN = 128
DD = 256
HALF = 128
NC, NS = 2, 16
IW = 80
EW = 128
EPW = 160
EP = NS * EPW * EW
DUMP = NN
IDL = 10240
ICT = IDL // IW // NS
OCT = NN // IW
OCL = OCT - (NS - 1) * ICT
NGP = 2176

_MESH = plsc.VectorSubcoreMesh(
    core_axis_name="c", subcore_axis_name="s", num_cores=NC, num_subcores=NS)


def _deg_body(dst1, idn, deg_out, ones_v, idxb, rows16, degacc, sem):
    c = lax.axis_index("c")
    s = lax.axis_index("s")

    def fill(i, carry):
        ones_v[i] = jnp.ones((16,), jnp.float32)
        return carry
    lax.fori_loop(0, EW, fill, 0)

    @pl.when(c == 0)
    def _():
        def ik(k, carry):
            pltpu.sync_copy(idn.at[pl.ds((s * ICT + k) * IW, IW)], idxb)
            pltpu.sync_copy(ones_v.at[pl.ds(0, IW)], degacc.at[idxb])
            return carry
        lax.fori_loop(0, ICT, ik, 0)
    plsc.subcore_barrier()

    @pl.when(c == 0)
    def _():
        def step(g, carry):
            pltpu.sync_copy(dst1.at[pl.ds((s * EPW + g) * IW, IW)], idxb)
            pltpu.sync_copy(ones_v.at[pl.ds(0, IW)],
                            degacc.at[idxb], add=True)
            return carry
        lax.fori_loop(0, EPW, step, 0)
    plsc.subcore_barrier()

    @pl.when(c == 0)
    def _():
        nk = jnp.where(s < NS - 1, ICT, OCL)

        def ok(k, carry):
            row = (s * ICT + k) * IW
            pltpu.sync_copy(idn.at[pl.ds(row, IW)], idxb)
            pltpu.async_copy(degacc.at[idxb], rows16, sem).wait()
            pltpu.sync_copy(rows16, deg_out.at[pl.ds(row, IW)])
            return carry
        lax.fori_loop(0, nk, ok, 0)


@functools.partial(
    pl.kernel,
    out_type=jax.ShapeDtypeStruct((NN, 16), jnp.float32),
    mesh=_MESH,
    scratch_types=[
        pltpu.VMEM((EW, 16), jnp.float32),
        pltpu.VMEM((IW,), jnp.int32),
        pltpu.VMEM((IW, 16), jnp.float32),
        pltpu.VMEM_SHARED((NN + 8, 16), jnp.float32),
        pltpu.SemaphoreType.DMA,
    ],
)
def _deg(dst1, idn, deg_out, ones_v, idxb, rows16, degacc, sem):
    _deg_body(dst1, idn, deg_out, ones_v, idxb, rows16, degacc, sem)


def _agg_body(hpre, srcg2, dst2, idn, out, acc, srcb0, srcb1, dstb0, dstb1,
              idxb, rows0, rows1, sem, gs0, gs1):
    c = lax.axis_index("c")
    s = lax.axis_index("s")

    srcb = (srcb0, srcb1)
    dstb = (dstb0, dstb1)
    rows = (rows0, rows1)
    gs = (gs0, gs1)
    ir = rows0.at[pl.ds(0, IW)]

    def ik(k, carry):
        kk = s * ICT + k
        off = jnp.where(kk < OCT, kk * IW, 0)
        pltpu.sync_copy(idn.at[pl.ds(kk * IW, IW)], idxb)
        pltpu.sync_copy(hpre.at[pl.ds(c * NN + off, IW)], ir)
        pltpu.sync_copy(ir, acc.at[idxb])
        return carry
    lax.fori_loop(0, ICT, ik, 0)
    plsc.subcore_barrier()
    soff = (c * NS + s) * EPW * EW
    doff = s * EPW * EW

    def fetch(g, b):
        pltpu.sync_copy(srcg2.at[pl.ds(soff + g * EW, EW)], srcb[b])
        pltpu.sync_copy(dst2.at[pl.ds(doff + g * EW, EW)], dstb[b])
        pltpu.async_copy(hpre.at[srcb[b]], rows[b], gs[b])

    def drain(b):
        pltpu.make_async_copy(hpre.at[srcb[b]], rows[b], gs[b]).wait()

    fetch(0, 0)
    fetch(1, 1)

    def step(h, carry):
        for b in range(2):
            g = 2 * h + b
            drain(b)
            pltpu.sync_copy(rows[b], acc.at[dstb[b]], add=True)
            nxt = jnp.where(g + 2 < EPW, g + 2, 0)
            fetch(nxt, b)
        return carry
    lax.fori_loop(0, EPW // 2, step, 0)
    drain(0)
    drain(1)
    plsc.subcore_barrier()

    nk = jnp.where(s < NS - 1, ICT, OCL)

    def ok(k, carry):
        row = (s * ICT + k) * IW
        pltpu.sync_copy(idn.at[pl.ds(row, IW)], idxb)
        pltpu.async_copy(acc.at[idxb], ir, sem).wait()
        pltpu.sync_copy(ir, out.at[pl.ds(c * NN + row, IW)])
        return carry
    lax.fori_loop(0, nk, ok, 0)


@functools.partial(
    pl.kernel,
    out_type=jax.ShapeDtypeStruct((2 * NN, HALF), jnp.float32),
    mesh=_MESH,
    scratch_types=[
        pltpu.VMEM_SHARED((NN + 8, HALF), jnp.float32),
        pltpu.VMEM((EW,), jnp.int32),
        pltpu.VMEM((EW,), jnp.int32),
        pltpu.VMEM((EW,), jnp.int32),
        pltpu.VMEM((EW,), jnp.int32),
        pltpu.VMEM((IW,), jnp.int32),
        pltpu.VMEM((EW, HALF), jnp.float32),
        pltpu.VMEM((EW, HALF), jnp.float32),
        pltpu.SemaphoreType.DMA,
        pltpu.SemaphoreType.DMA,
        pltpu.SemaphoreType.DMA,
    ],
)
def _agg(hpre, srcg2, dst2, idn, out, acc, srcb0, srcb1, dstb0, dstb1,
         idxb, rows0, rows1, sem, gs0, gs1):
    _agg_body(hpre, srcg2, dst2, idn, out, acc, srcb0, srcb1, dstb0, dstb1,
              idxb, rows0, rows1, sem, gs0, gs1)


RB = 1000
NBLK = NN // RB


def _tc0_body(x_ref, deg_ref, w_ref, out_ref):
    dinv = lax.rsqrt(deg_ref[:, 0:1])
    h = jnp.dot(x_ref[:], w_ref[:], preferred_element_type=jnp.float32)
    h = h * dinv
    out_ref[0] = h[:, :HALF]
    out_ref[1] = h[:, HALF:]


def _tc0(x, deg16, w):
    return pl.pallas_call(
        _tc0_body,
        grid=(NBLK,),
        in_specs=[
            pl.BlockSpec((RB, FIN), lambda i: (i, 0)),
            pl.BlockSpec((RB, 16), lambda i: (i, 0)),
            pl.BlockSpec((FIN, DD), lambda i: (0, 0)),
        ],
        out_specs=pl.BlockSpec((2, RB, HALF), lambda i: (0, i, 0)),
        out_shape=jax.ShapeDtypeStruct((2, NN, HALF), jnp.float32),
    )(x, deg16, w)


def _tcm_body(a_ref, deg_ref, w_ref, bprev_ref, out_ref):
    dinv = lax.rsqrt(deg_ref[:, 0:1])
    h = jnp.concatenate([a_ref[0], a_ref[1]], axis=1)
    h = h * dinv + bprev_ref[:]
    h = jnp.where(h > 0, h, 0.01 * h)
    h2 = jnp.dot(h, w_ref[:], preferred_element_type=jnp.float32) * dinv
    out_ref[0] = h2[:, :HALF]
    out_ref[1] = h2[:, HALF:]


def _tcm(a, deg16, w, bprev):
    return pl.pallas_call(
        _tcm_body,
        grid=(NBLK,),
        in_specs=[
            pl.BlockSpec((2, RB, HALF), lambda i: (0, i, 0)),
            pl.BlockSpec((RB, 16), lambda i: (i, 0)),
            pl.BlockSpec((DD, DD), lambda i: (0, 0)),
            pl.BlockSpec((1, DD), lambda i: (0, 0)),
        ],
        out_specs=pl.BlockSpec((2, RB, HALF), lambda i: (0, i, 0)),
        out_shape=jax.ShapeDtypeStruct((2, NN, HALF), jnp.float32),
    )(a, deg16, w, bprev)


def _gene_body(exp_ref, wg_ref, bg_ref, ww_ref, bw_ref, g_ref):
    e = jnp.dot(exp_ref[:], wg_ref[:], preferred_element_type=jnp.float32)
    e = jnp.maximum(e + bg_ref[:], 0.0)
    g_ref[:] = jnp.dot(e, ww_ref[:], preferred_element_type=jnp.float32) \
        + bw_ref[:]


def _gene(expp, wgp, bg, ww, bw):
    return pl.pallas_call(
        _gene_body,
        out_shape=jax.ShapeDtypeStruct((BG, DD), jnp.float32),
    )(expp, wgp, bg, ww, bw)


def _fin_body(a_ref, deg_ref, batch_ref, g_ref, b2_ref, wf1_ref, bf1_ref,
              wf2_ref, bf2_ref, out_ref, seg_acc, cnt_acc):
    i = pl.program_id(0)

    @pl.when(i == 0)
    def _():
        seg_acc[:] = jnp.zeros_like(seg_acc)
        cnt_acc[:] = jnp.zeros_like(cnt_acc)

    dinv = lax.rsqrt(deg_ref[:, 0:1])
    h3 = jnp.concatenate([a_ref[0], a_ref[1]], axis=1) * dinv + b2_ref[:]
    b = batch_ref[:][0, 0]
    oh = (lax.broadcasted_iota(jnp.int32, (BG, RB), 0)
          == b[None, :]).astype(jnp.float32)
    seg_acc[:] += jnp.dot(oh, h3, preferred_element_type=jnp.float32)
    cnt_acc[:] += jnp.sum(oh, axis=1, keepdims=True)

    @pl.when(i == NBLK - 1)
    def _():
        cnt = cnt_acc[:]
        pooled = seg_acc[:] / jnp.maximum(cnt, 1.0) \
            + g_ref[:] * (cnt > 0).astype(jnp.float32)
        z = jnp.dot(pooled, wf1_ref[:], preferred_element_type=jnp.float32)
        z = jnp.maximum(z + bf1_ref[:], 0.0)
        out_ref[:] = jnp.dot(z, wf2_ref[:],
                             preferred_element_type=jnp.float32) + bf2_ref[:]


def _fin(a, deg16, batch, g, b2, wf1, bf1, wf2, bf2):
    return pl.pallas_call(
        _fin_body,
        grid=(NBLK,),
        in_specs=[
            pl.BlockSpec((2, RB, HALF), lambda i: (0, i, 0)),
            pl.BlockSpec((RB, 16), lambda i: (i, 0)),
            pl.BlockSpec((1, 1, RB), lambda i: (i, 0, 0)),
            pl.BlockSpec((BG, DD), lambda i: (0, 0)),
            pl.BlockSpec((1, DD), lambda i: (0, 0)),
            pl.BlockSpec((DD, DD), lambda i: (0, 0)),
            pl.BlockSpec((1, DD), lambda i: (0, 0)),
            pl.BlockSpec((DD, 1), lambda i: (0, 0)),
            pl.BlockSpec((1, 1), lambda i: (0, 0)),
        ],
        out_specs=pl.BlockSpec((BG, 1), lambda i: (0, 0)),
        out_shape=jax.ShapeDtypeStruct((BG, 1), jnp.float32),
        scratch_shapes=[
            pltpu.VMEM((BG, DD), jnp.float32),
            pltpu.VMEM((BG, 1), jnp.float32),
        ],
    )(a, deg16, batch, g, b2, wf1, bf1, wf2, bf2)


def kernel(exp, x, edge_index, edge_attr, batch, W_gene, b_gene, W_wg, b_wg,
           W_g0, b_g0, W_g1, b_g1, W_g2, b_g2, W_fc1, b_fc1, W_fc2, b_fc2):
    src = edge_index[0].astype(jnp.int32)
    dst = edge_index[1].astype(jnp.int32)
    srcp = jnp.concatenate([src, jnp.zeros((EP - EE,), jnp.int32)])
    dstp = jnp.concatenate([dst, jnp.full((EP - EE,), DUMP, jnp.int32)])
    dst2 = dstp
    srcg2 = jnp.concatenate([srcp, srcp + NN])

    idn = jnp.concatenate([jnp.arange(NN, dtype=jnp.int32),
                           jnp.full((IDL - NN,), DUMP, jnp.int32)])
    deg16 = _deg(dst2, idn)

    def _do_agg(h2):
        return _agg(h2, srcg2, dst2, idn)

    h = _tc0(x, deg16, W_g0)
    a = _do_agg(h.reshape(2 * NN, HALF))
    h = _tcm(a.reshape(2, NN, HALF), deg16, W_g1, b_g0.reshape(1, DD))
    a = _do_agg(h.reshape(2 * NN, HALF))
    h = _tcm(a.reshape(2, NN, HALF), deg16, W_g2, b_g1.reshape(1, DD))
    a = _do_agg(h.reshape(2 * NN, HALF))

    expp = jnp.pad(exp, ((0, 0), (0, NGP - exp.shape[1])))
    wgp = jnp.pad(W_gene, ((0, NGP - W_gene.shape[0]), (0, 0)))
    g = _gene(expp, wgp, b_gene.reshape(1, -1), W_wg, b_wg.reshape(1, DD))

    return _fin(a.reshape(2, NN, HALF), deg16,
                batch.astype(jnp.int32).reshape(NBLK, 1, RB), g,
                b_g2.reshape(1, DD), W_fc1, b_fc1.reshape(1, DD), W_fc2,
                b_fc2.reshape(1, 1))

# --- scband reference (transcript-rebuilt; emitter-appended) ---
"""Pipeline reference for scband-baseline-52475910422755 (READ-ONLY COPY).

The authoritative reference and input builder live on the scoring server;
editing this copy changes nothing except your own understanding.
"""

import jax, jax.numpy as jnp
import numpy as np

N = 10000
E = 320000
B = 256
F_IN = 128
D = 256
NG = 2089
GD = 512


def setup_inputs(seed: int = 0) -> dict:
    key = jax.random.key(seed)
    ks = jax.random.split(key, 24)
    inp = {}
    inp["exp"] = jax.random.normal(ks[0], (B, NG), jnp.float32)
    inp["x"] = jax.random.normal(ks[1], (N, F_IN), jnp.float32)
    inp["edge_index"] = jax.random.randint(ks[2], (2, E), 0, N)
    inp["edge_attr"] = jax.random.normal(ks[3], (E, 4), jnp.float32)
    inp["batch"] = jnp.sort(jax.random.randint(ks[4], (N,), 0, B))
    s = 0.02
    inp["W_gene"] = jax.random.normal(ks[5], (NG, GD), jnp.float32) * s
    inp["b_gene"] = jnp.zeros((GD,), jnp.float32)
    inp["W_wg"] = jax.random.normal(ks[6], (GD, D), jnp.float32) * s
    inp["b_wg"] = jnp.zeros((D,), jnp.float32)
    inp["W_g0"] = jax.random.normal(ks[7], (F_IN, D), jnp.float32) * s
    inp["b_g0"] = jnp.zeros((D,), jnp.float32)
    inp["W_g1"] = jax.random.normal(ks[8], (D, D), jnp.float32) * s
    inp["b_g1"] = jnp.zeros((D,), jnp.float32)
    inp["W_g2"] = jax.random.normal(ks[9], (D, D), jnp.float32) * s
    inp["b_g2"] = jnp.zeros((D,), jnp.float32)
    inp["W_fc1"] = jax.random.normal(ks[10], (D, D), jnp.float32) * s
    inp["b_fc1"] = jnp.zeros((D,), jnp.float32)
    inp["W_fc2"] = jax.random.normal(ks[11], (D, 1), jnp.float32) * s
    inp["b_fc2"] = jnp.zeros((1,), jnp.float32)
    return inp


def _gcn_conv(x, src, dst, W, b, n):
    # torch_geometric GCNConv: add self-loops, symmetric normalization, aggregate at dst
    h = x @ W
    loop = jnp.arange(n, dtype=src.dtype)
    s = jnp.concatenate([src, loop])
    d = jnp.concatenate([dst, loop])
    deg = jnp.zeros((n,), x.dtype).at[d].add(1.0)
    dinv = 1.0 / jnp.sqrt(deg)
    norm = dinv[s] * dinv[d]
    msg = h[s] * norm[:, None]
    out = jnp.zeros((n, h.shape[1]), x.dtype).at[d].add(msg)
    return out + b


def reference(exp, x, edge_index, edge_attr, batch, W_gene, b_gene, W_wg, b_wg, W_g0, b_g0, W_g1, b_g1, W_g2, b_g2, W_fc1, b_fc1, W_fc2, b_fc2):
    src = edge_index[0]
    dst = edge_index[1]
    # BaselineEncoder: GCN stack with leaky_relu between layers
    h = _gcn_conv(x, src, dst, W_g0, b_g0, N)
    h = _gcn_conv(jax.nn.leaky_relu(h, 0.01), src, dst, W_g1, b_g1, N)
    h = _gcn_conv(jax.nn.leaky_relu(h, 0.01), src, dst, W_g2, b_g2, N)
    # gene encoder + w_g
    e = exp @ W_gene + b_gene  # squeeze is a no-op for B>1
    g = jax.nn.relu(e) @ W_wg + b_wg
    # repeat_interleave by bincount(batch)
    counts = jnp.bincount(batch, length=B)
    g_nodes = jnp.repeat(g, counts, axis=0, total_repeat_length=N)
    # global_mean_pool
    summed = jax.ops.segment_sum(h + g_nodes, batch, num_segments=B)
    pooled = summed / jnp.maximum(counts, 1).astype(summed.dtype)[:, None]
    # FCBlock (eval mode: dropout = identity): Linear -> ReLU -> Linear
    z = jax.nn.relu(pooled @ W_fc1 + b_fc1)
    return z @ W_fc2 + b_fc2

if __name__ == "__main__":
    import jax
    _d = setup_inputs()
    print(jax.jit(kernel)(*tuple(_d.values())))

</pallas_src>

<mosaic_0001>
#map = affine_map<(d0, d1) -> (0)>
#map1 = affine_map<(d0, d1) -> (0, 0)>
module attributes {stable_mosaic.version = 14 : i64} {
  func.func @_deg(%arg0: i32, %arg1: i32, %arg2: memref<327680xi32, #tpu.memory_space<hbm>>, %arg3: memref<10240xi32, #tpu.memory_space<hbm>>, %arg4: memref<10000x16xf32, #tpu.memory_space<hbm>>, %arg5: memref<128x16xf32, #tpu.memory_space<vmem>>, %arg6: memref<80xi32, #tpu.memory_space<vmem>>, %arg7: memref<80x16xf32, #tpu.memory_space<vmem>>, %arg8: memref<10008x16xf32, #tpu.memory_space<vmem_shared>>, %arg9: memref<!tpu.dma_semaphore, #tpu.memory_space<semaphore_mem>>) attributes {dimension_semantics = [#tpu.dimension_semantics<core_parallel>, #tpu.dimension_semantics<subcore_parallel>], iteration_bounds = array<i64: 2, 16>, scalar_prefetch = 0 : i64, scratch_operands = 5 : i64, tpu.core_type = #tpu.core_type<sc_vector_subcore>, window_params = [{transform_indices = #map}, {transform_indices = #map}, {transform_indices = #map1}]} {
    %scan3A = arith.constant 0 : i32
    %scan3A_0 = arith.constant 0 : i32
    %scan3A_1 = arith.constant 128 : i32
    %scan3A_2 = arith.addi %scan3A_0, %scan3A_1 : i32
    %scan3A_3 = arith.constant 1 : i32
    scf.for %scan3A_18 = %scan3A_0 to %scan3A_2 step %scan3A_3  : i32 {
      %broadcast_in_dim3A = arith.constant 1.000000e+00 : f32
      %broadcast_in_dim3A_19 = vector.broadcast %broadcast_in_dim3A : f32 to vector<16xf32>
      %swap3A = arith.index_cast %scan3A_18 : i32 to index
      %swap3A_20 = arith.constant 0 : index
      %swap3A_21 = tpu.vector_load %arg5[%swap3A, %swap3A_20] {strides = array<i32>} : memref<128x16xf32, #tpu.memory_space<vmem>>, vector<1x16xf32>,
      %swap3A_22 = vector.shape_cast %swap3A_21 : vector<1x16xf32> to vector<16xf32>
      %swap3A_23 = vector.shape_cast %broadcast_in_dim3A_19 : vector<16xf32> to vector<1x16xf32>
      tpu.vector_store %arg5[%swap3A, %swap3A_20], %swap3A_23 {strides = array<i32>} : memref<128x16xf32, #tpu.memory_space<vmem>>, vector<1x16xf32>,
    }
    %scan3A_4 = arith.constant 128 : i32
    %eq3A = arith.constant 0 : i32
    %eq3A_5 = arith.cmpi eq, %arg0, %eq3A : i32
    %convert_element_type3A = arith.extui %eq3A_5 : i1 to i32
    %cond3A = arith.constant 0 : i32
    %cond3A_6 = arith.cmpi ne, %convert_element_type3A, %cond3A : i32
    scf.if %cond3A_6 {
      %scan3A_18 = arith.constant 0 : i32
      %scan3A_19 = arith.constant 0 : i32
      %scan3A_20 = arith.constant 8 : i32
      %scan3A_21 = arith.addi %scan3A_19, %scan3A_20 : i32
      %scan3A_22 = arith.constant 1 : i32
      scf.for %scan3A_24 = %scan3A_19 to %scan3A_21 step %scan3A_22  : i32 {
        %mul3A = arith.constant 8 : i32
        %mul3A_25 = arith.muli %arg1, %mul3A : i32
        %add3A = arith.addi %mul3A_25, %scan3A_24 : i32
        %mul3A_26 = arith.constant 80 : i32
        %mul3A_27 = arith.muli %add3A, %mul3A_26 : i32
        "tpu.region"() ({
          %run_scoped3A = tpu.sem_alloc : memref<!tpu.dma_semaphore, #tpu.memory_space<semaphore_mem>>
          %dma_start3A = tpu.memref_slice %arg3[%mul3A_27] : memref<10240xi32, #tpu.memory_space<hbm>> -> memref<80xi32, #tpu.memory_space<hbm>>
          %dma_start3A_28 = tpu.memref_slice %arg3[%mul3A_27] : memref<10240xi32, #tpu.memory_space<hbm>> -> memref<80xi32, #tpu.memory_space<hbm>>
          tpu.enqueue_dma source(%dma_start3A_28 : memref<80xi32, #tpu.memory_space<hbm>>) target(%arg6 : memref<80xi32, #tpu.memory_space<vmem>>) target_semaphore(%run_scoped3A : memref<!tpu.dma_semaphore, #tpu.memory_space<semaphore_mem>>)
          %dma_wait3A = tpu.memref_slice %arg3[%mul3A_27] : memref<10240xi32, #tpu.memory_space<hbm>> -> memref<80xi32, #tpu.memory_space<hbm>>
          %dma_wait3A_29 = tpu.memref_slice %arg3[%mul3A_27] : memref<10240xi32, #tpu.memory_space<hbm>> -> memref<80xi32, #tpu.memory_space<hbm>>
          tpu.wait_dma2 semaphore(%run_scoped3A : memref<!tpu.dma_semaphore, #tpu.memory_space<semaphore_mem>>) src(%dma_wait3A_29 : memref<80xi32, #tpu.memory_space<hbm>>) dst(%arg6 : memref<80xi32, #tpu.memory_space<vmem>>)
          tpu.yield
        }) : () -> ()
        "tpu.region"() ({
          %run_scoped3A = tpu.sem_alloc : memref<!tpu.dma_semaphore, #tpu.memory_space<semaphore_mem>>
          %dma_start3A = arith.constant 0 : i32
          %dma_start3A_28 = arith.constant 0 : i32
          %dma_start3A_29 = tpu.memref_slice %arg5[%dma_start3A, %dma_start3A_28] : memref<128x16xf32, #tpu.memory_space<vmem>> -> memref<80x16xf32, #tpu.memory_space<vmem>>
          %dma_start3A_30 = arith.constant 0 : i32
          %dma_start3A_31 = arith.constant 0 : i32
          %dma_start3A_32 = tpu.memref_slice %arg8[%dma_start3A_30, %dma_start3A_31] : memref<10008x16xf32, #tpu.memory_space<vmem_shared>> -> memref<10008x16xf32, #tpu.memory_space<vmem_shared>>
          tpu.enqueue_indirect_dma source(%dma_start3A_29 : memref<80x16xf32, #tpu.memory_space<vmem>>) target(%dma_start3A_32 : memref<10008x16xf32, #tpu.memory_space<vmem_shared>>) offsets(%arg6 : memref<80xi32, #tpu.memory_space<vmem>>) semaphore(%run_scoped3A : memref<!tpu.dma_semaphore, #tpu.memory_space<semaphore_mem>>)
          %dma_wait3A = arith.constant 0 : i32
          %dma_wait3A_33 = arith.constant 0 : i32
          %dma_wait3A_34 = tpu.memref_slice %arg5[%dma_wait3A, %dma_wait3A_33] : memref<128x16xf32, #tpu.memory_space<vmem>> -> memref<80x16xf32, #tpu.memory_space<vmem>>
          %dma_wait3A_35 = arith.constant 0 : i32
          %dma_wait3A_36 = arith.constant 0 : i32
          %dma_wait3A_37 = tpu.memref_slice %arg8[%dma_wait3A_35, %dma_wait3A_36] : memref<10008x16xf32, #tpu.memory_space<vmem_shared>> -> memref<10008x16xf32, #tpu.memory_space<vmem_shared>>
          tpu.wait_indirect_dma semaphore(%run_scoped3A : memref<!tpu.dma_semaphore, #tpu.memory_space<semaphore_mem>>) src(%dma_wait3A_34 : memref<80x16xf32, #tpu.memory_space<vmem>>) dst(%dma_wait3A_37 : memref<10008x16xf32, #tpu.memory_space<vmem_shared>>)
          tpu.yield
        }) : () -> ()
      }
      %scan3A_23 = arith.constant 8 : i32
    } else {
    }
    %barrier3A = arith.constant 0 : index
    tpu.barrier barrier_id(%barrier3A)
    %eq3A_7 = arith.constant 0 : i32
    %eq3A_8 = arith.cmpi eq, %arg0, %eq3A_7 : i32
    %convert_element_type3A_9 = arith.extui %eq3A_8 : i1 to i32
    %cond3A_10 = arith.constant 0 : i32
    %cond3A_11 = arith.cmpi ne, %convert_element_type3A_9, %cond3A_10 : i32
    scf.if %cond3A_11 {
      %scan3A_18 = arith.constant 0 : i32
      %scan3A_19 = arith.constant 0 : i32
      %scan3A_20 = arith.constant 160 : i32
      %scan3A_21 = arith.addi %scan3A_19, %scan3A_20 : i32
      %scan3A_22 = arith.constant 1 : i32
      scf.for %scan3A_24 = %scan3A_19 to %scan3A_21 step %scan3A_22  : i32 {
        %mul3A = arith.constant 160 : i32
        %mul3A_25 = arith.muli %arg1, %mul3A : i32
        %add3A = arith.addi %mul3A_25, %scan3A_24 : i32
        %mul3A_26 = arith.constant 80 : i32
        %mul3A_27 = arith.muli %add3A, %mul3A_26 : i32
        "tpu.region"() ({
          %run_scoped3A = tpu.sem_alloc : memref<!tpu.dma_semaphore, #tpu.memory_space<semaphore_mem>>
          %dma_start3A = tpu.memref_slice %arg2[%mul3A_27] : memref<327680xi32, #tpu.memory_space<hbm>> -> memref<80xi32, #tpu.memory_space<hbm>>
          %dma_start3A_28 = tpu.memref_slice %arg2[%mul3A_27] : memref<327680xi32, #tpu.memory_space<hbm>> -> memref<80xi32, #tpu.memory_space<hbm>>
          tpu.enqueue_dma source(%dma_start3A_28 : memref<80xi32, #tpu.memory_space<hbm>>) target(%arg6 : memref<80xi32, #tpu.memory_space<vmem>>) target_semaphore(%run_scoped3A : memref<!tpu.dma_semaphore, #tpu.memory_space<semaphore_mem>>)
          %dma_wait3A = tpu.memref_slice %arg2[%mul3A_27] : memref<327680xi32, #tpu.memory_space<hbm>> -> memref<80xi32, #tpu.memory_space<hbm>>
          %dma_wait3A_29 = tpu.memref_slice %arg2[%mul3A_27] : memref<327680xi32, #tpu.memory_space<hbm>> -> memref<80xi32, #tpu.memory_space<hbm>>
          tpu.wait_dma2 semaphore(%run_scoped3A : memref<!tpu.dma_semaphore, #tpu.memory_space<semaphore_mem>>) src(%dma_wait3A_29 : memref<80xi32, #tpu.memory_space<hbm>>) dst(%arg6 : memref<80xi32, #tpu.memory_space<vmem>>)
          tpu.yield
        }) : () -> ()
        "tpu.region"() ({
          %run_scoped3A = tpu.sem_alloc : memref<!tpu.dma_semaphore, #tpu.memory_space<semaphore_mem>>
          %dma_start3A = arith.constant 0 : i32
          %dma_start3A_28 = arith.constant 0 : i32
          %dma_start3A_29 = tpu.memref_slice %arg5[%dma_start3A, %dma_start3A_28] : memref<128x16xf32, #tpu.memory_space<vmem>> -> memref<80x16xf32, #tpu.memory_space<vmem>>
          %dma_start3A_30 = arith.constant 0 : i32
          %dma_start3A_31 = arith.constant 0 : i32
          %dma_start3A_32 = tpu.memref_slice %arg8[%dma_start3A_30, %dma_start3A_31] : memref<10008x16xf32, #tpu.memory_space<vmem_shared>> -> memref<10008x16xf32, #tpu.memory_space<vmem_shared>>
          tpu.enqueue_indirect_dma source(%dma_start3A_29 : memref<80x16xf32, #tpu.memory_space<vmem>>) target(%dma_start3A_32 : memref<10008x16xf32, #tpu.memory_space<vmem_shared>>) offsets(%arg6 : memref<80xi32, #tpu.memory_space<vmem>>) semaphore(%run_scoped3A : memref<!tpu.dma_semaphore, #tpu.memory_space<semaphore_mem>>) {add = true}
          %dma_wait3A = arith.constant 0 : i32
          %dma_wait3A_33 = arith.constant 0 : i32
          %dma_wait3A_34 = tpu.memref_slice %arg5[%dma_wait3A, %dma_wait3A_33] : memref<128x16xf32, #tpu.memory_space<vmem>> -> memref<80x16xf32, #tpu.memory_space<vmem>>
          %dma_wait3A_35 = arith.constant 0 : i32
          %dma_wait3A_36 = arith.constant 0 : i32
          %dma_wait3A_37 = tpu.memref_slice %arg8[%dma_wait3A_35, %dma_wait3A_36] : memref<10008x16xf32, #tpu.memory_space<vmem_shared>> -> memref<10008x16xf32, #tpu.memory_space<vmem_shared>>
          tpu.wait_indirect_dma semaphore(%run_scoped3A : memref<!tpu.dma_semaphore, #tpu.memory_space<semaphore_mem>>) src(%dma_wait3A_34 : memref<80x16xf32, #tpu.memory_space<vmem>>) dst(%dma_wait3A_37 : memref<10008x16xf32, #tpu.memory_space<vmem_shared>>)
          tpu.yield
        }) : () -> ()
      }
      %scan3A_23 = arith.constant 160 : i32
    } else {
    }
    %barrier3A_12 = arith.constant 0 : index
    tpu.barrier barrier_id(%barrier3A_12)
    %eq3A_13 = arith.constant 0 : i32
    %eq3A_14 = arith.cmpi eq, %arg0, %eq3A_13 : i32
    %convert_element_type3A_15 = arith.extui %eq3A_14 : i1 to i32
    %cond3A_16 = arith.constant 0 : i32
    %cond3A_17 = arith.cmpi ne, %convert_element_type3A_15, %cond3A_16 : i32
    scf.if %cond3A_17 {
      %lt3A = arith.constant 15 : i32
      %lt3A_18 = arith.cmpi slt, %arg1, %lt3A : i32
      %jit3A = arith.constant 8 : i32
      %jit3A_19 = arith.constant 5 : i32
      %select_n3A = arith.select %lt3A_18, %jit3A, %jit3A_19 : i32
      %while3A = arith.constant 0 : i32
      %while3A_20 = arith.constant 0 : i32
      %while3A_21 = arith.subi %select_n3A, %while3A_20 : i32
      %while3A_22 = arith.addi %while3A_20, %while3A_21 : i32
      %while3A_23 = arith.constant 1 : i32
      %while3A_24 = arith.divsi %while3A_21, %while3A_23 : i32
      %while3A_25 = arith.muli %while3A_24, %while3A_23 : i32
      %while3A_26 = arith.addi %while3A_20, %while3A_25 : i32
      %while3A_27 = arith.constant 1 : i32
      scf.for %while3A_29 = %while3A_20 to %while3A_26 step %while3A_27  : i32 {
        %mul3A = arith.constant 8 : i32
        %mul3A_30 = arith.muli %arg1, %mul3A : i32
        %add3A = arith.addi %mul3A_30, %while3A_29 : i32
        %mul3A_31 = arith.constant 80 : i32
        %mul3A_32 = arith.muli %add3A, %mul3A_31 : i32
        "tpu.region"() ({
          %run_scoped3A = tpu.sem_alloc : memref<!tpu.dma_semaphore, #tpu.memory_space<semaphore_mem>>
          %dma_start3A_37 = tpu.memref_slice %arg3[%mul3A_32] : memref<10240xi32, #tpu.memory_space<hbm>> -> memref<80xi32, #tpu.memory_space<hbm>>
          %dma_start3A_38 = tpu.memref_slice %arg3[%mul3A_32] : memref<10240xi32, #tpu.memory_space<hbm>> -> memref<80xi32, #tpu.memory_space<hbm>>
          tpu.enqueue_dma source(%dma_start3A_38 : memref<80xi32, #tpu.memory_space<hbm>>) target(%arg6 : memref<80xi32, #tpu.memory_space<vmem>>) target_semaphore(%run_scoped3A : memref<!tpu.dma_semaphore, #tpu.memory_space<semaphore_mem>>)
          %dma_wait3A_39 = tpu.memref_slice %arg3[%mul3A_32] : memref<10240xi32, #tpu.memory_space<hbm>> -> memref<80xi32, #tpu.memory_space<hbm>>
          %dma_wait3A_40 = tpu.memref_slice %arg3[%mul3A_32] : memref<10240xi32, #tpu.memory_space<hbm>> -> memref<80xi32, #tpu.memory_space<hbm>>
          tpu.wait_dma2 semaphore(%run_scoped3A : memref<!tpu.dma_semaphore, #tpu.memory_space<semaphore_mem>>) src(%dma_wait3A_40 : memref<80xi32, #tpu.memory_space<hbm>>) dst(%arg6 : memref<80xi32, #tpu.memory_space<vmem>>)
          tpu.yield
        }) : () -> ()
        %dma_start3A = arith.constant 0 : i32
        %dma_start3A_33 = arith.constant 0 : i32
        %dma_start3A_34 = tpu.memref_slice %arg8[%dma_start3A, %dma_start3A_33] : memref<10008x16xf32, #tpu.memory_space<vmem_shared>> -> memref<10008x16xf32, #tpu.memory_space<vmem_shared>>
        tpu.enqueue_indirect_dma source(%dma_start3A_34 : memref<10008x16xf32, #tpu.memory_space<vmem_shared>>) target(%arg7 : memref<80x16xf32, #tpu.memory_space<vmem>>) offsets(%arg6 : memref<80xi32, #tpu.memory_space<vmem>>) semaphore(%arg9 : memref<!tpu.dma_semaphore, #tpu.memory_space<semaphore_mem>>)
        %dma_wait3A = arith.constant 0 : i32
        %dma_wait3A_35 = arith.constant 0 : i32
        %dma_wait3A_36 = tpu.memref_slice %arg8[%dma_wait3A, %dma_wait3A_35] : memref<10008x16xf32, #tpu.memory_space<vmem_shared>> -> memref<10008x16xf32, #tpu.memory_space<vmem_shared>>
        tpu.wait_indirect_dma semaphore(%arg9 : memref<!tpu.dma_semaphore, #tpu.memory_space<semaphore_mem>>) src(%dma_wait3A_36 : memref<10008x16xf32, #tpu.memory_space<vmem_shared>>) dst(%arg7 : memref<80x16xf32, #tpu.memory_space<vmem>>)
        "tpu.region"() ({
          %run_scoped3A = tpu.sem_alloc : memref<!tpu.dma_semaphore, #tpu.memory_space<semaphore_mem>>
          %dma_start3A_37 = arith.constant 0 : i32
          %dma_start3A_38 = tpu.memref_slice %arg4[%mul3A_32, %dma_start3A_37] : memref<10000x16xf32, #tpu.memory_space<hbm>> -> memref<80x16xf32, #tpu.memory_space<hbm>>
          %dma_start3A_39 = arith.constant 0 : i32
          %dma_start3A_40 = tpu.memref_slice %arg4[%mul3A_32, %dma_start3A_39] : memref<10000x16xf32, #tpu.memory_space<hbm>> -> memref<80x16xf32, #tpu.memory_space<hbm>>
          tpu.enqueue_dma source(%arg7 : memref<80x16xf32, #tpu.memory_space<vmem>>) target(%dma_start3A_40 : memref<80x16xf32, #tpu.memory_space<hbm>>) target_semaphore(%run_scoped3A : memref<!tpu.dma_semaphore, #tpu.memory_space<semaphore_mem>>)
          %dma_wait3A_41 = arith.constant 0 : i32
          %dma_wait3A_42 = tpu.memref_slice %arg4[%mul3A_32, %dma_wait3A_41] : memref<10000x16xf32, #tpu.memory_space<hbm>> -> memref<80x16xf32, #tpu.memory_space<hbm>>
          %dma_wait3A_43 = arith.constant 0 : i32
          %dma_wait3A_44 = tpu.memref_slice %arg4[%mul3A_32, %dma_wait3A_43] : memref<10000x16xf32, #tpu.memory_space<hbm>> -> memref<80x16xf32, #tpu.memory_space<hbm>>
          tpu.wait_dma2 semaphore(%run_scoped3A : memref<!tpu.dma_semaphore, #tpu.memory_space<semaphore_mem>>) src(%arg7 : memref<80x16xf32, #tpu.memory_space<vmem>>) dst(%dma_wait3A_44 : memref<80x16xf32, #tpu.memory_space<hbm>>)
          tpu.yield
        }) : () -> ()
      }
      %while3A_28 = arith.constant 1 : i32
      scf.for %while3A_29 = %while3A_26 to %while3A_22 step %while3A_28  : i32 {
        %mul3A = arith.constant 8 : i32
        %mul3A_30 = arith.muli %arg1, %mul3A : i32
        %add3A = arith.addi %mul3A_30, %while3A_29 : i32
        %mul3A_31 = arith.constant 80 : i32
        %mul3A_32 = arith.muli %add3A, %mul3A_31 : i32
        "tpu.region"() ({
          %run_scoped3A = tpu.sem_alloc : memref<!tpu.dma_semaphore, #tpu.memory_space<semaphore_mem>>
          %dma_start3A_37 = tpu.memref_slice %arg3[%mul3A_32] : memref<10240xi32, #tpu.memory_space<hbm>> -> memref<80xi32, #tpu.memory_space<hbm>>
          %dma_start3A_38 = tpu.memref_slice %arg3[%mul3A_32] : memref<10240xi32, #tpu.memory_space<hbm>> -> memref<80xi32, #tpu.memory_space<hbm>>
          tpu.enqueue_dma source(%dma_start3A_38 : memref<80xi32, #tpu.memory_space<hbm>>) target(%arg6 : memref<80xi32, #tpu.memory_space<vmem>>) target_semaphore(%run_scoped3A : memref<!tpu.dma_semaphore, #tpu.memory_space<semaphore_mem>>)
          %dma_wait3A_39 = tpu.memref_slice %arg3[%mul3A_32] : memref<10240xi32, #tpu.memory_space<hbm>> -> memref<80xi32, #tpu.memory_space<hbm>>
          %dma_wait3A_40 = tpu.memref_slice %arg3[%mul3A_32] : memref<10240xi32, #tpu.memory_space<hbm>> -> memref<80xi32, #tpu.memory_space<hbm>>
          tpu.wait_dma2 semaphore(%run_scoped3A : memref<!tpu.dma_semaphore, #tpu.memory_space<semaphore_mem>>) src(%dma_wait3A_40 : memref<80xi32, #tpu.memory_space<hbm>>) dst(%arg6 : memref<80xi32, #tpu.memory_space<vmem>>)
          tpu.yield
        }) : () -> ()
        %dma_start3A = arith.constant 0 : i32
        %dma_start3A_33 = arith.constant 0 : i32
        %dma_start3A_34 = tpu.memref_slice %arg8[%dma_start3A, %dma_start3A_33] : memref<10008x16xf32, #tpu.memory_space<vmem_shared>> -> memref<10008x16xf32, #tpu.memory_space<vmem_shared>>
        tpu.enqueue_indirect_dma source(%dma_start3A_34 : memref<10008x16xf32, #tpu.memory_space<vmem_shared>>) target(%arg7 : memref<80x16xf32, #tpu.memory_space<vmem>>) offsets(%arg6 : memref<80xi32, #tpu.memory_space<vmem>>) semaphore(%arg9 : memref<!tpu.dma_semaphore, #tpu.memory_space<semaphore_mem>>)
        %dma_wait3A = arith.constant 0 : i32
        %dma_wait3A_35 = arith.constant 0 : i32
        %dma_wait3A_36 = tpu.memref_slice %arg8[%dma_wait3A, %dma_wait3A_35] : memref<10008x16xf32, #tpu.memory_space<vmem_shared>> -> memref<10008x16xf32, #tpu.memory_space<vmem_shared>>
        tpu.wait_indirect_dma semaphore(%arg9 : memref<!tpu.dma_semaphore, #tpu.memory_space<semaphore_mem>>) src(%dma_wait3A_36 : memref<10008x16xf32, #tpu.memory_space<vmem_shared>>) dst(%arg7 : memref<80x16xf32, #tpu.memory_space<vmem>>)
        "tpu.region"() ({
          %run_scoped3A = tpu.sem_alloc : memref<!tpu.dma_semaphore, #tpu.memory_space<semaphore_mem>>
          %dma_start3A_37 = arith.constant 0 : i32
          %dma_start3A_38 = tpu.memref_slice %arg4[%mul3A_32, %dma_start3A_37] : memref<10000x16xf32, #tpu.memory_space<hbm>> -> memref<80x16xf32, #tpu.memory_space<hbm>>
          %dma_start3A_39 = arith.constant 0 : i32
          %dma_start3A_40 = tpu.memref_slice %arg4[%mul3A_32, %dma_start3A_39] : memref<10000x16xf32, #tpu.memory_space<hbm>> -> memref<80x16xf32, #tpu.memory_space<hbm>>
          tpu.enqueue_dma source(%arg7 : memref<80x16xf32, #tpu.memory_space<vmem>>) target(%dma_start3A_40 : memref<80x16xf32, #tpu.memory_space<hbm>>) target_semaphore(%run_scoped3A : memref<!tpu.dma_semaphore, #tpu.memory_space<semaphore_mem>>)
          %dma_wait3A_41 = arith.constant 0 : i32
          %dma_wait3A_42 = tpu.memref_slice %arg4[%mul3A_32, %dma_wait3A_41] : memref<10000x16xf32, #tpu.memory_space<hbm>> -> memref<80x16xf32, #tpu.memory_space<hbm>>
          %dma_wait3A_43 = arith.constant 0 : i32
          %dma_wait3A_44 = tpu.memref_slice %arg4[%mul3A_32, %dma_wait3A_43] : memref<10000x16xf32, #tpu.memory_space<hbm>> -> memref<80x16xf32, #tpu.memory_space<hbm>>
          tpu.wait_dma2 semaphore(%run_scoped3A : memref<!tpu.dma_semaphore, #tpu.memory_space<semaphore_mem>>) src(%arg7 : memref<80x16xf32, #tpu.memory_space<vmem>>) dst(%dma_wait3A_44 : memref<80x16xf32, #tpu.memory_space<hbm>>)
          tpu.yield
        }) : () -> ()
      }
    } else {
    }
    return
  }
}

#map = affine_map<(d0, d1) -> (0, 0)>
#map1 = affine_map<(d0, d1) -> (0)>
module attributes {stable_mosaic.version = 14 : i64} {
  func.func @_agg(%arg0: i32, %arg1: i32, %arg2: memref<20000x128xf32, #tpu.memory_space<hbm>>, %arg3: memref<655360xi32, #tpu.memory_space<hbm>>, %arg4: memref<327680xi32, #tpu.memory_space<hbm>>, %arg5: memref<10240xi32, #tpu.memory_space<hbm>>, %arg6: memref<20000x128xf32, #tpu.memory_space<hbm>>, %arg7: memref<10008x128xf32, #tpu.memory_space<vmem_shared>>, %arg8: memref<128xi32, #tpu.memory_space<vmem>>, %arg9: memref<128xi32, #tpu.memory_space<vmem>>, %arg10: memref<128xi32, #tpu.memory_space<vmem>>, %arg11: memref<128xi32, #tpu.memory_space<vmem>>, %arg12: memref<80xi32, #tpu.memory_space<vmem>>, %arg13: memref<128x128xf32, #tpu.memory_space<vmem>>, %arg14: memref<128x128xf32, #tpu.memory_space<vmem>>, %arg15: memref<!tpu.dma_semaphore, #tpu.memory_space<semaphore_mem>>, %arg16: memref<!tpu.dma_semaphore, #tpu.memory_space<semaphore_mem>>, %arg17: memref<!tpu.dma_semaphore, #tpu.memory_space<semaphore_mem>>) attributes {dimension_semantics = [#tpu.dimension_semantics<core_parallel>, #tpu.dimension_semantics<subcore_parallel>], iteration_bounds = array<i64: 2, 16>, scalar_prefetch = 0 : i64, scratch_operands = 11 : i64, tpu.core_type = #tpu.core_type<sc_vector_subcore>, window_params = [{transform_indices = #map}, {transform_indices = #map1}, {transform_indices = #map1}, {transform_indices = #map1}, {transform_indices = #map}]} {
    %scan3A = arith.constant 0 : i32
    %scan3A_0 = arith.constant 0 : i32
    %scan3A_1 = arith.constant 8 : i32
    %scan3A_2 = arith.addi %scan3A_0, %scan3A_1 : i32
    %scan3A_3 = arith.constant 1 : i32
    scf.for %scan3A_50 = %scan3A_0 to %scan3A_2 step %scan3A_3  : i32 {
      %mul3A_51 = arith.constant 8 : i32
      %mul3A_52 = arith.muli %arg1, %mul3A_51 : i32
      %add3A_53 = arith.addi %mul3A_52, %scan3A_50 : i32
      %lt3A_54 = arith.constant 125 : i32
      %lt3A_55 = arith.cmpi slt, %add3A_53, %lt3A_54 : i32
      %mul3A_56 = arith.constant 80 : i32
      %mul3A_57 = arith.muli %add3A_53, %mul3A_56 : i32
      %jit3A_58 = arith.constant 0 : i32
      %select_n3A_59 = arith.select %lt3A_55, %mul3A_57, %jit3A_58 : i32
      %mul3A_60 = arith.constant 80 : i32
      %mul3A_61 = arith.muli %add3A_53, %mul3A_60 : i32
      "tpu.region"() ({
        %run_scoped3A = tpu.sem_alloc : memref<!tpu.dma_semaphore, #tpu.memory_space<semaphore_mem>>
        %dma_start3A_65 = tpu.memref_slice %arg5[%mul3A_61] : memref<10240xi32, #tpu.memory_space<hbm>> -> memref<80xi32, #tpu.memory_space<hbm>>
        %dma_start3A_66 = tpu.memref_slice %arg5[%mul3A_61] : memref<10240xi32, #tpu.memory_space<hbm>> -> memref<80xi32, #tpu.memory_space<hbm>>
        tpu.enqueue_dma source(%dma_start3A_66 : memref<80xi32, #tpu.memory_space<hbm>>) target(%arg12 : memref<80xi32, #tpu.memory_space<vmem>>) target_semaphore(%run_scoped3A : memref<!tpu.dma_semaphore, #tpu.memory_space<semaphore_mem>>)
        %dma_wait3A_67 = tpu.memref_slice %arg5[%mul3A_61] : memref<10240xi32, #tpu.memory_space<hbm>> -> memref<80xi32, #tpu.memory_space<hbm>>
        %dma_wait3A_68 = tpu.memref_slice %arg5[%mul3A_61] : memref<10240xi32, #tpu.memory_space<hbm>> -> memref<80xi32, #tpu.memory_space<hbm>>
        tpu.wait_dma2 semaphore(%run_scoped3A : memref<!tpu.dma_semaphore, #tpu.memory_space<semaphore_mem>>) src(%dma_wait3A_68 : memref<80xi32, #tpu.memory_space<hbm>>) dst(%arg12 : memref<80xi32, #tpu.memory_space<vmem>>)
        tpu.yield
      }) : () -> ()
      %mul3A_62 = arith.constant 10000 : i32
      %mul3A_63 = arith.muli %arg0, %mul3A_62 : i32
      %add3A_64 = arith.addi %mul3A_63, %select_n3A_59 : i32
      "tpu.region"() ({
        %run_scoped3A = tpu.sem_alloc : memref<!tpu.dma_semaphore, #tpu.memory_space<semaphore_mem>>
        %dma_start3A_65 = arith.constant 0 : i32
        %dma_start3A_66 = arith.constant 0 : i32
        %dma_start3A_67 = tpu.memref_slice %arg13[%dma_start3A_65, %dma_start3A_66] : memref<128x128xf32, #tpu.memory_space<vmem>> -> memref<80x128xf32, #tpu.memory_space<vmem>>
        %dma_start3A_68 = arith.constant 0 : i32
        %dma_start3A_69 = tpu.memref_slice %arg2[%add3A_64, %dma_start3A_68] : memref<20000x128xf32, #tpu.memory_space<hbm>> -> memref<80x128xf32, #tpu.memory_space<hbm>>
        %dma_start3A_70 = arith.constant 0 : i32
        %dma_start3A_71 = arith.constant 0 : i32
        %dma_start3A_72 = tpu.memref_slice %arg13[%dma_start3A_70, %dma_start3A_71] : memref<128x128xf32, #tpu.memory_space<vmem>> -> memref<80x128xf32, #tpu.memory_space<vmem>>
        %dma_start3A_73 = arith.constant 0 : i32
        %dma_start3A_74 = tpu.memref_slice %arg2[%add3A_64, %dma_start3A_73] : memref<20000x128xf32, #tpu.memory_space<hbm>> -> memref<80x128xf32, #tpu.memory_space<hbm>>
        tpu.enqueue_dma source(%dma_start3A_74 : memref<80x128xf32, #tpu.memory_space<hbm>>) target(%dma_start3A_72 : memref<80x128xf32, #tpu.memory_space<vmem>>) target_semaphore(%run_scoped3A : memref<!tpu.dma_semaphore, #tpu.memory_space<semaphore_mem>>)
        %dma_wait3A_75 = arith.constant 0 : i32
        %dma_wait3A_76 = arith.constant 0 : i32
        %dma_wait3A_77 = tpu.memref_slice %arg13[%dma_wait3A_75, %dma_wait3A_76] : memref<128x128xf32, #tpu.memory_space<vmem>> -> memref<80x128xf32, #tpu.memory_space<vmem>>
        %dma_wait3A_78 = arith.constant 0 : i32
        %dma_wait3A_79 = tpu.memref_slice %arg2[%add3A_64, %dma_wait3A_78] : memref<20000x128xf32, #tpu.memory_space<hbm>> -> memref<80x128xf32, #tpu.memory_space<hbm>>
        %dma_wait3A_80 = arith.constant 0 : i32
        %dma_wait3A_81 = arith.constant 0 : i32
        %dma_wait3A_82 = tpu.memref_slice %arg13[%dma_wait3A_80, %dma_wait3A_81] : memref<128x128xf32, #tpu.memory_space<vmem>> -> memref<80x128xf32, #tpu.memory_space<vmem>>
        %dma_wait3A_83 = arith.constant 0 : i32
        %dma_wait3A_84 = tpu.memref_slice %arg2[%add3A_64, %dma_wait3A_83] : memref<20000x128xf32, #tpu.memory_space<hbm>> -> memref<80x128xf32, #tpu.memory_space<hbm>>
        tpu.wait_dma2 semaphore(%run_scoped3A : memref<!tpu.dma_semaphore, #tpu.memory_space<semaphore_mem>>) src(%dma_wait3A_84 : memref<80x128xf32, #tpu.memory_space<hbm>>) dst(%dma_wait3A_82 : memref<80x128xf32, #tpu.memory_space<vmem>>)
        tpu.yield
      }) : () -> ()
      "tpu.region"() ({
        %run_scoped3A = tpu.sem_alloc : memref<!tpu.dma_semaphore, #tpu.memory_space<semaphore_mem>>
        %dma_start3A_65 = arith.constant 0 : i32
        %dma_start3A_66 = arith.constant 0 : i32
        %dma_start3A_67 = tpu.memref_slice %arg13[%dma_start3A_65, %dma_start3A_66] : memref<128x128xf32, #tpu.memory_space<vmem>> -> memref<80x128xf32, #tpu.memory_space<vmem>>
        %dma_start3A_68 = arith.constant 0 : i32
        %dma_start3A_69 = arith.constant 0 : i32
        %dma_start3A_70 = tpu.memref_slice %arg7[%dma_start3A_68, %dma_start3A_69] : memref<10008x128xf32, #tpu.memory_space<vmem_shared>> -> memref<10008x128xf32, #tpu.memory_space<vmem_shared>>
        tpu.enqueue_indirect_dma source(%dma_start3A_67 : memref<80x128xf32, #tpu.memory_space<vmem>>) target(%dma_start3A_70 : memref<10008x128xf32, #tpu.memory_space<vmem_shared>>) offsets(%arg12 : memref<80xi32, #tpu.memory_space<vmem>>) semaphore(%run_scoped3A : memref<!tpu.dma_semaphore, #tpu.memory_space<semaphore_mem>>)
        %dma_wait3A_71 = arith.constant 0 : i32
        %dma_wait3A_72 = arith.constant 0 : i32
        %dma_wait3A_73 = tpu.memref_slice %arg13[%dma_wait3A_71, %dma_wait3A_72] : memref<128x128xf32, #tpu.memory_space<vmem>> -> memref<80x128xf32, #tpu.memory_space<vmem>>
        %dma_wait3A_74 = arith.constant 0 : i32
        %dma_wait3A_75 = arith.constant 0 : i32
        %dma_wait3A_76 = tpu.memref_slice %arg7[%dma_wait3A_74, %dma_wait3A_75] : memref<10008x128xf32, #tpu.memory_space<vmem_shared>> -> memref<10008x128xf32, #tpu.memory_space<vmem_shared>>
        tpu.wait_indirect_dma semaphore(%run_scoped3A : memref<!tpu.dma_semaphore, #tpu.memory_space<semaphore_mem>>) src(%dma_wait3A_73 : memref<80x128xf32, #tpu.memory_space<vmem>>) dst(%dma_wait3A_76 : memref<10008x128xf32, #tpu.memory_space<vmem_shared>>)
        tpu.yield
      }) : () -> ()
    }
    %scan3A_4 = arith.constant 8 : i32
    %barrier3A = arith.constant 0 : index
    tpu.barrier barrier_id(%barrier3A)
    %mul3A = arith.constant 16 : i32
    %mul3A_5 = arith.muli %arg0, %mul3A : i32
    %add3A = arith.addi %mul3A_5, %arg1 : i32
    %mul3A_6 = arith.constant 160 : i32
    %mul3A_7 = arith.muli %add3A, %mul3A_6 : i32
    %mul3A_8 = arith.constant 128 : i32
    %mul3A_9 = arith.muli %mul3A_7, %mul3A_8 : i32
    %mul3A_10 = arith.constant 160 : i32
    %mul3A_11 = arith.muli %arg1, %mul3A_10 : i32
    %mul3A_12 = arith.constant 128 : i32
    %mul3A_13 = arith.muli %mul3A_11, %mul3A_12 : i32
    %add3A_14 = arith.constant 0 : i32
    %add3A_15 = arith.addi %mul3A_9, %add3A_14 : i32
    "tpu.region"() ({
      %run_scoped3A = tpu.sem_alloc : memref<!tpu.dma_semaphore, #tpu.memory_space<semaphore_mem>>
      %dma_start3A_50 = tpu.memref_slice %arg3[%add3A_15] : memref<655360xi32, #tpu.memory_space<hbm>> -> memref<128xi32, #tpu.memory_space<hbm>>
      %dma_start3A_51 = tpu.memref_slice %arg3[%add3A_15] : memref<655360xi32, #tpu.memory_space<hbm>> -> memref<128xi32, #tpu.memory_space<hbm>>
      tpu.enqueue_dma source(%dma_start3A_51 : memref<128xi32, #tpu.memory_space<hbm>>) target(%arg8 : memref<128xi32, #tpu.memory_space<vmem>>) target_semaphore(%run_scoped3A : memref<!tpu.dma_semaphore, #tpu.memory_space<semaphore_mem>>)
      %dma_wait3A_52 = tpu.memref_slice %arg3[%add3A_15] : memref<655360xi32, #tpu.memory_space<hbm>> -> memref<128xi32, #tpu.memory_space<hbm>>
      %dma_wait3A_53 = tpu.memref_slice %arg3[%add3A_15] : memref<655360xi32, #tpu.memory_space<hbm>> -> memref<128xi32, #tpu.memory_space<hbm>>
      tpu.wait_dma2 semaphore(%run_scoped3A : memref<!tpu.dma_semaphore, #tpu.memory_space<semaphore_mem>>) src(%dma_wait3A_53 : memref<128xi32, #tpu.memory_space<hbm>>) dst(%arg8 : memref<128xi32, #tpu.memory_space<vmem>>)
      tpu.yield
    }) : () -> ()
    %add3A_16 = arith.constant 0 : i32
    %add3A_17 = arith.addi %mul3A_13, %add3A_16 : i32
    "tpu.region"() ({
      %run_scoped3A = tpu.sem_alloc : memref<!tpu.dma_semaphore, #tpu.memory_space<semaphore_mem>>
      %dma_start3A_50 = tpu.memref_slice %arg4[%add3A_17] : memref<327680xi32, #tpu.memory_space<hbm>> -> memref<128xi32, #tpu.memory_space<hbm>>
      %dma_start3A_51 = tpu.memref_slice %arg4[%add3A_17] : memref<327680xi32, #tpu.memory_space<hbm>> -> memref<128xi32, #tpu.memory_space<hbm>>
      tpu.enqueue_dma source(%dma_start3A_51 : memref<128xi32, #tpu.memory_space<hbm>>) target(%arg10 : memref<128xi32, #tpu.memory_space<vmem>>) target_semaphore(%run_scoped3A : memref<!tpu.dma_semaphore, #tpu.memory_space<semaphore_mem>>)
      %dma_wait3A_52 = tpu.memref_slice %arg4[%add3A_17] : memref<327680xi32, #tpu.memory_space<hbm>> -> memref<128xi32, #tpu.memory_space<hbm>>
      %dma_wait3A_53 = tpu.memref_slice %arg4[%add3A_17] : memref<327680xi32, #tpu.memory_space<hbm>> -> memref<128xi32, #tpu.memory_space<hbm>>
      tpu.wait_dma2 semaphore(%run_scoped3A : memref<!tpu.dma_semaphore, #tpu.memory_space<semaphore_mem>>) src(%dma_wait3A_53 : memref<128xi32, #tpu.memory_space<hbm>>) dst(%arg10 : memref<128xi32, #tpu.memory_space<vmem>>)
      tpu.yield
    }) : () -> ()
    %dma_start3A = arith.constant 0 : i32
    %dma_start3A_18 = arith.constant 0 : i32
    %dma_start3A_19 = tpu.memref_slice %arg2[%dma_start3A, %dma_start3A_18] : memref<20000x128xf32, #tpu.memory_space<hbm>> -> memref<20000x128xf32, #tpu.memory_space<hbm>>
    tpu.enqueue_indirect_dma source(%dma_start3A_19 : memref<20000x128xf32, #tpu.memory_space<hbm>>) target(%arg13 : memref<128x128xf32, #tpu.memory_space<vmem>>) offsets(%arg8 : memref<128xi32, #tpu.memory_space<vmem>>) semaphore(%arg16 : memref<!tpu.dma_semaphore, #tpu.memory_space<semaphore_mem>>)
    %add3A_20 = arith.constant 128 : i32
    %add3A_21 = arith.addi %mul3A_9, %add3A_20 : i32
    "tpu.region"() ({
      %run_scoped3A = tpu.sem_alloc : memref<!tpu.dma_semaphore, #tpu.memory_space<semaphore_mem>>
      %dma_start3A_50 = tpu.memref_slice %arg3[%add3A_21] : memref<655360xi32, #tpu.memory_space<hbm>> -> memref<128xi32, #tpu.memory_space<hbm>>
      %dma_start3A_51 = tpu.memref_slice %arg3[%add3A_21] : memref<655360xi32, #tpu.memory_space<hbm>> -> memref<128xi32, #tpu.memory_space<hbm>>
      tpu.enqueue_dma source(%dma_start3A_51 : memref<128xi32, #tpu.memory_space<hbm>>) target(%arg9 : memref<128xi32, #tpu.memory_space<vmem>>) target_semaphore(%run_scoped3A : memref<!tpu.dma_semaphore, #tpu.memory_space<semaphore_mem>>)
      %dma_wait3A_52 = tpu.memref_slice %arg3[%add3A_21] : memref<655360xi32, #tpu.memory_space<hbm>> -> memref<128xi32, #tpu.memory_space<hbm>>
      %dma_wait3A_53 = tpu.memref_slice %arg3[%add3A_21] : memref<655360xi32, #tpu.memory_space<hbm>> -> memref<128xi32, #tpu.memory_space<hbm>>
      tpu.wait_dma2 semaphore(%run_scoped3A : memref<!tpu.dma_semaphore, #tpu.memory_space<semaphore_mem>>) src(%dma_wait3A_53 : memref<128xi32, #tpu.memory_space<hbm>>) dst(%arg9 : memref<128xi32, #tpu.memory_space<vmem>>)
      tpu.yield
    }) : () -> ()
    %add3A_22 = arith.constant 128 : i32
    %add3A_23 = arith.addi %mul3A_13, %add3A_22 : i32
    "tpu.region"() ({
      %run_scoped3A = tpu.sem_alloc : memref<!tpu.dma_semaphore, #tpu.memory_space<semaphore_mem>>
      %dma_start3A_50 = tpu.memref_slice %arg4[%add3A_23] : memref<327680xi32, #tpu.memory_space<hbm>> -> memref<128xi32, #tpu.memory_space<hbm>>
      %dma_start3A_51 = tpu.memref_slice %arg4[%add3A_23] : memref<327680xi32, #tpu.memory_space<hbm>> -> memref<128xi32, #tpu.memory_space<hbm>>
      tpu.enqueue_dma source(%dma_start3A_51 : memref<128xi32, #tpu.memory_space<hbm>>) target(%arg11 : memref<128xi32, #tpu.memory_space<vmem>>) target_semaphore(%run_scoped3A : memref<!tpu.dma_semaphore, #tpu.memory_space<semaphore_mem>>)
      %dma_wait3A_52 = tpu.memref_slice %arg4[%add3A_23] : memref<327680xi32, #tpu.memory_space<hbm>> -> memref<128xi32, #tpu.memory_space<hbm>>
      %dma_wait3A_53 = tpu.memref_slice %arg4[%add3A_23] : memref<327680xi32, #tpu.memory_space<hbm>> -> memref<128xi32, #tpu.memory_space<hbm>>
      tpu.wait_dma2 semaphore(%run_scoped3A : memref<!tpu.dma_semaphore, #tpu.memory_space<semaphore_mem>>) src(%dma_wait3A_53 : memref<128xi32, #tpu.memory_space<hbm>>) dst(%arg11 : memref<128xi32, #tpu.memory_space<vmem>>)
      tpu.yield
    }) : () -> ()
    %dma_start3A_24 = arith.constant 0 : i32
    %dma_start3A_25 = arith.constant 0 : i32
    %dma_start3A_26 = tpu.memref_slice %arg2[%dma_start3A_24, %dma_start3A_25] : memref<20000x128xf32, #tpu.memory_space<hbm>> -> memref<20000x128xf32, #tpu.memory_space<hbm>>
    tpu.enqueue_indirect_dma source(%dma_start3A_26 : memref<20000x128xf32, #tpu.memory_space<hbm>>) target(%arg14 : memref<128x128xf32, #tpu.memory_space<vmem>>) offsets(%arg9 : memref<128xi32, #tpu.memory_space<vmem>>) semaphore(%arg17 : memref<!tpu.dma_semaphore, #tpu.memory_space<semaphore_mem>>)
    %scan3A_27 = arith.constant 0 : i32
    %scan3A_28 = arith.constant 0 : i32
    %scan3A_29 = arith.constant 80 : i32
    %scan3A_30 = arith.addi %scan3A_28, %scan3A_29 : i32
    %scan3A_31 = arith.constant 1 : i32
    scf.for %scan3A_50 = %scan3A_28 to %scan3A_30 step %scan3A_31  : i32 {
      %mul3A_51 = arith.constant 2 : i32
      %mul3A_52 = arith.muli %mul3A_51, %scan3A_50 : i32
      %add3A_53 = arith.constant 0 : i32
      %add3A_54 = arith.addi %mul3A_52, %add3A_53 : i32
      %dma_wait3A_55 = arith.constant 0 : i32
      %dma_wait3A_56 = arith.constant 0 : i32
      %dma_wait3A_57 = tpu.memref_slice %arg2[%dma_wait3A_55, %dma_wait3A_56] : memref<20000x128xf32, #tpu.memory_space<hbm>> -> memref<20000x128xf32, #tpu.memory_space<hbm>>
      tpu.wait_indirect_dma semaphore(%arg16 : memref<!tpu.dma_semaphore, #tpu.memory_space<semaphore_mem>>) src(%dma_wait3A_57 : memref<20000x128xf32, #tpu.memory_space<hbm>>) dst(%arg13 : memref<128x128xf32, #tpu.memory_space<vmem>>)
      "tpu.region"() ({
        %run_scoped3A = tpu.sem_alloc : memref<!tpu.dma_semaphore, #tpu.memory_space<semaphore_mem>>
        %dma_start3A_99 = arith.constant 0 : i32
        %dma_start3A_100 = arith.constant 0 : i32
        %dma_start3A_101 = tpu.memref_slice %arg7[%dma_start3A_99, %dma_start3A_100] : memref<10008x128xf32, #tpu.memory_space<vmem_shared>> -> memref<10008x128xf32, #tpu.memory_space<vmem_shared>>
        tpu.enqueue_indirect_dma source(%arg13 : memref<128x128xf32, #tpu.memory_space<vmem>>) target(%dma_start3A_101 : memref<10008x128xf32, #tpu.memory_space<vmem_shared>>) offsets(%arg10 : memref<128xi32, #tpu.memory_space<vmem>>) semaphore(%run_scoped3A : memref<!tpu.dma_semaphore, #tpu.memory_space<semaphore_mem>>) {add = true}
        %dma_wait3A_102 = arith.constant 0 : i32
        %dma_wait3A_103 = arith.constant 0 : i32
        %dma_wait3A_104 = tpu.memref_slice %arg7[%dma_wait3A_102, %dma_wait3A_103] : memref<10008x128xf32, #tpu.memory_space<vmem_shared>> -> memref<10008x128xf32, #tpu.memory_space<vmem_shared>>
        tpu.wait_indirect_dma semaphore(%run_scoped3A : memref<!tpu.dma_semaphore, #tpu.memory_space<semaphore_mem>>) src(%arg13 : memref<128x128xf32, #tpu.memory_space<vmem>>) dst(%dma_wait3A_104 : memref<10008x128xf32, #tpu.memory_space<vmem_shared>>)
        tpu.yield
      }) : () -> ()
      %add3A_58 = arith.constant 2 : i32
      %add3A_59 = arith.addi %add3A_54, %add3A_58 : i32
      %lt3A_60 = arith.constant 160 : i32
      %lt3A_61 = arith.cmpi slt, %add3A_59, %lt3A_60 : i32
      %add3A_62 = arith.constant 2 : i32
      %add3A_63 = arith.addi %add3A_54, %add3A_62 : i32
      %jit3A_64 = arith.constant 0 : i32
      %select_n3A_65 = arith.select %lt3A_61, %add3A_63, %jit3A_64 : i32
      %mul3A_66 = arith.constant 128 : i32
      %mul3A_67 = arith.muli %select_n3A_65, %mul3A_66 : i32
      %add3A_68 = arith.addi %mul3A_9, %mul3A_67 : i32
      "tpu.region"() ({
        %run_scoped3A = tpu.sem_alloc : memref<!tpu.dma_semaphore, #tpu.memory_space<semaphore_mem>>
        %dma_start3A_99 = tpu.memref_slice %arg3[%add3A_68] : memref<655360xi32, #tpu.memory_space<hbm>> -> memref<128xi32, #tpu.memory_space<hbm>>
        %dma_start3A_100 = tpu.memref_slice %arg3[%add3A_68] : memref<655360xi32, #tpu.memory_space<hbm>> -> memref<128xi32, #tpu.memory_space<hbm>>
        tpu.enqueue_dma source(%dma_start3A_100 : memref<128xi32, #tpu.memory_space<hbm>>) target(%arg8 : memref<128xi32, #tpu.memory_space<vmem>>) target_semaphore(%run_scoped3A : memref<!tpu.dma_semaphore, #tpu.memory_space<semaphore_mem>>)
        %dma_wait3A_101 = tpu.memref_slice %arg3[%add3A_68] : memref<655360xi32, #tpu.memory_space<hbm>> -> memref<128xi32, #tpu.memory_space<hbm>>
        %dma_wait3A_102 = tpu.memref_slice %arg3[%add3A_68] : memref<655360xi32, #tpu.memory_space<hbm>> -> memref<128xi32, #tpu.memory_space<hbm>>
        tpu.wait_dma2 semaphore(%run_scoped3A : memref<!tpu.dma_semaphore, #tpu.memory_space<semaphore_mem>>) src(%dma_wait3A_102 : memref<128xi32, #tpu.memory_space<hbm>>) dst(%arg8 : memref<128xi32, #tpu.memory_space<vmem>>)
        tpu.yield
      }) : () -> ()
      %mul3A_69 = arith.constant 128 : i32
      %mul3A_70 = arith.muli %select_n3A_65, %mul3A_69 : i32
      %add3A_71 = arith.addi %mul3A_13, %mul3A_70 : i32
      "tpu.region"() ({
        %run_scoped3A = tpu.sem_alloc : memref<!tpu.dma_semaphore, #tpu.memory_space<semaphore_mem>>
        %dma_start3A_99 = tpu.memref_slice %arg4[%add3A_71] : memref<327680xi32, #tpu.memory_space<hbm>> -> memref<128xi32, #tpu.memory_space<hbm>>
        %dma_start3A_100 = tpu.memref_slice %arg4[%add3A_71] : memref<327680xi32, #tpu.memory_space<hbm>> -> memref<128xi32, #tpu.memory_space<hbm>>
        tpu.enqueue_dma source(%dma_start3A_100 : memref<128xi32, #tpu.memory_space<hbm>>) target(%arg10 : memref<128xi32, #tpu.memory_space<vmem>>) target_semaphore(%run_scoped3A : memref<!tpu.dma_semaphore, #tpu.memory_space<semaphore_mem>>)
        %dma_wait3A_101 = tpu.memref_slice %arg4[%add3A_71] : memref<327680xi32, #tpu.memory_space<hbm>> -> memref<128xi32, #tpu.memory_space<hbm>>
        %dma_wait3A_102 = tpu.memref_slice %arg4[%add3A_71] : memref<327680xi32, #tpu.memory_space<hbm>> -> memref<128xi32, #tpu.memory_space<hbm>>
        tpu.wait_dma2 semaphore(%run_scoped3A : memref<!tpu.dma_semaphore, #tpu.memory_space<semaphore_mem>>) src(%dma_wait3A_102 : memref<128xi32, #tpu.memory_space<hbm>>) dst(%arg10 : memref<128xi32, #tpu.memory_space<vmem>>)
        tpu.yield
      }) : () -> ()
      %dma_start3A_72 = arith.constant 0 : i32
      %dma_start3A_73 = arith.constant 0 : i32
      %dma_start3A_74 = tpu.memref_slice %arg2[%dma_start3A_72, %dma_start3A_73] : memref<20000x128xf32, #tpu.memory_space<hbm>> -> memref<20000x128xf32, #tpu.memory_space<hbm>>
      tpu.enqueue_indirect_dma source(%dma_start3A_74 : memref<20000x128xf32, #tpu.memory_space<hbm>>) target(%arg13 : memref<128x128xf32, #tpu.memory_space<vmem>>) offsets(%arg8 : memref<128xi32, #tpu.memory_space<vmem>>) semaphore(%arg16 : memref<!tpu.dma_semaphore, #tpu.memory_space<semaphore_mem>>)
      %mul3A_75 = arith.constant 2 : i32
      %mul3A_76 = arith.muli %mul3A_75, %scan3A_50 : i32
      %add3A_77 = arith.constant 1 : i32
      %add3A_78 = arith.addi %mul3A_76, %add3A_77 : i32
      %dma_wait3A_79 = arith.constant 0 : i32
      %dma_wait3A_80 = arith.constant 0 : i32
      %dma_wait3A_81 = tpu.memref_slice %arg2[%dma_wait3A_79, %dma_wait3A_80] : memref<20000x128xf32, #tpu.memory_space<hbm>> -> memref<20000x128xf32, #tpu.memory_space<hbm>>
      tpu.wait_indirect_dma semaphore(%arg17 : memref<!tpu.dma_semaphore, #tpu.memory_space<semaphore_mem>>) src(%dma_wait3A_81 : memref<20000x128xf32, #tpu.memory_space<hbm>>) dst(%arg14 : memref<128x128xf32, #tpu.memory_space<vmem>>)
      "tpu.region"() ({
        %run_scoped3A = tpu.sem_alloc : memref<!tpu.dma_semaphore, #tpu.memory_space<semaphore_mem>>
        %dma_start3A_99 = arith.constant 0 : i32
        %dma_start3A_100 = arith.constant 0 : i32
        %dma_start3A_101 = tpu.memref_slice %arg7[%dma_start3A_99, %dma_start3A_100] : memref<10008x128xf32, #tpu.memory_space<vmem_shared>> -> memref<10008x128xf32, #tpu.memory_space<vmem_shared>>
        tpu.enqueue_indirect_dma source(%arg14 : memref<128x128xf32, #tpu.memory_space<vmem>>) target(%dma_start3A_101 : memref<10008x128xf32, #tpu.memory_space<vmem_shared>>) offsets(%arg11 : memref<128xi32, #tpu.memory_space<vmem>>) semaphore(%run_scoped3A : memref<!tpu.dma_semaphore, #tpu.memory_space<semaphore_mem>>) {add = true}
        %dma_wait3A_102 = arith.constant 0 : i32
        %dma_wait3A_103 = arith.constant 0 : i32
        %dma_wait3A_104 = tpu.memref_slice %arg7[%dma_wait3A_102, %dma_wait3A_103] : memref<10008x128xf32, #tpu.memory_space<vmem_shared>> -> memref<10008x128xf32, #tpu.memory_space<vmem_shared>>
        tpu.wait_indirect_dma semaphore(%run_scoped3A : memref<!tpu.dma_semaphore, #tpu.memory_space<semaphore_mem>>) src(%arg14 : memref<128x128xf32, #tpu.memory_space<vmem>>) dst(%dma_wait3A_104 : memref<10008x128xf32, #tpu.memory_space<vmem_shared>>)
        tpu.yield
      }) : () -> ()
      %add3A_82 = arith.constant 2 : i32
      %add3A_83 = arith.addi %add3A_78, %add3A_82 : i32
      %lt3A_84 = arith.constant 160 : i32
      %lt3A_85 = arith.cmpi slt, %add3A_83, %lt3A_84 : i32
      %add3A_86 = arith.constant 2 : i32
      %add3A_87 = arith.addi %add3A_78, %add3A_86 : i32
      %jit3A_88 = arith.constant 0 : i32
      %select_n3A_89 = arith.select %lt3A_85, %add3A_87, %jit3A_88 : i32
      %mul3A_90 = arith.constant 128 : i32
      %mul3A_91 = arith.muli %select_n3A_89, %mul3A_90 : i32
      %add3A_92 = arith.addi %mul3A_9, %mul3A_91 : i32
      "tpu.region"() ({
        %run_scoped3A = tpu.sem_alloc : memref<!tpu.dma_semaphore, #tpu.memory_space<semaphore_mem>>
        %dma_start3A_99 = tpu.memref_slice %arg3[%add3A_92] : memref<655360xi32, #tpu.memory_space<hbm>> -> memref<128xi32, #tpu.memory_space<hbm>>
        %dma_start3A_100 = tpu.memref_slice %arg3[%add3A_92] : memref<655360xi32, #tpu.memory_space<hbm>> -> memref<128xi32, #tpu.memory_space<hbm>>
        tpu.enqueue_dma source(%dma_start3A_100 : memref<128xi32, #tpu.memory_space<hbm>>) target(%arg9 : memref<128xi32, #tpu.memory_space<vmem>>) target_semaphore(%run_scoped3A : memref<!tpu.dma_semaphore, #tpu.memory_space<semaphore_mem>>)
        %dma_wait3A_101 = tpu.memref_slice %arg3[%add3A_92] : memref<655360xi32, #tpu.memory_space<hbm>> -> memref<128xi32, #tpu.memory_space<hbm>>
        %dma_wait3A_102 = tpu.memref_slice %arg3[%add3A_92] : memref<655360xi32, #tpu.memory_space<hbm>> -> memref<128xi32, #tpu.memory_space<hbm>>
        tpu.wait_dma2 semaphore(%run_scoped3A : memref<!tpu.dma_semaphore, #tpu.memory_space<semaphore_mem>>) src(%dma_wait3A_102 : memref<128xi32, #tpu.memory_space<hbm>>) dst(%arg9 : memref<128xi32, #tpu.memory_space<vmem>>)
        tpu.yield
      }) : () -> ()
      %mul3A_93 = arith.constant 128 : i32
      %mul3A_94 = arith.muli %select_n3A_89, %mul3A_93 : i32
      %add3A_95 = arith.addi %mul3A_13, %mul3A_94 : i32
      "tpu.region"() ({
        %run_scoped3A = tpu.sem_alloc : memref<!tpu.dma_semaphore, #tpu.memory_space<semaphore_mem>>
        %dma_start3A_99 = tpu.memref_slice %arg4[%add3A_95] : memref<327680xi32, #tpu.memory_space<hbm>> -> memref<128xi32, #tpu.memory_space<hbm>>
        %dma_start3A_100 = tpu.memref_slice %arg4[%add3A_95] : memref<327680xi32, #tpu.memory_space<hbm>> -> memref<128xi32, #tpu.memory_space<hbm>>
        tpu.enqueue_dma source(%dma_start3A_100 : memref<128xi32, #tpu.memory_space<hbm>>) target(%arg11 : memref<128xi32, #tpu.memory_space<vmem>>) target_semaphore(%run_scoped3A : memref<!tpu.dma_semaphore, #tpu.memory_space<semaphore_mem>>)
        %dma_wait3A_101 = tpu.memref_slice %arg4[%add3A_95] : memref<327680xi32, #tpu.memory_space<hbm>> -> memref<128xi32, #tpu.memory_space<hbm>>
        %dma_wait3A_102 = tpu.memref_slice %arg4[%add3A_95] : memref<327680xi32, #tpu.memory_space<hbm>> -> memref<128xi32, #tpu.memory_space<hbm>>
        tpu.wait_dma2 semaphore(%run_scoped3A : memref<!tpu.dma_semaphore, #tpu.memory_space<semaphore_mem>>) src(%dma_wait3A_102 : memref<128xi32, #tpu.memory_space<hbm>>) dst(%arg11 : memref<128xi32, #tpu.memory_space<vmem>>)
        tpu.yield
      }) : () -> ()
      %dma_start3A_96 = arith.constant 0 : i32
      %dma_start3A_97 = arith.constant 0 : i32
      %dma_start3A_98 = tpu.memref_slice %arg2[%dma_start3A_96, %dma_start3A_97] : memref<20000x128xf32, #tpu.memory_space<hbm>> -> memref<20000x128xf32, #tpu.memory_space<hbm>>
      tpu.enqueue_indirect_dma source(%dma_start3A_98 : memref<20000x128xf32, #tpu.memory_space<hbm>>) target(%arg14 : memref<128x128xf32, #tpu.memory_space<vmem>>) offsets(%arg9 : memref<128xi32, #tpu.memory_space<vmem>>) semaphore(%arg17 : memref<!tpu.dma_semaphore, #tpu.memory_space<semaphore_mem>>)
    }
    %scan3A_32 = arith.constant 80 : i32
    %dma_wait3A = arith.constant 0 : i32
    %dma_wait3A_33 = arith.constant 0 : i32
    %dma_wait3A_34 = tpu.memref_slice %arg2[%dma_wait3A, %dma_wait3A_33] : memref<20000x128xf32, #tpu.memory_space<hbm>> -> memref<20000x128xf32, #tpu.memory_space<hbm>>
    tpu.wait_indirect_dma semaphore(%arg16 : memref<!tpu.dma_semaphore, #tpu.memory_space<semaphore_mem>>) src(%dma_wait3A_34 : memref<20000x128xf32, #tpu.memory_space<hbm>>) dst(%arg13 : memref<128x128xf32, #tpu.memory_space<vmem>>)
    %dma_wait3A_35 = arith.constant 0 : i32
    %dma_wait3A_36 = arith.constant 0 : i32
    %dma_wait3A_37 = tpu.memref_slice %arg2[%dma_wait3A_35, %dma_wait3A_36] : memref<20000x128xf32, #tpu.memory_space<hbm>> -> memref<20000x128xf32, #tpu.memory_space<hbm>>
    tpu.wait_indirect_dma semaphore(%arg17 : memref<!tpu.dma_semaphore, #tpu.memory_space<semaphore_mem>>) src(%dma_wait3A_37 : memref<20000x128xf32, #tpu.memory_space<hbm>>) dst(%arg14 : memref<128x128xf32, #tpu.memory_space<vmem>>)
    %barrier3A_38 = arith.constant 0 : index
    tpu.barrier barrier_id(%barrier3A_38)
    %lt3A = arith.constant 15 : i32
    %lt3A_39 = arith.cmpi slt, %arg1, %lt3A : i32
    %jit3A = arith.constant 8 : i32
    %jit3A_40 = arith.constant 5 : i32
    %select_n3A = arith.select %lt3A_39, %jit3A, %jit3A_40 : i32
    %while3A = arith.constant 0 : i32
    %while3A_41 = arith.constant 0 : i32
    %while3A_42 = arith.subi %select_n3A, %while3A_41 : i32
    %while3A_43 = arith.addi %while3A_41, %while3A_42 : i32
    %while3A_44 = arith.constant 1 : i32
    %while3A_45 = arith.divsi %while3A_42, %while3A_44 : i32
    %while3A_46 = arith.muli %while3A_45, %while3A_44 : i32
    %while3A_47 = arith.addi %while3A_41, %while3A_46 : i32
    %while3A_48 = arith.constant 1 : i32
    scf.for %while3A_50 = %while3A_41 to %while3A_47 step %while3A_48  : i32 {
      %mul3A_51 = arith.constant 8 : i32
      %mul3A_52 = arith.muli %arg1, %mul3A_51 : i32
      %add3A_53 = arith.addi %mul3A_52, %while3A_50 : i32
      %mul3A_54 = arith.constant 80 : i32
      %mul3A_55 = arith.muli %add3A_53, %mul3A_54 : i32
      "tpu.region"() ({
        %run_scoped3A = tpu.sem_alloc : memref<!tpu.dma_semaphore, #tpu.memory_space<semaphore_mem>>
        %dma_start3A_71 = tpu.memref_slice %arg5[%mul3A_55] : memref<10240xi32, #tpu.memory_space<hbm>> -> memref<80xi32, #tpu.memory_space<hbm>>
        %dma_start3A_72 = tpu.memref_slice %arg5[%mul3A_55] : memref<10240xi32, #tpu.memory_space<hbm>> -> memref<80xi32, #tpu.memory_space<hbm>>
        tpu.enqueue_dma source(%dma_start3A_72 : memref<80xi32, #tpu.memory_space<hbm>>) target(%arg12 : memref<80xi32, #tpu.memory_space<vmem>>) target_semaphore(%run_scoped3A : memref<!tpu.dma_semaphore, #tpu.memory_space<semaphore_mem>>)
        %dma_wait3A_73 = tpu.memref_slice %arg5[%mul3A_55] : memref<10240xi32, #tpu.memory_space<hbm>> -> memref<80xi32, #tpu.memory_space<hbm>>
        %dma_wait3A_74 = tpu.memref_slice %arg5[%mul3A_55] : memref<10240xi32, #tpu.memory_space<hbm>> -> memref<80xi32, #tpu.memory_space<hbm>>
        tpu.wait_dma2 semaphore(%run_scoped3A : memref<!tpu.dma_semaphore, #tpu.memory_space<semaphore_mem>>) src(%dma_wait3A_74 : memref<80xi32, #tpu.memory_space<hbm>>) dst(%arg12 : memref<80xi32, #tpu.memory_space<vmem>>)
        tpu.yield
      }) : () -> ()
      %dma_start3A_56 = arith.constant 0 : i32
      %dma_start3A_57 = arith.constant 0 : i32
      %dma_start3A_58 = tpu.memref_slice %arg13[%dma_start3A_56, %dma_start3A_57] : memref<128x128xf32, #tpu.memory_space<vmem>> -> memref<80x128xf32, #tpu.memory_space<vmem>>
      %dma_start3A_59 = arith.constant 0 : i32
      %dma_start3A_60 = arith.constant 0 : i32
      %dma_start3A_61 = tpu.memref_slice %arg7[%dma_start3A_59, %dma_start3A_60] : memref<10008x128xf32, #tpu.memory_space<vmem_shared>> -> memref<10008x128xf32, #tpu.memory_space<vmem_shared>>
      tpu.enqueue_indirect_dma source(%dma_start3A_61 : memref<10008x128xf32, #tpu.memory_space<vmem_shared>>) target(%dma_start3A_58 : memref<80x128xf32, #tpu.memory_space<vmem>>) offsets(%arg12 : memref<80xi32, #tpu.memory_space<vmem>>) semaphore(%arg15 : memref<!tpu.dma_semaphore, #tpu.memory_space<semaphore_mem>>)
      %dma_wait3A_62 = arith.constant 0 : i32
      %dma_wait3A_63 = arith.constant 0 : i32
      %dma_wait3A_64 = tpu.memref_slice %arg13[%dma_wait3A_62, %dma_wait3A_63] : memref<128x128xf32, #tpu.memory_space<vmem>> -> memref<80x128xf32, #tpu.memory_space<vmem>>
      %dma_wait3A_65 = arith.constant 0 : i32
      %dma_wait3A_66 = arith.constant 0 : i32
      %dma_wait3A_67 = tpu.memref_slice %arg7[%dma_wait3A_65, %dma_wait3A_66] : memref<10008x128xf32, #tpu.memory_space<vmem_shared>> -> memref<10008x128xf32, #tpu.memory_space<vmem_shared>>
      tpu.wait_indirect_dma semaphore(%arg15 : memref<!tpu.dma_semaphore, #tpu.memory_space<semaphore_mem>>) src(%dma_wait3A_67 : memref<10008x128xf32, #tpu.memory_space<vmem_shared>>) dst(%dma_wait3A_64 : memref<80x128xf32, #tpu.memory_space<vmem>>)
      %mul3A_68 = arith.constant 10000 : i32
      %mul3A_69 = arith.muli %arg0, %mul3A_68 : i32
      %add3A_70 = arith.addi %mul3A_69, %mul3A_55 : i32
      "tpu.region"() ({
        %run_scoped3A = tpu.sem_alloc : memref<!tpu.dma_semaphore, #tpu.memory_space<semaphore_mem>>
        %dma_start3A_71 = arith.constant 0 : i32
        %dma_start3A_72 = arith.constant 0 : i32
        %dma_start3A_73 = tpu.memref_slice %arg13[%dma_start3A_71, %dma_start3A_72] : memref<128x128xf32, #tpu.memory_space<vmem>> -> memref<80x128xf32, #tpu.memory_space<vmem>>
        %dma_start3A_74 = arith.constant 0 : i32
        %dma_start3A_75 = tpu.memref_slice %arg6[%add3A_70, %dma_start3A_74] : memref<20000x128xf32, #tpu.memory_space<hbm>> -> memref<80x128xf32, #tpu.memory_space<hbm>>
        %dma_start3A_76 = arith.constant 0 : i32
        %dma_start3A_77 = tpu.memref_slice %arg6[%add3A_70, %dma_start3A_76] : memref<20000x128xf32, #tpu.memory_space<hbm>> -> memref<80x128xf32, #tpu.memory_space<hbm>>
        %dma_start3A_78 = arith.constant 0 : i32
        %dma_start3A_79 = arith.constant 0 : i32
        %dma_start3A_80 = tpu.memref_slice %arg13[%dma_start3A_78, %dma_start3A_79] : memref<128x128xf32, #tpu.memory_space<vmem>> -> memref<80x128xf32, #tpu.memory_space<vmem>>
        tpu.enqueue_dma source(%dma_start3A_80 : memref<80x128xf32, #tpu.memory_space<vmem>>) target(%dma_start3A_77 : memref<80x128xf32, #tpu.memory_space<hbm>>) target_semaphore(%run_scoped3A : memref<!tpu.dma_semaphore, #tpu.memory_space<semaphore_mem>>)
        %dma_wait3A_81 = arith.constant 0 : i32
        %dma_wait3A_82 = arith.constant 0 : i32
        %dma_wait3A_83 = tpu.memref_slice %arg13[%dma_wait3A_81, %dma_wait3A_82] : memref<128x128xf32, #tpu.memory_space<vmem>> -> memref<80x128xf32, #tpu.memory_space<vmem>>
        %dma_wait3A_84 = arith.constant 0 : i32
        %dma_wait3A_85 = tpu.memref_slice %arg6[%add3A_70, %dma_wait3A_84] : memref<20000x128xf32, #tpu.memory_space<hbm>> -> memref<80x128xf32, #tpu.memory_space<hbm>>
        %dma_wait3A_86 = arith.constant 0 : i32
        %dma_wait3A_87 = tpu.memref_slice %arg6[%add3A_70, %dma_wait3A_86] : memref<20000x128xf32, #tpu.memory_space<hbm>> -> memref<80x128xf32, #tpu.memory_space<hbm>>
        %dma_wait3A_88 = arith.constant 0 : i32
        %dma_wait3A_89 = arith.constant 0 : i32
        %dma_wait3A_90 = tpu.memref_slice %arg13[%dma_wait3A_88, %dma_wait3A_89] : memref<128x128xf32, #tpu.memory_space<vmem>> -> memref<80x128xf32, #tpu.memory_space<vmem>>
        tpu.wait_dma2 semaphore(%run_scoped3A : memref<!tpu.dma_semaphore, #tpu.memory_space<semaphore_mem>>) src(%dma_wait3A_90 : memref<80x128xf32, #tpu.memory_space<vmem>>) dst(%dma_wait3A_87 : memref<80x128xf32, #tpu.memory_space<hbm>>)
        tpu.yield
      }) : () -> ()
    }
    %while3A_49 = arith.constant 1 : i32
    scf.for %while3A_50 = %while3A_47 to %while3A_43 step %while3A_49  : i32 {
      %mul3A_51 = arith.constant 8 : i32
      %mul3A_52 = arith.muli %arg1, %mul3A_51 : i32
      %add3A_53 = arith.addi %mul3A_52, %while3A_50 : i32
      %mul3A_54 = arith.constant 80 : i32
      %mul3A_55 = arith.muli %add3A_53, %mul3A_54 : i32
      "tpu.region"() ({
        %run_scoped3A = tpu.sem_alloc : memref<!tpu.dma_semaphore, #tpu.memory_space<semaphore_mem>>
        %dma_start3A_71 = tpu.memref_slice %arg5[%mul3A_55] : memref<10240xi32, #tpu.memory_space<hbm>> -> memref<80xi32, #tpu.memory_space<hbm>>
        %dma_start3A_72 = tpu.memref_slice %arg5[%mul3A_55] : memref<10240xi32, #tpu.memory_space<hbm>> -> memref<80xi32, #tpu.memory_space<hbm>>
        tpu.enqueue_dma source(%dma_start3A_72 : memref<80xi32, #tpu.memory_space<hbm>>) target(%arg12 : memref<80xi32, #tpu.memory_space<vmem>>) target_semaphore(%run_scoped3A : memref<!tpu.dma_semaphore, #tpu.memory_space<semaphore_mem>>)
        %dma_wait3A_73 = tpu.memref_slice %arg5[%mul3A_55] : memref<10240xi32, #tpu.memory_space<hbm>> -> memref<80xi32, #tpu.memory_space<hbm>>
        %dma_wait3A_74 = tpu.memref_slice %arg5[%mul3A_55] : memref<10240xi32, #tpu.memory_space<hbm>> -> memref<80xi32, #tpu.memory_space<hbm>>
        tpu.wait_dma2 semaphore(%run_scoped3A : memref<!tpu.dma_semaphore, #tpu.memory_space<semaphore_mem>>) src(%dma_wait3A_74 : memref<80xi32, #tpu.memory_space<hbm>>) dst(%arg12 : memref<80xi32, #tpu.memory_space<vmem>>)
        tpu.yield
      }) : () -> ()
      %dma_start3A_56 = arith.constant 0 : i32
      %dma_start3A_57 = arith.constant 0 : i32
      %dma_start3A_58 = tpu.memref_slice %arg13[%dma_start3A_56, %dma_start3A_57] : memref<128x128xf32, #tpu.memory_space<vmem>> -> memref<80x128xf32, #tpu.memory_space<vmem>>
      %dma_start3A_59 = arith.constant 0 : i32
      %dma_start3A_60 = arith.constant 0 : i32
      %dma_start3A_61 = tpu.memref_slice %arg7[%dma_start3A_59, %dma_start3A_60] : memref<10008x128xf32, #tpu.memory_space<vmem_shared>> -> memref<10008x128xf32, #tpu.memory_space<vmem_shared>>
      tpu.enqueue_indirect_dma source(%dma_start3A_61 : memref<10008x128xf32, #tpu.memory_space<vmem_shared>>) target(%dma_start3A_58 : memref<80x128xf32, #tpu.memory_space<vmem>>) offsets(%arg12 : memref<80xi32, #tpu.memory_space<vmem>>) semaphore(%arg15 : memref<!tpu.dma_semaphore, #tpu.memory_space<semaphore_mem>>)
      %dma_wait3A_62 = arith.constant 0 : i32
      %dma_wait3A_63 = arith.constant 0 : i32
      %dma_wait3A_64 = tpu.memref_slice %arg13[%dma_wait3A_62, %dma_wait3A_63] : memref<128x128xf32, #tpu.memory_space<vmem>> -> memref<80x128xf32, #tpu.memory_space<vmem>>
      %dma_wait3A_65 = arith.constant 0 : i32
      %dma_wait3A_66 = arith.constant 0 : i32
      %dma_wait3A_67 = tpu.memref_slice %arg7[%dma_wait3A_65, %dma_wait3A_66] : memref<10008x128xf32, #tpu.memory_space<vmem_shared>> -> memref<10008x128xf32, #tpu.memory_space<vmem_shared>>
      tpu.wait_indirect_dma semaphore(%arg15 : memref<!tpu.dma_semaphore, #tpu.memory_space<semaphore_mem>>) src(%dma_wait3A_67 : memref<10008x128xf32, #tpu.memory_space<vmem_shared>>) dst(%dma_wait3A_64 : memref<80x128xf32, #tpu.memory_space<vmem>>)
      %mul3A_68 = arith.constant 10000 : i32
      %mul3A_69 = arith.muli %arg0, %mul3A_68 : i32
      %add3A_70 = arith.addi %mul3A_69, %mul3A_55 : i32
      "tpu.region"() ({
        %run_scoped3A = tpu.sem_alloc : memref<!tpu.dma_semaphore, #tpu.memory_space<semaphore_mem>>
        %dma_start3A_71 = arith.constant 0 : i32
        %dma_start3A_72 = arith.constant 0 : i32
        %dma_start3A_73 = tpu.memref_slice %arg13[%dma_start3A_71, %dma_start3A_72] : memref<128x128xf32, #tpu.memory_space<vmem>> -> memref<80x128xf32, #tpu.memory_space<vmem>>
        %dma_start3A_74 = arith.constant 0 : i32
        %dma_start3A_75 = tpu.memref_slice %arg6[%add3A_70, %dma_start3A_74] : memref<20000x128xf32, #tpu.memory_space<hbm>> -> memref<80x128xf32, #tpu.memory_space<hbm>>
        %dma_start3A_76 = arith.constant 0 : i32
        %dma_start3A_77 = tpu.memref_slice %arg6[%add3A_70, %dma_start3A_76] : memref<20000x128xf32, #tpu.memory_space<hbm>> -> memref<80x128xf32, #tpu.memory_space<hbm>>
        %dma_start3A_78 = arith.constant 0 : i32
        %dma_start3A_79 = arith.constant 0 : i32
        %dma_start3A_80 = tpu.memref_slice %arg13[%dma_start3A_78, %dma_start3A_79] : memref<128x128xf32, #tpu.memory_space<vmem>> -> memref<80x128xf32, #tpu.memory_space<vmem>>
        tpu.enqueue_dma source(%dma_start3A_80 : memref<80x128xf32, #tpu.memory_space<vmem>>) target(%dma_start3A_77 : memref<80x128xf32, #tpu.memory_space<hbm>>) target_semaphore(%run_scoped3A : memref<!tpu.dma_semaphore, #tpu.memory_space<semaphore_mem>>)
        %dma_wait3A_81 = arith.constant 0 : i32
        %dma_wait3A_82 = arith.constant 0 : i32
        %dma_wait3A_83 = tpu.memref_slice %arg13[%dma_wait3A_81, %dma_wait3A_82] : memref<128x128xf32, #tpu.memory_space<vmem>> -> memref<80x128xf32, #tpu.memory_space<vmem>>
        %dma_wait3A_84 = arith.constant 0 : i32
        %dma_wait3A_85 = tpu.memref_slice %arg6[%add3A_70, %dma_wait3A_84] : memref<20000x128xf32, #tpu.memory_space<hbm>> -> memref<80x128xf32, #tpu.memory_space<hbm>>
        %dma_wait3A_86 = arith.constant 0 : i32
        %dma_wait3A_87 = tpu.memref_slice %arg6[%add3A_70, %dma_wait3A_86] : memref<20000x128xf32, #tpu.memory_space<hbm>> -> memref<80x128xf32, #tpu.memory_space<hbm>>
        %dma_wait3A_88 = arith.constant 0 : i32
        %dma_wait3A_89 = arith.constant 0 : i32
        %dma_wait3A_90 = tpu.memref_slice %arg13[%dma_wait3A_88, %dma_wait3A_89] : memref<128x128xf32, #tpu.memory_space<vmem>> -> memref<80x128xf32, #tpu.memory_space<vmem>>
        tpu.wait_dma2 semaphore(%run_scoped3A : memref<!tpu.dma_semaphore, #tpu.memory_space<semaphore_mem>>) src(%dma_wait3A_90 : memref<80x128xf32, #tpu.memory_space<vmem>>) dst(%dma_wait3A_87 : memref<80x128xf32, #tpu.memory_space<hbm>>)
        tpu.yield
      }) : () -> ()
    }
    return
  }
}

#map = affine_map<(d0, d1) -> (0, 0)>
#map1 = affine_map<(d0, d1) -> (0)>
module attributes {stable_mosaic.version = 14 : i64} {
  func.func @_agg(%arg0: i32, %arg1: i32, %arg2: memref<20000x128xf32, #tpu.memory_space<hbm>>, %arg3: memref<655360xi32, #tpu.memory_space<hbm>>, %arg4: memref<327680xi32, #tpu.memory_space<hbm>>, %arg5: memref<10240xi32, #tpu.memory_space<hbm>>, %arg6: memref<20000x128xf32, #tpu.memory_space<hbm>>, %arg7: memref<10008x128xf32, #tpu.memory_space<vmem_shared>>, %arg8: memref<128xi32, #tpu.memory_space<vmem>>, %arg9: memref<128xi32, #tpu.memory_space<vmem>>, %arg10: memref<128xi32, #tpu.memory_space<vmem>>, %arg11: memref<128xi32, #tpu.memory_space<vmem>>, %arg12: memref<80xi32, #tpu.memory_space<vmem>>, %arg13: memref<128x128xf32, #tpu.memory_space<vmem>>, %arg14: memref<128x128xf32, #tpu.memory_space<vmem>>, %arg15: memref<!tpu.dma_semaphore, #tpu.memory_space<semaphore_mem>>, %arg16: memref<!tpu.dma_semaphore, #tpu.memory_space<semaphore_mem>>, %arg17: memref<!tpu.dma_semaphore, #tpu.memory_space<semaphore_mem>>) attributes {dimension_semantics = [#tpu.dimension_semantics<core_parallel>, #tpu.dimension_semantics<subcore_parallel>], iteration_bounds = array<i64: 2, 16>, scalar_prefetch = 0 : i64, scratch_operands = 11 : i64, tpu.core_type = #tpu.core_type<sc_vector_subcore>, window_params = [{transform_indices = #map}, {transform_indices = #map1}, {transform_indices = #map1}, {transform_indices = #map1}, {transform_indices = #map}]} {
    %scan3A = arith.constant 0 : i32
    %scan3A_0 = arith.constant 0 : i32
    %scan3A_1 = arith.constant 8 : i32
    %scan3A_2 = arith.addi %scan3A_0, %scan3A_1 : i32
    %scan3A_3 = arith.constant 1 : i32
    scf.for %scan3A_50 = %scan3A_0 to %scan3A_2 step %scan3A_3  : i32 {
      %mul3A_51 = arith.constant 8 : i32
      %mul3A_52 = arith.muli %arg1, %mul3A_51 : i32
      %add3A_53 = arith.addi %mul3A_52, %scan3A_50 : i32
      %lt3A_54 = arith.constant 125 : i32
      %lt3A_55 = arith.cmpi slt, %add3A_53, %lt3A_54 : i32
      %mul3A_56 = arith.constant 80 : i32
      %mul3A_57 = arith.muli %add3A_53, %mul3A_56 : i32
      %jit3A_58 = arith.constant 0 : i32
      %select_n3A_59 = arith.select %lt3A_55, %mul3A_57, %jit3A_58 : i32
      %mul3A_60 = arith.constant 80 : i32
      %mul3A_61 = arith.muli %add3A_53, %mul3A_60 : i32
      "tpu.region"() ({
        %run_scoped3A = tpu.sem_alloc : memref<!tpu.dma_semaphore, #tpu.memory_space<semaphore_mem>>
        %dma_start3A_65 = tpu.memref_slice %arg5[%mul3A_61] : memref<10240xi32, #tpu.memory_space<hbm>> -> memref<80xi32, #tpu.memory_space<hbm>>
        %dma_start3A_66 = tpu.memref_slice %arg5[%mul3A_61] : memref<10240xi32, #tpu.memory_space<hbm>> -> memref<80xi32, #tpu.memory_space<hbm>>
        tpu.enqueue_dma source(%dma_start3A_66 : memref<80xi32, #tpu.memory_space<hbm>>) target(%arg12 : memref<80xi32, #tpu.memory_space<vmem>>) target_semaphore(%run_scoped3A : memref<!tpu.dma_semaphore, #tpu.memory_space<semaphore_mem>>)
        %dma_wait3A_67 = tpu.memref_slice %arg5[%mul3A_61] : memref<10240xi32, #tpu.memory_space<hbm>> -> memref<80xi32, #tpu.memory_space<hbm>>
        %dma_wait3A_68 = tpu.memref_slice %arg5[%mul3A_61] : memref<10240xi32, #tpu.memory_space<hbm>> -> memref<80xi32, #tpu.memory_space<hbm>>
        tpu.wait_dma2 semaphore(%run_scoped3A : memref<!tpu.dma_semaphore, #tpu.memory_space<semaphore_mem>>) src(%dma_wait3A_68 : memref<80xi32, #tpu.memory_space<hbm>>) dst(%arg12 : memref<80xi32, #tpu.memory_space<vmem>>)
        tpu.yield
      }) : () -> ()
      %mul3A_62 = arith.constant 10000 : i32
      %mul3A_63 = arith.muli %arg0, %mul3A_62 : i32
      %add3A_64 = arith.addi %mul3A_63, %select_n3A_59 : i32
      "tpu.region"() ({
        %run_scoped3A = tpu.sem_alloc : memref<!tpu.dma_semaphore, #tpu.memory_space<semaphore_mem>>
        %dma_start3A_65 = arith.constant 0 : i32
        %dma_start3A_66 = arith.constant 0 : i32
        %dma_start3A_67 = tpu.memref_slice %arg13[%dma_start3A_65, %dma_start3A_66] : memref<128x128xf32, #tpu.memory_space<vmem>> -> memref<80x128xf32, #tpu.memory_space<vmem>>
        %dma_start3A_68 = arith.constant 0 : i32
        %dma_start3A_69 = tpu.memref_slice %arg2[%add3A_64, %dma_start3A_68] : memref<20000x128xf32, #tpu.memory_space<hbm>> -> memref<80x128xf32, #tpu.memory_space<hbm>>
        %dma_start3A_70 = arith.constant 0 : i32
        %dma_start3A_71 = arith.constant 0 : i32
        %dma_start3A_72 = tpu.memref_slice %arg13[%dma_start3A_70, %dma_start3A_71] : memref<128x128xf32, #tpu.memory_space<vmem>> -> memref<80x128xf32, #tpu.memory_space<vmem>>
        %dma_start3A_73 = arith.constant 0 : i32
        %dma_start3A_74 = tpu.memref_slice %arg2[%add3A_64, %dma_start3A_73] : memref<20000x128xf32, #tpu.memory_space<hbm>> -> memref<80x128xf32, #tpu.memory_space<hbm>>
        tpu.enqueue_dma source(%dma_start3A_74 : memref<80x128xf32, #tpu.memory_space<hbm>>) target(%dma_start3A_72 : memref<80x128xf32, #tpu.memory_space<vmem>>) target_semaphore(%run_scoped3A : memref<!tpu.dma_semaphore, #tpu.memory_space<semaphore_mem>>)
        %dma_wait3A_75 = arith.constant 0 : i32
        %dma_wait3A_76 = arith.constant 0 : i32
        %dma_wait3A_77 = tpu.memref_slice %arg13[%dma_wait3A_75, %dma_wait3A_76] : memref<128x128xf32, #tpu.memory_space<vmem>> -> memref<80x128xf32, #tpu.memory_space<vmem>>
        %dma_wait3A_78 = arith.constant 0 : i32
        %dma_wait3A_79 = tpu.memref_slice %arg2[%add3A_64, %dma_wait3A_78] : memref<20000x128xf32, #tpu.memory_space<hbm>> -> memref<80x128xf32, #tpu.memory_space<hbm>>
        %dma_wait3A_80 = arith.constant 0 : i32
        %dma_wait3A_81 = arith.constant 0 : i32
        %dma_wait3A_82 = tpu.memref_slice %arg13[%dma_wait3A_80, %dma_wait3A_81] : memref<128x128xf32, #tpu.memory_space<vmem>> -> memref<80x128xf32, #tpu.memory_space<vmem>>
        %dma_wait3A_83 = arith.constant 0 : i32
        %dma_wait3A_84 = tpu.memref_slice %arg2[%add3A_64, %dma_wait3A_83] : memref<20000x128xf32, #tpu.memory_space<hbm>> -> memref<80x128xf32, #tpu.memory_space<hbm>>
        tpu.wait_dma2 semaphore(%run_scoped3A : memref<!tpu.dma_semaphore, #tpu.memory_space<semaphore_mem>>) src(%dma_wait3A_84 : memref<80x128xf32, #tpu.memory_space<hbm>>) dst(%dma_wait3A_82 : memref<80x128xf32, #tpu.memory_space<vmem>>)
        tpu.yield
      }) : () -> ()
      "tpu.region"() ({
        %run_scoped3A = tpu.sem_alloc : memref<!tpu.dma_semaphore, #tpu.memory_space<semaphore_mem>>
        %dma_start3A_65 = arith.constant 0 : i32
        %dma_start3A_66 = arith.constant 0 : i32
        %dma_start3A_67 = tpu.memref_slice %arg13[%dma_start3A_65, %dma_start3A_66] : memref<128x128xf32, #tpu.memory_space<vmem>> -> memref<80x128xf32, #tpu.memory_space<vmem>>
        %dma_start3A_68 = arith.constant 0 : i32
        %dma_start3A_69 = arith.constant 0 : i32
        %dma_start3A_70 = tpu.memref_slice %arg7[%dma_start3A_68, %dma_start3A_69] : memref<10008x128xf32, #tpu.memory_space<vmem_shared>> -> memref<10008x128xf32, #tpu.memory_space<vmem_shared>>
        tpu.enqueue_indirect_dma source(%dma_start3A_67 : memref<80x128xf32, #tpu.memory_space<vmem>>) target(%dma_start3A_70 : memref<10008x128xf32, #tpu.memory_space<vmem_shared>>) offsets(%arg12 : memref<80xi32, #tpu.memory_space<vmem>>) semaphore(%run_scoped3A : memref<!tpu.dma_semaphore, #tpu.memory_space<semaphore_mem>>)
        %dma_wait3A_71 = arith.constant 0 : i32
        %dma_wait3A_72 = arith.constant 0 : i32
        %dma_wait3A_73 = tpu.memref_slice %arg13[%dma_wait3A_71, %dma_wait3A_72] : memref<128x128xf32, #tpu.memory_space<vmem>> -> memref<80x128xf32, #tpu.memory_space<vmem>>
        %dma_wait3A_74 = arith.constant 0 : i32
        %dma_wait3A_75 = arith.constant 0 : i32
        %dma_wait3A_76 = tpu.memref_slice %arg7[%dma_wait3A_74, %dma_wait3A_75] : memref<10008x128xf32, #tpu.memory_space<vmem_shared>> -> memref<10008x128xf32, #tpu.memory_space<vmem_shared>>
        tpu.wait_indirect_dma semaphore(%run_scoped3A : memref<!tpu.dma_semaphore, #tpu.memory_space<semaphore_mem>>) src(%dma_wait3A_73 : memref<80x128xf32, #tpu.memory_space<vmem>>) dst(%dma_wait3A_76 : memref<10008x128xf32, #tpu.memory_space<vmem_shared>>)
        tpu.yield
      }) : () -> ()
    }
    %scan3A_4 = arith.constant 8 : i32
    %barrier3A = arith.constant 0 : index
    tpu.barrier barrier_id(%barrier3A)
    %mul3A = arith.constant 16 : i32
    %mul3A_5 = arith.muli %arg0, %mul3A : i32
    %add3A = arith.addi %mul3A_5, %arg1 : i32
    %mul3A_6 = arith.constant 160 : i32
    %mul3A_7 = arith.muli %add3A, %mul3A_6 : i32
    %mul3A_8 = arith.constant 128 : i32
    %mul3A_9 = arith.muli %mul3A_7, %mul3A_8 : i32
    %mul3A_10 = arith.constant 160 : i32
    %mul3A_11 = arith.muli %arg1, %mul3A_10 : i32
    %mul3A_12 = arith.constant 128 : i32
    %mul3A_13 = arith.muli %mul3A_11, %mul3A_12 : i32
    %add3A_14 = arith.constant 0 : i32
    %add3A_15 = arith.addi %mul3A_9, %add3A_14 : i32
    "tpu.region"() ({
      %run_scoped3A = tpu.sem_alloc : memref<!tpu.dma_semaphore, #tpu.memory_space<semaphore_mem>>
      %dma_start3A_50 = tpu.memref_slice %arg3[%add3A_15] : memref<655360xi32, #tpu.memory_space<hbm>> -> memref<128xi32, #tpu.memory_space<hbm>>
      %dma_start3A_51 = tpu.memref_slice %arg3[%add3A_15] : memref<655360xi32, #tpu.memory_space<hbm>> -> memref<128xi32, #tpu.memory_space<hbm>>
      tpu.enqueue_dma source(%dma_start3A_51 : memref<128xi32, #tpu.memory_space<hbm>>) target(%arg8 : memref<128xi32, #tpu.memory_space<vmem>>) target_semaphore(%run_scoped3A : memref<!tpu.dma_semaphore, #tpu.memory_space<semaphore_mem>>)
      %dma_wait3A_52 = tpu.memref_slice %arg3[%add3A_15] : memref<655360xi32, #tpu.memory_space<hbm>> -> memref<128xi32, #tpu.memory_space<hbm>>
      %dma_wait3A_53 = tpu.memref_slice %arg3[%add3A_15] : memref<655360xi32, #tpu.memory_space<hbm>> -> memref<128xi32, #tpu.memory_space<hbm>>
      tpu.wait_dma2 semaphore(%run_scoped3A : memref<!tpu.dma_semaphore, #tpu.memory_space<semaphore_mem>>) src(%dma_wait3A_53 : memref<128xi32, #tpu.memory_space<hbm>>) dst(%arg8 : memref<128xi32, #tpu.memory_space<vmem>>)
      tpu.yield
    }) : () -> ()
    %add3A_16 = arith.constant 0 : i32
    %add3A_17 = arith.addi %mul3A_13, %add3A_16 : i32
    "tpu.region"() ({
      %run_scoped3A = tpu.sem_alloc : memref<!tpu.dma_semaphore, #tpu.memory_space<semaphore_mem>>
      %dma_start3A_50 = tpu.memref_slice %arg4[%add3A_17] : memref<327680xi32, #tpu.memory_space<hbm>> -> memref<128xi32, #tpu.memory_space<hbm>>
      %dma_start3A_51 = tpu.memref_slice %arg4[%add3A_17] : memref<327680xi32, #tpu.memory_space<hbm>> -> memref<128xi32, #tpu.memory_space<hbm>>
      tpu.enqueue_dma source(%dma_start3A_51 : memref<128xi32, #tpu.memory_space<hbm>>) target(%arg10 : memref<128xi32, #tpu.memory_space<vmem>>) target_semaphore(%run_scoped3A : memref<!tpu.dma_semaphore, #tpu.memory_space<semaphore_mem>>)
      %dma_wait3A_52 = tpu.memref_slice %arg4[%add3A_17] : memref<327680xi32, #tpu.memory_space<hbm>> -> memref<128xi32, #tpu.memory_space<hbm>>
      %dma_wait3A_53 = tpu.memref_slice %arg4[%add3A_17] : memref<327680xi32, #tpu.memory_space<hbm>> -> memref<128xi32, #tpu.memory_space<hbm>>
      tpu.wait_dma2 semaphore(%run_scoped3A : memref<!tpu.dma_semaphore, #tpu.memory_space<semaphore_mem>>) src(%dma_wait3A_53 : memref<128xi32, #tpu.memory_space<hbm>>) dst(%arg10 : memref<128xi32, #tpu.memory_space<vmem>>)
      tpu.yield
    }) : () -> ()
    %dma_start3A = arith.constant 0 : i32
    %dma_start3A_18 = arith.constant 0 : i32
    %dma_start3A_19 = tpu.memref_slice %arg2[%dma_start3A, %dma_start3A_18] : memref<20000x128xf32, #tpu.memory_space<hbm>> -> memref<20000x128xf32, #tpu.memory_space<hbm>>
    tpu.enqueue_indirect_dma source(%dma_start3A_19 : memref<20000x128xf32, #tpu.memory_space<hbm>>) target(%arg13 : memref<128x128xf32, #tpu.memory_space<vmem>>) offsets(%arg8 : memref<128xi32, #tpu.memory_space<vmem>>) semaphore(%arg16 : memref<!tpu.dma_semaphore, #tpu.memory_space<semaphore_mem>>)
    %add3A_20 = arith.constant 128 : i32
    %add3A_21 = arith.addi %mul3A_9, %add3A_20 : i32
    "tpu.region"() ({
      %run_scoped3A = tpu.sem_alloc : memref<!tpu.dma_semaphore, #tpu.memory_space<semaphore_mem>>
      %dma_start3A_50 = tpu.memref_slice %arg3[%add3A_21] : memref<655360xi32, #tpu.memory_space<hbm>> -> memref<128xi32, #tpu.memory_space<hbm>>
      %dma_start3A_51 = tpu.memref_slice %arg3[%add3A_21] : memref<655360xi32, #tpu.memory_space<hbm>> -> memref<128xi32, #tpu.memory_space<hbm>>
      tpu.enqueue_dma source(%dma_start3A_51 : memref<128xi32, #tpu.memory_space<hbm>>) target(%arg9 : memref<128xi32, #tpu.memory_space<vmem>>) target_semaphore(%run_scoped3A : memref<!tpu.dma_semaphore, #tpu.memory_space<semaphore_mem>>)
      %dma_wait3A_52 = tpu.memref_slice %arg3[%add3A_21] : memref<655360xi32, #tpu.memory_space<hbm>> -> memref<128xi32, #tpu.memory_space<hbm>>
      %dma_wait3A_53 = tpu.memref_slice %arg3[%add3A_21] : memref<655360xi32, #tpu.memory_space<hbm>> -> memref<128xi32, #tpu.memory_space<hbm>>
      tpu.wait_dma2 semaphore(%run_scoped3A : memref<!tpu.dma_semaphore, #tpu.memory_space<semaphore_mem>>) src(%dma_wait3A_53 : memref<128xi32, #tpu.memory_space<hbm>>) dst(%arg9 : memref<128xi32, #tpu.memory_space<vmem>>)
      tpu.yield
    }) : () -> ()
    %add3A_22 = arith.constant 128 : i32
    %add3A_23 = arith.addi %mul3A_13, %add3A_22 : i32
    "tpu.region"() ({
      %run_scoped3A = tpu.sem_alloc : memref<!tpu.dma_semaphore, #tpu.memory_space<semaphore_mem>>
      %dma_start3A_50 = tpu.memref_slice %arg4[%add3A_23] : memref<327680xi32, #tpu.memory_space<hbm>> -> memref<128xi32, #tpu.memory_space<hbm>>
      %dma_start3A_51 = tpu.memref_slice %arg4[%add3A_23] : memref<327680xi32, #tpu.memory_space<hbm>> -> memref<128xi32, #tpu.memory_space<hbm>>
      tpu.enqueue_dma source(%dma_start3A_51 : memref<128xi32, #tpu.memory_space<hbm>>) target(%arg11 : memref<128xi32, #tpu.memory_space<vmem>>) target_semaphore(%run_scoped3A : memref<!tpu.dma_semaphore, #tpu.memory_space<semaphore_mem>>)
      %dma_wait3A_52 = tpu.memref_slice %arg4[%add3A_23] : memref<327680xi32, #tpu.memory_space<hbm>> -> memref<128xi32, #tpu.memory_space<hbm>>
      %dma_wait3A_53 = tpu.memref_slice %arg4[%add3A_23] : memref<327680xi32, #tpu.memory_space<hbm>> -> memref<128xi32, #tpu.memory_space<hbm>>
      tpu.wait_dma2 semaphore(%run_scoped3A : memref<!tpu.dma_semaphore, #tpu.memory_space<semaphore_mem>>) src(%dma_wait3A_53 : memref<128xi32, #tpu.memory_space<hbm>>) dst(%arg11 : memref<128xi32, #tpu.memory_space<vmem>>)
      tpu.yield
    }) : () -> ()
    %dma_start3A_24 = arith.constant 0 : i32
    %dma_start3A_25 = arith.constant 0 : i32
    %dma_start3A_26 = tpu.memref_slice %arg2[%dma_start3A_24, %dma_start3A_25] : memref<20000x128xf32, #tpu.memory_space<hbm>> -> memref<20000x128xf32, #tpu.memory_space<hbm>>
    tpu.enqueue_indirect_dma source(%dma_start3A_26 : memref<20000x128xf32, #tpu.memory_space<hbm>>) target(%arg14 : memref<128x128xf32, #tpu.memory_space<vmem>>) offsets(%arg9 : memref<128xi32, #tpu.memory_space<vmem>>) semaphore(%arg17 : memref<!tpu.dma_semaphore, #tpu.memory_space<semaphore_mem>>)
    %scan3A_27 = arith.constant 0 : i32
    %scan3A_28 = arith.constant 0 : i32
    %scan3A_29 = arith.constant 80 : i32
    %scan3A_30 = arith.addi %scan3A_28, %scan3A_29 : i32
    %scan3A_31 = arith.constant 1 : i32
    scf.for %scan3A_50 = %scan3A_28 to %scan3A_30 step %scan3A_31  : i32 {
      %mul3A_51 = arith.constant 2 : i32
      %mul3A_52 = arith.muli %mul3A_51, %scan3A_50 : i32
      %add3A_53 = arith.constant 0 : i32
      %add3A_54 = arith.addi %mul3A_52, %add3A_53 : i32
      %dma_wait3A_55 = arith.constant 0 : i32
      %dma_wait3A_56 = arith.constant 0 : i32
      %dma_wait3A_57 = tpu.memref_slice %arg2[%dma_wait3A_55, %dma_wait3A_56] : memref<20000x128xf32, #tpu.memory_space<hbm>> -> memref<20000x128xf32, #tpu.memory_space<hbm>>
      tpu.wait_indirect_dma semaphore(%arg16 : memref<!tpu.dma_semaphore, #tpu.memory_space<semaphore_mem>>) src(%dma_wait3A_57 : memref<20000x128xf32, #tpu.memory_space<hbm>>) dst(%arg13 : memref<128x128xf32, #tpu.memory_space<vmem>>)
      "tpu.region"() ({
        %run_scoped3A = tpu.sem_alloc : memref<!tpu.dma_semaphore, #tpu.memory_space<semaphore_mem>>
        %dma_start3A_99 = arith.constant 0 : i32
        %dma_start3A_100 = arith.constant 0 : i32
        %dma_start3A_101 = tpu.memref_slice %arg7[%dma_start3A_99, %dma_start3A_100] : memref<10008x128xf32, #tpu.memory_space<vmem_shared>> -> memref<10008x128xf32, #tpu.memory_space<vmem_shared>>
        tpu.enqueue_indirect_dma source(%arg13 : memref<128x128xf32, #tpu.memory_space<vmem>>) target(%dma_start3A_101 : memref<10008x128xf32, #tpu.memory_space<vmem_shared>>) offsets(%arg10 : memref<128xi32, #tpu.memory_space<vmem>>) semaphore(%run_scoped3A : memref<!tpu.dma_semaphore, #tpu.memory_space<semaphore_mem>>) {add = true}
        %dma_wait3A_102 = arith.constant 0 : i32
        %dma_wait3A_103 = arith.constant 0 : i32
        %dma_wait3A_104 = tpu.memref_slice %arg7[%dma_wait3A_102, %dma_wait3A_103] : memref<10008x128xf32, #tpu.memory_space<vmem_shared>> -> memref<10008x128xf32, #tpu.memory_space<vmem_shared>>
        tpu.wait_indirect_dma semaphore(%run_scoped3A : memref<!tpu.dma_semaphore, #tpu.memory_space<semaphore_mem>>) src(%arg13 : memref<128x128xf32, #tpu.memory_space<vmem>>) dst(%dma_wait3A_104 : memref<10008x128xf32, #tpu.memory_space<vmem_shared>>)
        tpu.yield
      }) : () -> ()
      %add3A_58 = arith.constant 2 : i32
      %add3A_59 = arith.addi %add3A_54, %add3A_58 : i32
      %lt3A_60 = arith.constant 160 : i32
      %lt3A_61 = arith.cmpi slt, %add3A_59, %lt3A_60 : i32
      %add3A_62 = arith.constant 2 : i32
      %add3A_63 = arith.addi %add3A_54, %add3A_62 : i32
      %jit3A_64 = arith.constant 0 : i32
      %select_n3A_65 = arith.select %lt3A_61, %add3A_63, %jit3A_64 : i32
      %mul3A_66 = arith.constant 128 : i32
      %mul3A_67 = arith.muli %select_n3A_65, %mul3A_66 : i32
      %add3A_68 = arith.addi %mul3A_9, %mul3A_67 : i32
      "tpu.region"() ({
        %run_scoped3A = tpu.sem_alloc : memref<!tpu.dma_semaphore, #tpu.memory_space<semaphore_mem>>
        %dma_start3A_99 = tpu.memref_slice %arg3[%add3A_68] : memref<655360xi32, #tpu.memory_space<hbm>> -> memref<128xi32, #tpu.memory_space<hbm>>
        %dma_start3A_100 = tpu.memref_slice %arg3[%add3A_68] : memref<655360xi32, #tpu.memory_space<hbm>> -> memref<128xi32, #tpu.memory_space<hbm>>
        tpu.enqueue_dma source(%dma_start3A_100 : memref<128xi32, #tpu.memory_space<hbm>>) target(%arg8 : memref<128xi32, #tpu.memory_space<vmem>>) target_semaphore(%run_scoped3A : memref<!tpu.dma_semaphore, #tpu.memory_space<semaphore_mem>>)
        %dma_wait3A_101 = tpu.memref_slice %arg3[%add3A_68] : memref<655360xi32, #tpu.memory_space<hbm>> -> memref<128xi32, #tpu.memory_space<hbm>>
        %dma_wait3A_102 = tpu.memref_slice %arg3[%add3A_68] : memref<655360xi32, #tpu.memory_space<hbm>> -> memref<128xi32, #tpu.memory_space<hbm>>
        tpu.wait_dma2 semaphore(%run_scoped3A : memref<!tpu.dma_semaphore, #tpu.memory_space<semaphore_mem>>) src(%dma_wait3A_102 : memref<128xi32, #tpu.memory_space<hbm>>) dst(%arg8 : memref<128xi32, #tpu.memory_space<vmem>>)
        tpu.yield
      }) : () -> ()
      %mul3A_69 = arith.constant 128 : i32
      %mul3A_70 = arith.muli %select_n3A_65, %mul3A_69 : i32
      %add3A_71 = arith.addi %mul3A_13, %mul3A_70 : i32
      "tpu.region"() ({
        %run_scoped3A = tpu.sem_alloc : memref<!tpu.dma_semaphore, #tpu.memory_space<semaphore_mem>>
        %dma_start3A_99 = tpu.memref_slice %arg4[%add3A_71] : memref<327680xi32, #tpu.memory_space<hbm>> -> memref<128xi32, #tpu.memory_space<hbm>>
        %dma_start3A_100 = tpu.memref_slice %arg4[%add3A_71] : memref<327680xi32, #tpu.memory_space<hbm>> -> memref<128xi32, #tpu.memory_space<hbm>>
        tpu.enqueue_dma source(%dma_start3A_100 : memref<128xi32, #tpu.memory_space<hbm>>) target(%arg10 : memref<128xi32, #tpu.memory_space<vmem>>) target_semaphore(%run_scoped3A : memref<!tpu.dma_semaphore, #tpu.memory_space<semaphore_mem>>)
        %dma_wait3A_101 = tpu.memref_slice %arg4[%add3A_71] : memref<327680xi32, #tpu.memory_space<hbm>> -> memref<128xi32, #tpu.memory_space<hbm>>
        %dma_wait3A_102 = tpu.memref_slice %arg4[%add3A_71] : memref<327680xi32, #tpu.memory_space<hbm>> -> memref<128xi32, #tpu.memory_space<hbm>>
        tpu.wait_dma2 semaphore(%run_scoped3A : memref<!tpu.dma_semaphore, #tpu.memory_space<semaphore_mem>>) src(%dma_wait3A_102 : memref<128xi32, #tpu.memory_space<hbm>>) dst(%arg10 : memref<128xi32, #tpu.memory_space<vmem>>)
        tpu.yield
      }) : () -> ()
      %dma_start3A_72 = arith.constant 0 : i32
      %dma_start3A_73 = arith.constant 0 : i32
      %dma_start3A_74 = tpu.memref_slice %arg2[%dma_start3A_72, %dma_start3A_73] : memref<20000x128xf32, #tpu.memory_space<hbm>> -> memref<20000x128xf32, #tpu.memory_space<hbm>>
      tpu.enqueue_indirect_dma source(%dma_start3A_74 : memref<20000x128xf32, #tpu.memory_space<hbm>>) target(%arg13 : memref<128x128xf32, #tpu.memory_space<vmem>>) offsets(%arg8 : memref<128xi32, #tpu.memory_space<vmem>>) semaphore(%arg16 : memref<!tpu.dma_semaphore, #tpu.memory_space<semaphore_mem>>)
      %mul3A_75 = arith.constant 2 : i32
      %mul3A_76 = arith.muli %mul3A_75, %scan3A_50 : i32
      %add3A_77 = arith.constant 1 : i32
      %add3A_78 = arith.addi %mul3A_76, %add3A_77 : i32
      %dma_wait3A_79 = arith.constant 0 : i32
      %dma_wait3A_80 = arith.constant 0 : i32
      %dma_wait3A_81 = tpu.memref_slice %arg2[%dma_wait3A_79, %dma_wait3A_80] : memref<20000x128xf32, #tpu.memory_space<hbm>> -> memref<20000x128xf32, #tpu.memory_space<hbm>>
      tpu.wait_indirect_dma semaphore(%arg17 : memref<!tpu.dma_semaphore, #tpu.memory_space<semaphore_mem>>) src(%dma_wait3A_81 : memref<20000x128xf32, #tpu.memory_space<hbm>>) dst(%arg14 : memref<128x128xf32, #tpu.memory_space<vmem>>)
      "tpu.region"() ({
        %run_scoped3A = tpu.sem_alloc : memref<!tpu.dma_semaphore, #tpu.memory_space<semaphore_mem>>
        %dma_start3A_99 = arith.constant 0 : i32
        %dma_start3A_100 = arith.constant 0 : i32
        %dma_start3A_101 = tpu.memref_slice %arg7[%dma_start3A_99, %dma_start3A_100] : memref<10008x128xf32, #tpu.memory_space<vmem_shared>> -> memref<10008x128xf32, #tpu.memory_space<vmem_shared>>
        tpu.enqueue_indirect_dma source(%arg14 : memref<128x128xf32, #tpu.memory_space<vmem>>) target(%dma_start3A_101 : memref<10008x128xf32, #tpu.memory_space<vmem_shared>>) offsets(%arg11 : memref<128xi32, #tpu.memory_space<vmem>>) semaphore(%run_scoped3A : memref<!tpu.dma_semaphore, #tpu.memory_space<semaphore_mem>>) {add = true}
        %dma_wait3A_102 = arith.constant 0 : i32
        %dma_wait3A_103 = arith.constant 0 : i32
        %dma_wait3A_104 = tpu.memref_slice %arg7[%dma_wait3A_102, %dma_wait3A_103] : memref<10008x128xf32, #tpu.memory_space<vmem_shared>> -> memref<10008x128xf32, #tpu.memory_space<vmem_shared>>
        tpu.wait_indirect_dma semaphore(%run_scoped3A : memref<!tpu.dma_semaphore, #tpu.memory_space<semaphore_mem>>) src(%arg14 : memref<128x128xf32, #tpu.memory_space<vmem>>) dst(%dma_wait3A_104 : memref<10008x128xf32, #tpu.memory_space<vmem_shared>>)
        tpu.yield
      }) : () -> ()
      %add3A_82 = arith.constant 2 : i32
      %add3A_83 = arith.addi %add3A_78, %add3A_82 : i32
      %lt3A_84 = arith.constant 160 : i32
      %lt3A_85 = arith.cmpi slt, %add3A_83, %lt3A_84 : i32
      %add3A_86 = arith.constant 2 : i32
      %add3A_87 = arith.addi %add3A_78, %add3A_86 : i32
      %jit3A_88 = arith.constant 0 : i32
      %select_n3A_89 = arith.select %lt3A_85, %add3A_87, %jit3A_88 : i32
      %mul3A_90 = arith.constant 128 : i32
      %mul3A_91 = arith.muli %select_n3A_89, %mul3A_90 : i32
      %add3A_92 = arith.addi %mul3A_9, %mul3A_91 : i32
      "tpu.region"() ({
        %run_scoped3A = tpu.sem_alloc : memref<!tpu.dma_semaphore, #tpu.memory_space<semaphore_mem>>
        %dma_start3A_99 = tpu.memref_slice %arg3[%add3A_92] : memref<655360xi32, #tpu.memory_space<hbm>> -> memref<128xi32, #tpu.memory_space<hbm>>
        %dma_start3A_100 = tpu.memref_slice %arg3[%add3A_92] : memref<655360xi32, #tpu.memory_space<hbm>> -> memref<128xi32, #tpu.memory_space<hbm>>
        tpu.enqueue_dma source(%dma_start3A_100 : memref<128xi32, #tpu.memory_space<hbm>>) target(%arg9 : memref<128xi32, #tpu.memory_space<vmem>>) target_semaphore(%run_scoped3A : memref<!tpu.dma_semaphore, #tpu.memory_space<semaphore_mem>>)
        %dma_wait3A_101 = tpu.memref_slice %arg3[%add3A_92] : memref<655360xi32, #tpu.memory_space<hbm>> -> memref<128xi32, #tpu.memory_space<hbm>>
        %dma_wait3A_102 = tpu.memref_slice %arg3[%add3A_92] : memref<655360xi32, #tpu.memory_space<hbm>> -> memref<128xi32, #tpu.memory_space<hbm>>
        tpu.wait_dma2 semaphore(%run_scoped3A : memref<!tpu.dma_semaphore, #tpu.memory_space<semaphore_mem>>) src(%dma_wait3A_102 : memref<128xi32, #tpu.memory_space<hbm>>) dst(%arg9 : memref<128xi32, #tpu.memory_space<vmem>>)
        tpu.yield
      }) : () -> ()
      %mul3A_93 = arith.constant 128 : i32
      %mul3A_94 = arith.muli %select_n3A_89, %mul3A_93 : i32
      %add3A_95 = arith.addi %mul3A_13, %mul3A_94 : i32
      "tpu.region"() ({
        %run_scoped3A = tpu.sem_alloc : memref<!tpu.dma_semaphore, #tpu.memory_space<semaphore_mem>>
        %dma_start3A_99 = tpu.memref_slice %arg4[%add3A_95] : memref<327680xi32, #tpu.memory_space<hbm>> -> memref<128xi32, #tpu.memory_space<hbm>>
        %dma_start3A_100 = tpu.memref_slice %arg4[%add3A_95] : memref<327680xi32, #tpu.memory_space<hbm>> -> memref<128xi32, #tpu.memory_space<hbm>>
        tpu.enqueue_dma source(%dma_start3A_100 : memref<128xi32, #tpu.memory_space<hbm>>) target(%arg11 : memref<128xi32, #tpu.memory_space<vmem>>) target_semaphore(%run_scoped3A : memref<!tpu.dma_semaphore, #tpu.memory_space<semaphore_mem>>)
        %dma_wait3A_101 = tpu.memref_slice %arg4[%add3A_95] : memref<327680xi32, #tpu.memory_space<hbm>> -> memref<128xi32, #tpu.memory_space<hbm>>
        %dma_wait3A_102 = tpu.memref_slice %arg4[%add3A_95] : memref<327680xi32, #tpu.memory_space<hbm>> -> memref<128xi32, #tpu.memory_space<hbm>>
        tpu.wait_dma2 semaphore(%run_scoped3A : memref<!tpu.dma_semaphore, #tpu.memory_space<semaphore_mem>>) src(%dma_wait3A_102 : memref<128xi32, #tpu.memory_space<hbm>>) dst(%arg11 : memref<128xi32, #tpu.memory_space<vmem>>)
        tpu.yield
      }) : () -> ()
      %dma_start3A_96 = arith.constant 0 : i32
      %dma_start3A_97 = arith.constant 0 : i32
      %dma_start3A_98 = tpu.memref_slice %arg2[%dma_start3A_96, %dma_start3A_97] : memref<20000x128xf32, #tpu.memory_space<hbm>> -> memref<20000x128xf32, #tpu.memory_space<hbm>>
      tpu.enqueue_indirect_dma source(%dma_start3A_98 : memref<20000x128xf32, #tpu.memory_space<hbm>>) target(%arg14 : memref<128x128xf32, #tpu.memory_space<vmem>>) offsets(%arg9 : memref<128xi32, #tpu.memory_space<vmem>>) semaphore(%arg17 : memref<!tpu.dma_semaphore, #tpu.memory_space<semaphore_mem>>)
    }
    %scan3A_32 = arith.constant 80 : i32
    %dma_wait3A = arith.constant 0 : i32
    %dma_wait3A_33 = arith.constant 0 : i32
    %dma_wait3A_34 = tpu.memref_slice %arg2[%dma_wait3A, %dma_wait3A_33] : memref<20000x128xf32, #tpu.memory_space<hbm>> -> memref<20000x128xf32, #tpu.memory_space<hbm>>
    tpu.wait_indirect_dma semaphore(%arg16 : memref<!tpu.dma_semaphore, #tpu.memory_space<semaphore_mem>>) src(%dma_wait3A_34 : memref<20000x128xf32, #tpu.memory_space<hbm>>) dst(%arg13 : memref<128x128xf32, #tpu.memory_space<vmem>>)
    %dma_wait3A_35 = arith.constant 0 : i32
    %dma_wait3A_36 = arith.constant 0 : i32
    %dma_wait3A_37 = tpu.memref_slice %arg2[%dma_wait3A_35, %dma_wait3A_36] : memref<20000x128xf32, #tpu.memory_space<hbm>> -> memref<20000x128xf32, #tpu.memory_space<hbm>>
    tpu.wait_indirect_dma semaphore(%arg17 : memref<!tpu.dma_semaphore, #tpu.memory_space<semaphore_mem>>) src(%dma_wait3A_37 : memref<20000x128xf32, #tpu.memory_space<hbm>>) dst(%arg14 : memref<128x128xf32, #tpu.memory_space<vmem>>)
    %barrier3A_38 = arith.constant 0 : index
    tpu.barrier barrier_id(%barrier3A_38)
    %lt3A = arith.constant 15 : i32
    %lt3A_39 = arith.cmpi slt, %arg1, %lt3A : i32
    %jit3A = arith.constant 8 : i32
    %jit3A_40 = arith.constant 5 : i32
    %select_n3A = arith.select %lt3A_39, %jit3A, %jit3A_40 : i32
    %while3A = arith.constant 0 : i32
    %while3A_41 = arith.constant 0 : i32
    %while3A_42 = arith.subi %select_n3A, %while3A_41 : i32
    %while3A_43 = arith.addi %while3A_41, %while3A_42 : i32
    %while3A_44 = arith.constant 1 : i32
    %while3A_45 = arith.divsi %while3A_42, %while3A_44 : i32
    %while3A_46 = arith.muli %while3A_45, %while3A_44 : i32
    %while3A_47 = arith.addi %while3A_41, %while3A_46 : i32
    %while3A_48 = arith.constant 1 : i32
    scf.for %while3A_50 = %while3A_41 to %while3A_47 step %while3A_48  : i32 {
      %mul3A_51 = arith.constant 8 : i32
      %mul3A_52 = arith.muli %arg1, %mul3A_51 : i32
      %add3A_53 = arith.addi %mul3A_52, %while3A_50 : i32
      %mul3A_54 = arith.constant 80 : i32
      %mul3A_55 = arith.muli %add3A_53, %mul3A_54 : i32
      "tpu.region"() ({
        %run_scoped3A = tpu.sem_alloc : memref<!tpu.dma_semaphore, #tpu.memory_space<semaphore_mem>>
        %dma_start3A_71 = tpu.memref_slice %arg5[%mul3A_55] : memref<10240xi32, #tpu.memory_space<hbm>> -> memref<80xi32, #tpu.memory_space<hbm>>
        %dma_start3A_72 = tpu.memref_slice %arg5[%mul3A_55] : memref<10240xi32, #tpu.memory_space<hbm>> -> memref<80xi32, #tpu.memory_space<hbm>>
        tpu.enqueue_dma source(%dma_start3A_72 : memref<80xi32, #tpu.memory_space<hbm>>) target(%arg12 : memref<80xi32, #tpu.memory_space<vmem>>) target_semaphore(%run_scoped3A : memref<!tpu.dma_semaphore, #tpu.memory_space<semaphore_mem>>)
        %dma_wait3A_73 = tpu.memref_slice %arg5[%mul3A_55] : memref<10240xi32, #tpu.memory_space<hbm>> -> memref<80xi32, #tpu.memory_space<hbm>>
        %dma_wait3A_74 = tpu.memref_slice %arg5[%mul3A_55] : memref<10240xi32, #tpu.memory_space<hbm>> -> memref<80xi32, #tpu.memory_space<hbm>>
        tpu.wait_dma2 semaphore(%run_scoped3A : memref<!tpu.dma_semaphore, #tpu.memory_space<semaphore_mem>>) src(%dma_wait3A_74 : memref<80xi32, #tpu.memory_space<hbm>>) dst(%arg12 : memref<80xi32, #tpu.memory_space<vmem>>)
        tpu.yield
      }) : () -> ()
      %dma_start3A_56 = arith.constant 0 : i32
      %dma_start3A_57 = arith.constant 0 : i32
      %dma_start3A_58 = tpu.memref_slice %arg13[%dma_start3A_56, %dma_start3A_57] : memref<128x128xf32, #tpu.memory_space<vmem>> -> memref<80x128xf32, #tpu.memory_space<vmem>>
      %dma_start3A_59 = arith.constant 0 : i32
      %dma_start3A_60 = arith.constant 0 : i32
      %dma_start3A_61 = tpu.memref_slice %arg7[%dma_start3A_59, %dma_start3A_60] : memref<10008x128xf32, #tpu.memory_space<vmem_shared>> -> memref<10008x128xf32, #tpu.memory_space<vmem_shared>>
      tpu.enqueue_indirect_dma source(%dma_start3A_61 : memref<10008x128xf32, #tpu.memory_space<vmem_shared>>) target(%dma_start3A_58 : memref<80x128xf32, #tpu.memory_space<vmem>>) offsets(%arg12 : memref<80xi32, #tpu.memory_space<vmem>>) semaphore(%arg15 : memref<!tpu.dma_semaphore, #tpu.memory_space<semaphore_mem>>)
      %dma_wait3A_62 = arith.constant 0 : i32
      %dma_wait3A_63 = arith.constant 0 : i32
      %dma_wait3A_64 = tpu.memref_slice %arg13[%dma_wait3A_62, %dma_wait3A_63] : memref<128x128xf32, #tpu.memory_space<vmem>> -> memref<80x128xf32, #tpu.memory_space<vmem>>
      %dma_wait3A_65 = arith.constant 0 : i32
      %dma_wait3A_66 = arith.constant 0 : i32
      %dma_wait3A_67 = tpu.memref_slice %arg7[%dma_wait3A_65, %dma_wait3A_66] : memref<10008x128xf32, #tpu.memory_space<vmem_shared>> -> memref<10008x128xf32, #tpu.memory_space<vmem_shared>>
      tpu.wait_indirect_dma semaphore(%arg15 : memref<!tpu.dma_semaphore, #tpu.memory_space<semaphore_mem>>) src(%dma_wait3A_67 : memref<10008x128xf32, #tpu.memory_space<vmem_shared>>) dst(%dma_wait3A_64 : memref<80x128xf32, #tpu.memory_space<vmem>>)
      %mul3A_68 = arith.constant 10000 : i32
      %mul3A_69 = arith.muli %arg0, %mul3A_68 : i32
      %add3A_70 = arith.addi %mul3A_69, %mul3A_55 : i32
      "tpu.region"() ({
        %run_scoped3A = tpu.sem_alloc : memref<!tpu.dma_semaphore, #tpu.memory_space<semaphore_mem>>
        %dma_start3A_71 = arith.constant 0 : i32
        %dma_start3A_72 = arith.constant 0 : i32
        %dma_start3A_73 = tpu.memref_slice %arg13[%dma_start3A_71, %dma_start3A_72] : memref<128x128xf32, #tpu.memory_space<vmem>> -> memref<80x128xf32, #tpu.memory_space<vmem>>
        %dma_start3A_74 = arith.constant 0 : i32
        %dma_start3A_75 = tpu.memref_slice %arg6[%add3A_70, %dma_start3A_74] : memref<20000x128xf32, #tpu.memory_space<hbm>> -> memref<80x128xf32, #tpu.memory_space<hbm>>
        %dma_start3A_76 = arith.constant 0 : i32
        %dma_start3A_77 = tpu.memref_slice %arg6[%add3A_70, %dma_start3A_76] : memref<20000x128xf32, #tpu.memory_space<hbm>> -> memref<80x128xf32, #tpu.memory_space<hbm>>
        %dma_start3A_78 = arith.constant 0 : i32
        %dma_start3A_79 = arith.constant 0 : i32
        %dma_start3A_80 = tpu.memref_slice %arg13[%dma_start3A_78, %dma_start3A_79] : memref<128x128xf32, #tpu.memory_space<vmem>> -> memref<80x128xf32, #tpu.memory_space<vmem>>
        tpu.enqueue_dma source(%dma_start3A_80 : memref<80x128xf32, #tpu.memory_space<vmem>>) target(%dma_start3A_77 : memref<80x128xf32, #tpu.memory_space<hbm>>) target_semaphore(%run_scoped3A : memref<!tpu.dma_semaphore, #tpu.memory_space<semaphore_mem>>)
        %dma_wait3A_81 = arith.constant 0 : i32
        %dma_wait3A_82 = arith.constant 0 : i32
        %dma_wait3A_83 = tpu.memref_slice %arg13[%dma_wait3A_81, %dma_wait3A_82] : memref<128x128xf32, #tpu.memory_space<vmem>> -> memref<80x128xf32, #tpu.memory_space<vmem>>
        %dma_wait3A_84 = arith.constant 0 : i32
        %dma_wait3A_85 = tpu.memref_slice %arg6[%add3A_70, %dma_wait3A_84] : memref<20000x128xf32, #tpu.memory_space<hbm>> -> memref<80x128xf32, #tpu.memory_space<hbm>>
        %dma_wait3A_86 = arith.constant 0 : i32
        %dma_wait3A_87 = tpu.memref_slice %arg6[%add3A_70, %dma_wait3A_86] : memref<20000x128xf32, #tpu.memory_space<hbm>> -> memref<80x128xf32, #tpu.memory_space<hbm>>
        %dma_wait3A_88 = arith.constant 0 : i32
        %dma_wait3A_89 = arith.constant 0 : i32
        %dma_wait3A_90 = tpu.memref_slice %arg13[%dma_wait3A_88, %dma_wait3A_89] : memref<128x128xf32, #tpu.memory_space<vmem>> -> memref<80x128xf32, #tpu.memory_space<vmem>>
        tpu.wait_dma2 semaphore(%run_scoped3A : memref<!tpu.dma_semaphore, #tpu.memory_space<semaphore_mem>>) src(%dma_wait3A_90 : memref<80x128xf32, #tpu.memory_space<vmem>>) dst(%dma_wait3A_87 : memref<80x128xf32, #tpu.memory_space<hbm>>)
        tpu.yield
      }) : () -> ()
    }
    %while3A_49 = arith.constant 1 : i32
    scf.for %while3A_50 = %while3A_47 to %while3A_43 step %while3A_49  : i32 {
      %mul3A_51 = arith.constant 8 : i32
      %mul3A_52 = arith.muli %arg1, %mul3A_51 : i32
      %add3A_53 = arith.addi %mul3A_52, %while3A_50 : i32
      %mul3A_54 = arith.constant 80 : i32
      %mul3A_55 = arith.muli %add3A_53, %mul3A_54 : i32
      "tpu.region"() ({
        %run_scoped3A = tpu.sem_alloc : memref<!tpu.dma_semaphore, #tpu.memory_space<semaphore_mem>>
        %dma_start3A_71 = tpu.memref_slice %arg5[%mul3A_55] : memref<10240xi32, #tpu.memory_space<hbm>> -> memref<80xi32, #tpu.memory_space<hbm>>
        %dma_start3A_72 = tpu.memref_slice %arg5[%mul3A_55] : memref<10240xi32, #tpu.memory_space<hbm>> -> memref<80xi32, #tpu.memory_space<hbm>>
        tpu.enqueue_dma source(%dma_start3A_72 : memref<80xi32, #tpu.memory_space<hbm>>) target(%arg12 : memref<80xi32, #tpu.memory_space<vmem>>) target_semaphore(%run_scoped3A : memref<!tpu.dma_semaphore, #tpu.memory_space<semaphore_mem>>)
        %dma_wait3A_73 = tpu.memref_slice %arg5[%mul3A_55] : memref<10240xi32, #tpu.memory_space<hbm>> -> memref<80xi32, #tpu.memory_space<hbm>>
        %dma_wait3A_74 = tpu.memref_slice %arg5[%mul3A_55] : memref<10240xi32, #tpu.memory_space<hbm>> -> memref<80xi32, #tpu.memory_space<hbm>>
        tpu.wait_dma2 semaphore(%run_scoped3A : memref<!tpu.dma_semaphore, #tpu.memory_space<semaphore_mem>>) src(%dma_wait3A_74 : memref<80xi32, #tpu.memory_space<hbm>>) dst(%arg12 : memref<80xi32, #tpu.memory_space<vmem>>)
        tpu.yield
      }) : () -> ()
      %dma_start3A_56 = arith.constant 0 : i32
      %dma_start3A_57 = arith.constant 0 : i32
      %dma_start3A_58 = tpu.memref_slice %arg13[%dma_start3A_56, %dma_start3A_57] : memref<128x128xf32, #tpu.memory_space<vmem>> -> memref<80x128xf32, #tpu.memory_space<vmem>>
      %dma_start3A_59 = arith.constant 0 : i32
      %dma_start3A_60 = arith.constant 0 : i32
      %dma_start3A_61 = tpu.memref_slice %arg7[%dma_start3A_59, %dma_start3A_60] : memref<10008x128xf32, #tpu.memory_space<vmem_shared>> -> memref<10008x128xf32, #tpu.memory_space<vmem_shared>>
      tpu.enqueue_indirect_dma source(%dma_start3A_61 : memref<10008x128xf32, #tpu.memory_space<vmem_shared>>) target(%dma_start3A_58 : memref<80x128xf32, #tpu.memory_space<vmem>>) offsets(%arg12 : memref<80xi32, #tpu.memory_space<vmem>>) semaphore(%arg15 : memref<!tpu.dma_semaphore, #tpu.memory_space<semaphore_mem>>)
      %dma_wait3A_62 = arith.constant 0 : i32
      %dma_wait3A_63 = arith.constant 0 : i32
      %dma_wait3A_64 = tpu.memref_slice %arg13[%dma_wait3A_62, %dma_wait3A_63] : memref<128x128xf32, #tpu.memory_space<vmem>> -> memref<80x128xf32, #tpu.memory_space<vmem>>
      %dma_wait3A_65 = arith.constant 0 : i32
      %dma_wait3A_66 = arith.constant 0 : i32
      %dma_wait3A_67 = tpu.memref_slice %arg7[%dma_wait3A_65, %dma_wait3A_66] : memref<10008x128xf32, #tpu.memory_space<vmem_shared>> -> memref<10008x128xf32, #tpu.memory_space<vmem_shared>>
      tpu.wait_indirect_dma semaphore(%arg15 : memref<!tpu.dma_semaphore, #tpu.memory_space<semaphore_mem>>) src(%dma_wait3A_67 : memref<10008x128xf32, #tpu.memory_space<vmem_shared>>) dst(%dma_wait3A_64 : memref<80x128xf32, #tpu.memory_space<vmem>>)
      %mul3A_68 = arith.constant 10000 : i32
      %mul3A_69 = arith.muli %arg0, %mul3A_68 : i32
      %add3A_70 = arith.addi %mul3A_69, %mul3A_55 : i32
      "tpu.region"() ({
        %run_scoped3A = tpu.sem_alloc : memref<!tpu.dma_semaphore, #tpu.memory_space<semaphore_mem>>
        %dma_start3A_71 = arith.constant 0 : i32
        %dma_start3A_72 = arith.constant 0 : i32
        %dma_start3A_73 = tpu.memref_slice %arg13[%dma_start3A_71, %dma_start3A_72] : memref<128x128xf32, #tpu.memory_space<vmem>> -> memref<80x128xf32, #tpu.memory_space<vmem>>
        %dma_start3A_74 = arith.constant 0 : i32
        %dma_start3A_75 = tpu.memref_slice %arg6[%add3A_70, %dma_start3A_74] : memref<20000x128xf32, #tpu.memory_space<hbm>> -> memref<80x128xf32, #tpu.memory_space<hbm>>
        %dma_start3A_76 = arith.constant 0 : i32
        %dma_start3A_77 = tpu.memref_slice %arg6[%add3A_70, %dma_start3A_76] : memref<20000x128xf32, #tpu.memory_space<hbm>> -> memref<80x128xf32, #tpu.memory_space<hbm>>
        %dma_start3A_78 = arith.constant 0 : i32
        %dma_start3A_79 = arith.constant 0 : i32
        %dma_start3A_80 = tpu.memref_slice %arg13[%dma_start3A_78, %dma_start3A_79] : memref<128x128xf32, #tpu.memory_space<vmem>> -> memref<80x128xf32, #tpu.memory_space<vmem>>
        tpu.enqueue_dma source(%dma_start3A_80 : memref<80x128xf32, #tpu.memory_space<vmem>>) target(%dma_start3A_77 : memref<80x128xf32, #tpu.memory_space<hbm>>) target_semaphore(%run_scoped3A : memref<!tpu.dma_semaphore, #tpu.memory_space<semaphore_mem>>)
        %dma_wait3A_81 = arith.constant 0 : i32
        %dma_wait3A_82 = arith.constant 0 : i32
        %dma_wait3A_83 = tpu.memref_slice %arg13[%dma_wait3A_81, %dma_wait3A_82] : memref<128x128xf32, #tpu.memory_space<vmem>> -> memref<80x128xf32, #tpu.memory_space<vmem>>
        %dma_wait3A_84 = arith.constant 0 : i32
        %dma_wait3A_85 = tpu.memref_slice %arg6[%add3A_70, %dma_wait3A_84] : memref<20000x128xf32, #tpu.memory_space<hbm>> -> memref<80x128xf32, #tpu.memory_space<hbm>>
        %dma_wait3A_86 = arith.constant 0 : i32
        %dma_wait3A_87 = tpu.memref_slice %arg6[%add3A_70, %dma_wait3A_86] : memref<20000x128xf32, #tpu.memory_space<hbm>> -> memref<80x128xf32, #tpu.memory_space<hbm>>
        %dma_wait3A_88 = arith.constant 0 : i32
        %dma_wait3A_89 = arith.constant 0 : i32
        %dma_wait3A_90 = tpu.memref_slice %arg13[%dma_wait3A_88, %dma_wait3A_89] : memref<128x128xf32, #tpu.memory_space<vmem>> -> memref<80x128xf32, #tpu.memory_space<vmem>>
        tpu.wait_dma2 semaphore(%run_scoped3A : memref<!tpu.dma_semaphore, #tpu.memory_space<semaphore_mem>>) src(%dma_wait3A_90 : memref<80x128xf32, #tpu.memory_space<vmem>>) dst(%dma_wait3A_87 : memref<80x128xf32, #tpu.memory_space<hbm>>)
        tpu.yield
      }) : () -> ()
    }
    return
  }
}

#map = affine_map<(d0, d1) -> (0, 0)>
#map1 = affine_map<(d0, d1) -> (0)>
module attributes {stable_mosaic.version = 14 : i64} {
  func.func @_agg(%arg0: i32, %arg1: i32, %arg2: memref<20000x128xf32, #tpu.memory_space<hbm>>, %arg3: memref<655360xi32, #tpu.memory_space<hbm>>, %arg4: memref<327680xi32, #tpu.memory_space<hbm>>, %arg5: memref<10240xi32, #tpu.memory_space<hbm>>, %arg6: memref<20000x128xf32, #tpu.memory_space<hbm>>, %arg7: memref<10008x128xf32, #tpu.memory_space<vmem_shared>>, %arg8: memref<128xi32, #tpu.memory_space<vmem>>, %arg9: memref<128xi32, #tpu.memory_space<vmem>>, %arg10: memref<128xi32, #tpu.memory_space<vmem>>, %arg11: memref<128xi32, #tpu.memory_space<vmem>>, %arg12: memref<80xi32, #tpu.memory_space<vmem>>, %arg13: memref<128x128xf32, #tpu.memory_space<vmem>>, %arg14: memref<128x128xf32, #tpu.memory_space<vmem>>, %arg15: memref<!tpu.dma_semaphore, #tpu.memory_space<semaphore_mem>>, %arg16: memref<!tpu.dma_semaphore, #tpu.memory_space<semaphore_mem>>, %arg17: memref<!tpu.dma_semaphore, #tpu.memory_space<semaphore_mem>>) attributes {dimension_semantics = [#tpu.dimension_semantics<core_parallel>, #tpu.dimension_semantics<subcore_parallel>], iteration_bounds = array<i64: 2, 16>, scalar_prefetch = 0 : i64, scratch_operands = 11 : i64, tpu.core_type = #tpu.core_type<sc_vector_subcore>, window_params = [{transform_indices = #map}, {transform_indices = #map1}, {transform_indices = #map1}, {transform_indices = #map1}, {transform_indices = #map}]} {
    %scan3A = arith.constant 0 : i32
    %scan3A_0 = arith.constant 0 : i32
    %scan3A_1 = arith.constant 8 : i32
    %scan3A_2 = arith.addi %scan3A_0, %scan3A_1 : i32
    %scan3A_3 = arith.constant 1 : i32
    scf.for %scan3A_50 = %scan3A_0 to %scan3A_2 step %scan3A_3  : i32 {
      %mul3A_51 = arith.constant 8 : i32
      %mul3A_52 = arith.muli %arg1, %mul3A_51 : i32
      %add3A_53 = arith.addi %mul3A_52, %scan3A_50 : i32
      %lt3A_54 = arith.constant 125 : i32
      %lt3A_55 = arith.cmpi slt, %add3A_53, %lt3A_54 : i32
      %mul3A_56 = arith.constant 80 : i32
      %mul3A_57 = arith.muli %add3A_53, %mul3A_56 : i32
      %jit3A_58 = arith.constant 0 : i32
      %select_n3A_59 = arith.select %lt3A_55, %mul3A_57, %jit3A_58 : i32
      %mul3A_60 = arith.constant 80 : i32
      %mul3A_61 = arith.muli %add3A_53, %mul3A_60 : i32
      "tpu.region"() ({
        %run_scoped3A = tpu.sem_alloc : memref<!tpu.dma_semaphore, #tpu.memory_space<semaphore_mem>>
        %dma_start3A_65 = tpu.memref_slice %arg5[%mul3A_61] : memref<10240xi32, #tpu.memory_space<hbm>> -> memref<80xi32, #tpu.memory_space<hbm>>
        %dma_start3A_66 = tpu.memref_slice %arg5[%mul3A_61] : memref<10240xi32, #tpu.memory_space<hbm>> -> memref<80xi32, #tpu.memory_space<hbm>>
        tpu.enqueue_dma source(%dma_start3A_66 : memref<80xi32, #tpu.memory_space<hbm>>) target(%arg12 : memref<80xi32, #tpu.memory_space<vmem>>) target_semaphore(%run_scoped3A : memref<!tpu.dma_semaphore, #tpu.memory_space<semaphore_mem>>)
        %dma_wait3A_67 = tpu.memref_slice %arg5[%mul3A_61] : memref<10240xi32, #tpu.memory_space<hbm>> -> memref<80xi32, #tpu.memory_space<hbm>>
        %dma_wait3A_68 = tpu.memref_slice %arg5[%mul3A_61] : memref<10240xi32, #tpu.memory_space<hbm>> -> memref<80xi32, #tpu.memory_space<hbm>>
        tpu.wait_dma2 semaphore(%run_scoped3A : memref<!tpu.dma_semaphore, #tpu.memory_space<semaphore_mem>>) src(%dma_wait3A_68 : memref<80xi32, #tpu.memory_space<hbm>>) dst(%arg12 : memref<80xi32, #tpu.memory_space<vmem>>)
        tpu.yield
      }) : () -> ()
      %mul3A_62 = arith.constant 10000 : i32
      %mul3A_63 = arith.muli %arg0, %mul3A_62 : i32
      %add3A_64 = arith.addi %mul3A_63, %select_n3A_59 : i32
      "tpu.region"() ({
        %run_scoped3A = tpu.sem_alloc : memref<!tpu.dma_semaphore, #tpu.memory_space<semaphore_mem>>
        %dma_start3A_65 = arith.constant 0 : i32
        %dma_start3A_66 = arith.constant 0 : i32
        %dma_start3A_67 = tpu.memref_slice %arg13[%dma_start3A_65, %dma_start3A_66] : memref<128x128xf32, #tpu.memory_space<vmem>> -> memref<80x128xf32, #tpu.memory_space<vmem>>
        %dma_start3A_68 = arith.constant 0 : i32
        %dma_start3A_69 = tpu.memref_slice %arg2[%add3A_64, %dma_start3A_68] : memref<20000x128xf32, #tpu.memory_space<hbm>> -> memref<80x128xf32, #tpu.memory_space<hbm>>
        %dma_start3A_70 = arith.constant 0 : i32
        %dma_start3A_71 = arith.constant 0 : i32
        %dma_start3A_72 = tpu.memref_slice %arg13[%dma_start3A_70, %dma_start3A_71] : memref<128x128xf32, #tpu.memory_space<vmem>> -> memref<80x128xf32, #tpu.memory_space<vmem>>
        %dma_start3A_73 = arith.constant 0 : i32
        %dma_start3A_74 = tpu.memref_slice %arg2[%add3A_64, %dma_start3A_73] : memref<20000x128xf32, #tpu.memory_space<hbm>> -> memref<80x128xf32, #tpu.memory_space<hbm>>
        tpu.enqueue_dma source(%dma_start3A_74 : memref<80x128xf32, #tpu.memory_space<hbm>>) target(%dma_start3A_72 : memref<80x128xf32, #tpu.memory_space<vmem>>) target_semaphore(%run_scoped3A : memref<!tpu.dma_semaphore, #tpu.memory_space<semaphore_mem>>)
        %dma_wait3A_75 = arith.constant 0 : i32
        %dma_wait3A_76 = arith.constant 0 : i32
        %dma_wait3A_77 = tpu.memref_slice %arg13[%dma_wait3A_75, %dma_wait3A_76] : memref<128x128xf32, #tpu.memory_space<vmem>> -> memref<80x128xf32, #tpu.memory_space<vmem>>
        %dma_wait3A_78 = arith.constant 0 : i32
        %dma_wait3A_79 = tpu.memref_slice %arg2[%add3A_64, %dma_wait3A_78] : memref<20000x128xf32, #tpu.memory_space<hbm>> -> memref<80x128xf32, #tpu.memory_space<hbm>>
        %dma_wait3A_80 = arith.constant 0 : i32
        %dma_wait3A_81 = arith.constant 0 : i32
        %dma_wait3A_82 = tpu.memref_slice %arg13[%dma_wait3A_80, %dma_wait3A_81] : memref<128x128xf32, #tpu.memory_space<vmem>> -> memref<80x128xf32, #tpu.memory_space<vmem>>
        %dma_wait3A_83 = arith.constant 0 : i32
        %dma_wait3A_84 = tpu.memref_slice %arg2[%add3A_64, %dma_wait3A_83] : memref<20000x128xf32, #tpu.memory_space<hbm>> -> memref<80x128xf32, #tpu.memory_space<hbm>>
        tpu.wait_dma2 semaphore(%run_scoped3A : memref<!tpu.dma_semaphore, #tpu.memory_space<semaphore_mem>>) src(%dma_wait3A_84 : memref<80x128xf32, #tpu.memory_space<hbm>>) dst(%dma_wait3A_82 : memref<80x128xf32, #tpu.memory_space<vmem>>)
        tpu.yield
      }) : () -> ()
      "tpu.region"() ({
        %run_scoped3A = tpu.sem_alloc : memref<!tpu.dma_semaphore, #tpu.memory_space<semaphore_mem>>
        %dma_start3A_65 = arith.constant 0 : i32
        %dma_start3A_66 = arith.constant 0 : i32
        %dma_start3A_67 = tpu.memref_slice %arg13[%dma_start3A_65, %dma_start3A_66] : memref<128x128xf32, #tpu.memory_space<vmem>> -> memref<80x128xf32, #tpu.memory_space<vmem>>
        %dma_start3A_68 = arith.constant 0 : i32
        %dma_start3A_69 = arith.constant 0 : i32
        %dma_start3A_70 = tpu.memref_slice %arg7[%dma_start3A_68, %dma_start3A_69] : memref<10008x128xf32, #tpu.memory_space<vmem_shared>> -> memref<10008x128xf32, #tpu.memory_space<vmem_shared>>
        tpu.enqueue_indirect_dma source(%dma_start3A_67 : memref<80x128xf32, #tpu.memory_space<vmem>>) target(%dma_start3A_70 : memref<10008x128xf32, #tpu.memory_space<vmem_shared>>) offsets(%arg12 : memref<80xi32, #tpu.memory_space<vmem>>) semaphore(%run_scoped3A : memref<!tpu.dma_semaphore, #tpu.memory_space<semaphore_mem>>)
        %dma_wait3A_71 = arith.constant 0 : i32
        %dma_wait3A_72 = arith.constant 0 : i32
        %dma_wait3A_73 = tpu.memref_slice %arg13[%dma_wait3A_71, %dma_wait3A_72] : memref<128x128xf32, #tpu.memory_space<vmem>> -> memref<80x128xf32, #tpu.memory_space<vmem>>
        %dma_wait3A_74 = arith.constant 0 : i32
        %dma_wait3A_75 = arith.constant 0 : i32
        %dma_wait3A_76 = tpu.memref_slice %arg7[%dma_wait3A_74, %dma_wait3A_75] : memref<10008x128xf32, #tpu.memory_space<vmem_shared>> -> memref<10008x128xf32, #tpu.memory_space<vmem_shared>>
        tpu.wait_indirect_dma semaphore(%run_scoped3A : memref<!tpu.dma_semaphore, #tpu.memory_space<semaphore_mem>>) src(%dma_wait3A_73 : memref<80x128xf32, #tpu.memory_space<vmem>>) dst(%dma_wait3A_76 : memref<10008x128xf32, #tpu.memory_space<vmem_shared>>)
        tpu.yield
      }) : () -> ()
    }
    %scan3A_4 = arith.constant 8 : i32
    %barrier3A = arith.constant 0 : index
    tpu.barrier barrier_id(%barrier3A)
    %mul3A = arith.constant 16 : i32
    %mul3A_5 = arith.muli %arg0, %mul3A : i32
    %add3A = arith.addi %mul3A_5, %arg1 : i32
    %mul3A_6 = arith.constant 160 : i32
    %mul3A_7 = arith.muli %add3A, %mul3A_6 : i32
    %mul3A_8 = arith.constant 128 : i32
    %mul3A_9 = arith.muli %mul3A_7, %mul3A_8 : i32
    %mul3A_10 = arith.constant 160 : i32
    %mul3A_11 = arith.muli %arg1, %mul3A_10 : i32
    %mul3A_12 = arith.constant 128 : i32
    %mul3A_13 = arith.muli %mul3A_11, %mul3A_12 : i32
    %add3A_14 = arith.constant 0 : i32
    %add3A_15 = arith.addi %mul3A_9, %add3A_14 : i32
    "tpu.region"() ({
      %run_scoped3A = tpu.sem_alloc : memref<!tpu.dma_semaphore, #tpu.memory_space<semaphore_mem>>
      %dma_start3A_50 = tpu.memref_slice %arg3[%add3A_15] : memref<655360xi32, #tpu.memory_space<hbm>> -> memref<128xi32, #tpu.memory_space<hbm>>
      %dma_start3A_51 = tpu.memref_slice %arg3[%add3A_15] : memref<655360xi32, #tpu.memory_space<hbm>> -> memref<128xi32, #tpu.memory_space<hbm>>
      tpu.enqueue_dma source(%dma_start3A_51 : memref<128xi32, #tpu.memory_space<hbm>>) target(%arg8 : memref<128xi32, #tpu.memory_space<vmem>>) target_semaphore(%run_scoped3A : memref<!tpu.dma_semaphore, #tpu.memory_space<semaphore_mem>>)
      %dma_wait3A_52 = tpu.memref_slice %arg3[%add3A_15] : memref<655360xi32, #tpu.memory_space<hbm>> -> memref<128xi32, #tpu.memory_space<hbm>>
      %dma_wait3A_53 = tpu.memref_slice %arg3[%add3A_15] : memref<655360xi32, #tpu.memory_space<hbm>> -> memref<128xi32, #tpu.memory_space<hbm>>
      tpu.wait_dma2 semaphore(%run_scoped3A : memref<!tpu.dma_semaphore, #tpu.memory_space<semaphore_mem>>) src(%dma_wait3A_53 : memref<128xi32, #tpu.memory_space<hbm>>) dst(%arg8 : memref<128xi32, #tpu.memory_space<vmem>>)
      tpu.yield
    }) : () -> ()
    %add3A_16 = arith.constant 0 : i32
    %add3A_17 = arith.addi %mul3A_13, %add3A_16 : i32
    "tpu.region"() ({
      %run_scoped3A = tpu.sem_alloc : memref<!tpu.dma_semaphore, #tpu.memory_space<semaphore_mem>>
      %dma_start3A_50 = tpu.memref_slice %arg4[%add3A_17] : memref<327680xi32, #tpu.memory_space<hbm>> -> memref<128xi32, #tpu.memory_space<hbm>>
      %dma_start3A_51 = tpu.memref_slice %arg4[%add3A_17] : memref<327680xi32, #tpu.memory_space<hbm>> -> memref<128xi32, #tpu.memory_space<hbm>>
      tpu.enqueue_dma source(%dma_start3A_51 : memref<128xi32, #tpu.memory_space<hbm>>) target(%arg10 : memref<128xi32, #tpu.memory_space<vmem>>) target_semaphore(%run_scoped3A : memref<!tpu.dma_semaphore, #tpu.memory_space<semaphore_mem>>)
      %dma_wait3A_52 = tpu.memref_slice %arg4[%add3A_17] : memref<327680xi32, #tpu.memory_space<hbm>> -> memref<128xi32, #tpu.memory_space<hbm>>
      %dma_wait3A_53 = tpu.memref_slice %arg4[%add3A_17] : memref<327680xi32, #tpu.memory_space<hbm>> -> memref<128xi32, #tpu.memory_space<hbm>>
      tpu.wait_dma2 semaphore(%run_scoped3A : memref<!tpu.dma_semaphore, #tpu.memory_space<semaphore_mem>>) src(%dma_wait3A_53 : memref<128xi32, #tpu.memory_space<hbm>>) dst(%arg10 : memref<128xi32, #tpu.memory_space<vmem>>)
      tpu.yield
    }) : () -> ()
    %dma_start3A = arith.constant 0 : i32
    %dma_start3A_18 = arith.constant 0 : i32
    %dma_start3A_19 = tpu.memref_slice %arg2[%dma_start3A, %dma_start3A_18] : memref<20000x128xf32, #tpu.memory_space<hbm>> -> memref<20000x128xf32, #tpu.memory_space<hbm>>
    tpu.enqueue_indirect_dma source(%dma_start3A_19 : memref<20000x128xf32, #tpu.memory_space<hbm>>) target(%arg13 : memref<128x128xf32, #tpu.memory_space<vmem>>) offsets(%arg8 : memref<128xi32, #tpu.memory_space<vmem>>) semaphore(%arg16 : memref<!tpu.dma_semaphore, #tpu.memory_space<semaphore_mem>>)
    %add3A_20 = arith.constant 128 : i32
    %add3A_21 = arith.addi %mul3A_9, %add3A_20 : i32
    "tpu.region"() ({
      %run_scoped3A = tpu.sem_alloc : memref<!tpu.dma_semaphore, #tpu.memory_space<semaphore_mem>>
      %dma_start3A_50 = tpu.memref_slice %arg3[%add3A_21] : memref<655360xi32, #tpu.memory_space<hbm>> -> memref<128xi32, #tpu.memory_space<hbm>>
      %dma_start3A_51 = tpu.memref_slice %arg3[%add3A_21] : memref<655360xi32, #tpu.memory_space<hbm>> -> memref<128xi32, #tpu.memory_space<hbm>>
      tpu.enqueue_dma source(%dma_start3A_51 : memref<128xi32, #tpu.memory_space<hbm>>) target(%arg9 : memref<128xi32, #tpu.memory_space<vmem>>) target_semaphore(%run_scoped3A : memref<!tpu.dma_semaphore, #tpu.memory_space<semaphore_mem>>)
      %dma_wait3A_52 = tpu.memref_slice %arg3[%add3A_21] : memref<655360xi32, #tpu.memory_space<hbm>> -> memref<128xi32, #tpu.memory_space<hbm>>
      %dma_wait3A_53 = tpu.memref_slice %arg3[%add3A_21] : memref<655360xi32, #tpu.memory_space<hbm>> -> memref<128xi32, #tpu.memory_space<hbm>>
      tpu.wait_dma2 semaphore(%run_scoped3A : memref<!tpu.dma_semaphore, #tpu.memory_space<semaphore_mem>>) src(%dma_wait3A_53 : memref<128xi32, #tpu.memory_space<hbm>>) dst(%arg9 : memref<128xi32, #tpu.memory_space<vmem>>)
      tpu.yield
    }) : () -> ()
    %add3A_22 = arith.constant 128 : i32
    %add3A_23 = arith.addi %mul3A_13, %add3A_22 : i32
    "tpu.region"() ({
      %run_scoped3A = tpu.sem_alloc : memref<!tpu.dma_semaphore, #tpu.memory_space<semaphore_mem>>
      %dma_start3A_50 = tpu.memref_slice %arg4[%add3A_23] : memref<327680xi32, #tpu.memory_space<hbm>> -> memref<128xi32, #tpu.memory_space<hbm>>
      %dma_start3A_51 = tpu.memref_slice %arg4[%add3A_23] : memref<327680xi32, #tpu.memory_space<hbm>> -> memref<128xi32, #tpu.memory_space<hbm>>
      tpu.enqueue_dma source(%dma_start3A_51 : memref<128xi32, #tpu.memory_space<hbm>>) target(%arg11 : memref<128xi32, #tpu.memory_space<vmem>>) target_semaphore(%run_scoped3A : memref<!tpu.dma_semaphore, #tpu.memory_space<semaphore_mem>>)
      %dma_wait3A_52 = tpu.memref_slice %arg4[%add3A_23] : memref<327680xi32, #tpu.memory_space<hbm>> -> memref<128xi32, #tpu.memory_space<hbm>>
      %dma_wait3A_53 = tpu.memref_slice %arg4[%add3A_23] : memref<327680xi32, #tpu.memory_space<hbm>> -> memref<128xi32, #tpu.memory_space<hbm>>
      tpu.wait_dma2 semaphore(%run_scoped3A : memref<!tpu.dma_semaphore, #tpu.memory_space<semaphore_mem>>) src(%dma_wait3A_53 : memref<128xi32, #tpu.memory_space<hbm>>) dst(%arg11 : memref<128xi32, #tpu.memory_space<vmem>>)
      tpu.yield
    }) : () -> ()
    %dma_start3A_24 = arith.constant 0 : i32
    %dma_start3A_25 = arith.constant 0 : i32
    %dma_start3A_26 = tpu.memref_slice %arg2[%dma_start3A_24, %dma_start3A_25] : memref<20000x128xf32, #tpu.memory_space<hbm>> -> memref<20000x128xf32, #tpu.memory_space<hbm>>
    tpu.enqueue_indirect_dma source(%dma_start3A_26 : memref<20000x128xf32, #tpu.memory_space<hbm>>) target(%arg14 : memref<128x128xf32, #tpu.memory_space<vmem>>) offsets(%arg9 : memref<128xi32, #tpu.memory_space<vmem>>) semaphore(%arg17 : memref<!tpu.dma_semaphore, #tpu.memory_space<semaphore_mem>>)
    %scan3A_27 = arith.constant 0 : i32
    %scan3A_28 = arith.constant 0 : i32
    %scan3A_29 = arith.constant 80 : i32
    %scan3A_30 = arith.addi %scan3A_28, %scan3A_29 : i32
    %scan3A_31 = arith.constant 1 : i32
    scf.for %scan3A_50 = %scan3A_28 to %scan3A_30 step %scan3A_31  : i32 {
      %mul3A_51 = arith.constant 2 : i32
      %mul3A_52 = arith.muli %mul3A_51, %scan3A_50 : i32
      %add3A_53 = arith.constant 0 : i32
      %add3A_54 = arith.addi %mul3A_52, %add3A_53 : i32
      %dma_wait3A_55 = arith.constant 0 : i32
      %dma_wait3A_56 = arith.constant 0 : i32
      %dma_wait3A_57 = tpu.memref_slice %arg2[%dma_wait3A_55, %dma_wait3A_56] : memref<20000x128xf32, #tpu.memory_space<hbm>> -> memref<20000x128xf32, #tpu.memory_space<hbm>>
      tpu.wait_indirect_dma semaphore(%arg16 : memref<!tpu.dma_semaphore, #tpu.memory_space<semaphore_mem>>) src(%dma_wait3A_57 : memref<20000x128xf32, #tpu.memory_space<hbm>>) dst(%arg13 : memref<128x128xf32, #tpu.memory_space<vmem>>)
      "tpu.region"() ({
        %run_scoped3A = tpu.sem_alloc : memref<!tpu.dma_semaphore, #tpu.memory_space<semaphore_mem>>
        %dma_start3A_99 = arith.constant 0 : i32
        %dma_start3A_100 = arith.constant 0 : i32
        %dma_start3A_101 = tpu.memref_slice %arg7[%dma_start3A_99, %dma_start3A_100] : memref<10008x128xf32, #tpu.memory_space<vmem_shared>> -> memref<10008x128xf32, #tpu.memory_space<vmem_shared>>
        tpu.enqueue_indirect_dma source(%arg13 : memref<128x128xf32, #tpu.memory_space<vmem>>) target(%dma_start3A_101 : memref<10008x128xf32, #tpu.memory_space<vmem_shared>>) offsets(%arg10 : memref<128xi32, #tpu.memory_space<vmem>>) semaphore(%run_scoped3A : memref<!tpu.dma_semaphore, #tpu.memory_space<semaphore_mem>>) {add = true}
        %dma_wait3A_102 = arith.constant 0 : i32
        %dma_wait3A_103 = arith.constant 0 : i32
        %dma_wait3A_104 = tpu.memref_slice %arg7[%dma_wait3A_102, %dma_wait3A_103] : memref<10008x128xf32, #tpu.memory_space<vmem_shared>> -> memref<10008x128xf32, #tpu.memory_space<vmem_shared>>
        tpu.wait_indirect_dma semaphore(%run_scoped3A : memref<!tpu.dma_semaphore, #tpu.memory_space<semaphore_mem>>) src(%arg13 : memref<128x128xf32, #tpu.memory_space<vmem>>) dst(%dma_wait3A_104 : memref<10008x128xf32, #tpu.memory_space<vmem_shared>>)
        tpu.yield
      }) : () -> ()
      %add3A_58 = arith.constant 2 : i32
      %add3A_59 = arith.addi %add3A_54, %add3A_58 : i32
      %lt3A_60 = arith.constant 160 : i32
      %lt3A_61 = arith.cmpi slt, %add3A_59, %lt3A_60 : i32
      %add3A_62 = arith.constant 2 : i32
      %add3A_63 = arith.addi %add3A_54, %add3A_62 : i32
      %jit3A_64 = arith.constant 0 : i32
      %select_n3A_65 = arith.select %lt3A_61, %add3A_63, %jit3A_64 : i32
      %mul3A_66 = arith.constant 128 : i32
      %mul3A_67 = arith.muli %select_n3A_65, %mul3A_66 : i32
      %add3A_68 = arith.addi %mul3A_9, %mul3A_67 : i32
      "tpu.region"() ({
        %run_scoped3A = tpu.sem_alloc : memref<!tpu.dma_semaphore, #tpu.memory_space<semaphore_mem>>
        %dma_start3A_99 = tpu.memref_slice %arg3[%add3A_68] : memref<655360xi32, #tpu.memory_space<hbm>> -> memref<128xi32, #tpu.memory_space<hbm>>
        %dma_start3A_100 = tpu.memref_slice %arg3[%add3A_68] : memref<655360xi32, #tpu.memory_space<hbm>> -> memref<128xi32, #tpu.memory_space<hbm>>
        tpu.enqueue_dma source(%dma_start3A_100 : memref<128xi32, #tpu.memory_space<hbm>>) target(%arg8 : memref<128xi32, #tpu.memory_space<vmem>>) target_semaphore(%run_scoped3A : memref<!tpu.dma_semaphore, #tpu.memory_space<semaphore_mem>>)
        %dma_wait3A_101 = tpu.memref_slice %arg3[%add3A_68] : memref<655360xi32, #tpu.memory_space<hbm>> -> memref<128xi32, #tpu.memory_space<hbm>>
        %dma_wait3A_102 = tpu.memref_slice %arg3[%add3A_68] : memref<655360xi32, #tpu.memory_space<hbm>> -> memref<128xi32, #tpu.memory_space<hbm>>
        tpu.wait_dma2 semaphore(%run_scoped3A : memref<!tpu.dma_semaphore, #tpu.memory_space<semaphore_mem>>) src(%dma_wait3A_102 : memref<128xi32, #tpu.memory_space<hbm>>) dst(%arg8 : memref<128xi32, #tpu.memory_space<vmem>>)
        tpu.yield
      }) : () -> ()
      %mul3A_69 = arith.constant 128 : i32
      %mul3A_70 = arith.muli %select_n3A_65, %mul3A_69 : i32
      %add3A_71 = arith.addi %mul3A_13, %mul3A_70 : i32
      "tpu.region"() ({
        %run_scoped3A = tpu.sem_alloc : memref<!tpu.dma_semaphore, #tpu.memory_space<semaphore_mem>>
        %dma_start3A_99 = tpu.memref_slice %arg4[%add3A_71] : memref<327680xi32, #tpu.memory_space<hbm>> -> memref<128xi32, #tpu.memory_space<hbm>>
        %dma_start3A_100 = tpu.memref_slice %arg4[%add3A_71] : memref<327680xi32, #tpu.memory_space<hbm>> -> memref<128xi32, #tpu.memory_space<hbm>>
        tpu.enqueue_dma source(%dma_start3A_100 : memref<128xi32, #tpu.memory_space<hbm>>) target(%arg10 : memref<128xi32, #tpu.memory_space<vmem>>) target_semaphore(%run_scoped3A : memref<!tpu.dma_semaphore, #tpu.memory_space<semaphore_mem>>)
        %dma_wait3A_101 = tpu.memref_slice %arg4[%add3A_71] : memref<327680xi32, #tpu.memory_space<hbm>> -> memref<128xi32, #tpu.memory_space<hbm>>
        %dma_wait3A_102 = tpu.memref_slice %arg4[%add3A_71] : memref<327680xi32, #tpu.memory_space<hbm>> -> memref<128xi32, #tpu.memory_space<hbm>>
        tpu.wait_dma2 semaphore(%run_scoped3A : memref<!tpu.dma_semaphore, #tpu.memory_space<semaphore_mem>>) src(%dma_wait3A_102 : memref<128xi32, #tpu.memory_space<hbm>>) dst(%arg10 : memref<128xi32, #tpu.memory_space<vmem>>)
        tpu.yield
      }) : () -> ()
      %dma_start3A_72 = arith.constant 0 : i32
      %dma_start3A_73 = arith.constant 0 : i32
      %dma_start3A_74 = tpu.memref_slice %arg2[%dma_start3A_72, %dma_start3A_73] : memref<20000x128xf32, #tpu.memory_space<hbm>> -> memref<20000x128xf32, #tpu.memory_space<hbm>>
      tpu.enqueue_indirect_dma source(%dma_start3A_74 : memref<20000x128xf32, #tpu.memory_space<hbm>>) target(%arg13 : memref<128x128xf32, #tpu.memory_space<vmem>>) offsets(%arg8 : memref<128xi32, #tpu.memory_space<vmem>>) semaphore(%arg16 : memref<!tpu.dma_semaphore, #tpu.memory_space<semaphore_mem>>)
      %mul3A_75 = arith.constant 2 : i32
      %mul3A_76 = arith.muli %mul3A_75, %scan3A_50 : i32
      %add3A_77 = arith.constant 1 : i32
      %add3A_78 = arith.addi %mul3A_76, %add3A_77 : i32
      %dma_wait3A_79 = arith.constant 0 : i32
      %dma_wait3A_80 = arith.constant 0 : i32
      %dma_wait3A_81 = tpu.memref_slice %arg2[%dma_wait3A_79, %dma_wait3A_80] : memref<20000x128xf32, #tpu.memory_space<hbm>> -> memref<20000x128xf32, #tpu.memory_space<hbm>>
      tpu.wait_indirect_dma semaphore(%arg17 : memref<!tpu.dma_semaphore, #tpu.memory_space<semaphore_mem>>) src(%dma_wait3A_81 : memref<20000x128xf32, #tpu.memory_space<hbm>>) dst(%arg14 : memref<128x128xf32, #tpu.memory_space<vmem>>)
      "tpu.region"() ({
        %run_scoped3A = tpu.sem_alloc : memref<!tpu.dma_semaphore, #tpu.memory_space<semaphore_mem>>
        %dma_start3A_99 = arith.constant 0 : i32
        %dma_start3A_100 = arith.constant 0 : i32
        %dma_start3A_101 = tpu.memref_slice %arg7[%dma_start3A_99, %dma_start3A_100] : memref<10008x128xf32, #tpu.memory_space<vmem_shared>> -> memref<10008x128xf32, #tpu.memory_space<vmem_shared>>
        tpu.enqueue_indirect_dma source(%arg14 : memref<128x128xf32, #tpu.memory_space<vmem>>) target(%dma_start3A_101 : memref<10008x128xf32, #tpu.memory_space<vmem_shared>>) offsets(%arg11 : memref<128xi32, #tpu.memory_space<vmem>>) semaphore(%run_scoped3A : memref<!tpu.dma_semaphore, #tpu.memory_space<semaphore_mem>>) {add = true}
        %dma_wait3A_102 = arith.constant 0 : i32
        %dma_wait3A_103 = arith.constant 0 : i32
        %dma_wait3A_104 = tpu.memref_slice %arg7[%dma_wait3A_102, %dma_wait3A_103] : memref<10008x128xf32, #tpu.memory_space<vmem_shared>> -> memref<10008x128xf32, #tpu.memory_space<vmem_shared>>
        tpu.wait_indirect_dma semaphore(%run_scoped3A : memref<!tpu.dma_semaphore, #tpu.memory_space<semaphore_mem>>) src(%arg14 : memref<128x128xf32, #tpu.memory_space<vmem>>) dst(%dma_wait3A_104 : memref<10008x128xf32, #tpu.memory_space<vmem_shared>>)
        tpu.yield
      }) : () -> ()
      %add3A_82 = arith.constant 2 : i32
      %add3A_83 = arith.addi %add3A_78, %add3A_82 : i32
      %lt3A_84 = arith.constant 160 : i32
      %lt3A_85 = arith.cmpi slt, %add3A_83, %lt3A_84 : i32
      %add3A_86 = arith.constant 2 : i32
      %add3A_87 = arith.addi %add3A_78, %add3A_86 : i32
      %jit3A_88 = arith.constant 0 : i32
      %select_n3A_89 = arith.select %lt3A_85, %add3A_87, %jit3A_88 : i32
      %mul3A_90 = arith.constant 128 : i32
      %mul3A_91 = arith.muli %select_n3A_89, %mul3A_90 : i32
      %add3A_92 = arith.addi %mul3A_9, %mul3A_91 : i32
      "tpu.region"() ({
        %run_scoped3A = tpu.sem_alloc : memref<!tpu.dma_semaphore, #tpu.memory_space<semaphore_mem>>
        %dma_start3A_99 = tpu.memref_slice %arg3[%add3A_92] : memref<655360xi32, #tpu.memory_space<hbm>> -> memref<128xi32, #tpu.memory_space<hbm>>
        %dma_start3A_100 = tpu.memref_slice %arg3[%add3A_92] : memref<655360xi32, #tpu.memory_space<hbm>> -> memref<128xi32, #tpu.memory_space<hbm>>
        tpu.enqueue_dma source(%dma_start3A_100 : memref<128xi32, #tpu.memory_space<hbm>>) target(%arg9 : memref<128xi32, #tpu.memory_space<vmem>>) target_semaphore(%run_scoped3A : memref<!tpu.dma_semaphore, #tpu.memory_space<semaphore_mem>>)
        %dma_wait3A_101 = tpu.memref_slice %arg3[%add3A_92] : memref<655360xi32, #tpu.memory_space<hbm>> -> memref<128xi32, #tpu.memory_space<hbm>>
        %dma_wait3A_102 = tpu.memref_slice %arg3[%add3A_92] : memref<655360xi32, #tpu.memory_space<hbm>> -> memref<128xi32, #tpu.memory_space<hbm>>
        tpu.wait_dma2 semaphore(%run_scoped3A : memref<!tpu.dma_semaphore, #tpu.memory_space<semaphore_mem>>) src(%dma_wait3A_102 : memref<128xi32, #tpu.memory_space<hbm>>) dst(%arg9 : memref<128xi32, #tpu.memory_space<vmem>>)
        tpu.yield
      }) : () -> ()
      %mul3A_93 = arith.constant 128 : i32
      %mul3A_94 = arith.muli %select_n3A_89, %mul3A_93 : i32
      %add3A_95 = arith.addi %mul3A_13, %mul3A_94 : i32
      "tpu.region"() ({
        %run_scoped3A = tpu.sem_alloc : memref<!tpu.dma_semaphore, #tpu.memory_space<semaphore_mem>>
        %dma_start3A_99 = tpu.memref_slice %arg4[%add3A_95] : memref<327680xi32, #tpu.memory_space<hbm>> -> memref<128xi32, #tpu.memory_space<hbm>>
        %dma_start3A_100 = tpu.memref_slice %arg4[%add3A_95] : memref<327680xi32, #tpu.memory_space<hbm>> -> memref<128xi32, #tpu.memory_space<hbm>>
        tpu.enqueue_dma source(%dma_start3A_100 : memref<128xi32, #tpu.memory_space<hbm>>) target(%arg11 : memref<128xi32, #tpu.memory_space<vmem>>) target_semaphore(%run_scoped3A : memref<!tpu.dma_semaphore, #tpu.memory_space<semaphore_mem>>)
        %dma_wait3A_101 = tpu.memref_slice %arg4[%add3A_95] : memref<327680xi32, #tpu.memory_space<hbm>> -> memref<128xi32, #tpu.memory_space<hbm>>
        %dma_wait3A_102 = tpu.memref_slice %arg4[%add3A_95] : memref<327680xi32, #tpu.memory_space<hbm>> -> memref<128xi32, #tpu.memory_space<hbm>>
        tpu.wait_dma2 semaphore(%run_scoped3A : memref<!tpu.dma_semaphore, #tpu.memory_space<semaphore_mem>>) src(%dma_wait3A_102 : memref<128xi32, #tpu.memory_space<hbm>>) dst(%arg11 : memref<128xi32, #tpu.memory_space<vmem>>)
        tpu.yield
      }) : () -> ()
      %dma_start3A_96 = arith.constant 0 : i32
      %dma_start3A_97 = arith.constant 0 : i32
      %dma_start3A_98 = tpu.memref_slice %arg2[%dma_start3A_96, %dma_start3A_97] : memref<20000x128xf32, #tpu.memory_space<hbm>> -> memref<20000x128xf32, #tpu.memory_space<hbm>>
      tpu.enqueue_indirect_dma source(%dma_start3A_98 : memref<20000x128xf32, #tpu.memory_space<hbm>>) target(%arg14 : memref<128x128xf32, #tpu.memory_space<vmem>>) offsets(%arg9 : memref<128xi32, #tpu.memory_space<vmem>>) semaphore(%arg17 : memref<!tpu.dma_semaphore, #tpu.memory_space<semaphore_mem>>)
    }
    %scan3A_32 = arith.constant 80 : i32
    %dma_wait3A = arith.constant 0 : i32
    %dma_wait3A_33 = arith.constant 0 : i32
    %dma_wait3A_34 = tpu.memref_slice %arg2[%dma_wait3A, %dma_wait3A_33] : memref<20000x128xf32, #tpu.memory_space<hbm>> -> memref<20000x128xf32, #tpu.memory_space<hbm>>
    tpu.wait_indirect_dma semaphore(%arg16 : memref<!tpu.dma_semaphore, #tpu.memory_space<semaphore_mem>>) src(%dma_wait3A_34 : memref<20000x128xf32, #tpu.memory_space<hbm>>) dst(%arg13 : memref<128x128xf32, #tpu.memory_space<vmem>>)
    %dma_wait3A_35 = arith.constant 0 : i32
    %dma_wait3A_36 = arith.constant 0 : i32
    %dma_wait3A_37 = tpu.memref_slice %arg2[%dma_wait3A_35, %dma_wait3A_36] : memref<20000x128xf32, #tpu.memory_space<hbm>> -> memref<20000x128xf32, #tpu.memory_space<hbm>>
    tpu.wait_indirect_dma semaphore(%arg17 : memref<!tpu.dma_semaphore, #tpu.memory_space<semaphore_mem>>) src(%dma_wait3A_37 : memref<20000x128xf32, #tpu.memory_space<hbm>>) dst(%arg14 : memref<128x128xf32, #tpu.memory_space<vmem>>)
    %barrier3A_38 = arith.constant 0 : index
    tpu.barrier barrier_id(%barrier3A_38)
    %lt3A = arith.constant 15 : i32
    %lt3A_39 = arith.cmpi slt, %arg1, %lt3A : i32
    %jit3A = arith.constant 8 : i32
    %jit3A_40 = arith.constant 5 : i32
    %select_n3A = arith.select %lt3A_39, %jit3A, %jit3A_40 : i32
    %while3A = arith.constant 0 : i32
    %while3A_41 = arith.constant 0 : i32
    %while3A_42 = arith.subi %select_n3A, %while3A_41 : i32
    %while3A_43 = arith.addi %while3A_41, %while3A_42 : i32
    %while3A_44 = arith.constant 1 : i32
    %while3A_45 = arith.divsi %while3A_42, %while3A_44 : i32
    %while3A_46 = arith.muli %while3A_45, %while3A_44 : i32
    %while3A_47 = arith.addi %while3A_41, %while3A_46 : i32
    %while3A_48 = arith.constant 1 : i32
    scf.for %while3A_50 = %while3A_41 to %while3A_47 step %while3A_48  : i32 {
      %mul3A_51 = arith.constant 8 : i32
      %mul3A_52 = arith.muli %arg1, %mul3A_51 : i32
      %add3A_53 = arith.addi %mul3A_52, %while3A_50 : i32
      %mul3A_54 = arith.constant 80 : i32
      %mul3A_55 = arith.muli %add3A_53, %mul3A_54 : i32
      "tpu.region"() ({
        %run_scoped3A = tpu.sem_alloc : memref<!tpu.dma_semaphore, #tpu.memory_space<semaphore_mem>>
        %dma_start3A_71 = tpu.memref_slice %arg5[%mul3A_55] : memref<10240xi32, #tpu.memory_space<hbm>> -> memref<80xi32, #tpu.memory_space<hbm>>
        %dma_start3A_72 = tpu.memref_slice %arg5[%mul3A_55] : memref<10240xi32, #tpu.memory_space<hbm>> -> memref<80xi32, #tpu.memory_space<hbm>>
        tpu.enqueue_dma source(%dma_start3A_72 : memref<80xi32, #tpu.memory_space<hbm>>) target(%arg12 : memref<80xi32, #tpu.memory_space<vmem>>) target_semaphore(%run_scoped3A : memref<!tpu.dma_semaphore, #tpu.memory_space<semaphore_mem>>)
        %dma_wait3A_73 = tpu.memref_slice %arg5[%mul3A_55] : memref<10240xi32, #tpu.memory_space<hbm>> -> memref<80xi32, #tpu.memory_space<hbm>>
        %dma_wait3A_74 = tpu.memref_slice %arg5[%mul3A_55] : memref<10240xi32, #tpu.memory_space<hbm>> -> memref<80xi32, #tpu.memory_space<hbm>>
        tpu.wait_dma2 semaphore(%run_scoped3A : memref<!tpu.dma_semaphore, #tpu.memory_space<semaphore_mem>>) src(%dma_wait3A_74 : memref<80xi32, #tpu.memory_space<hbm>>) dst(%arg12 : memref<80xi32, #tpu.memory_space<vmem>>)
        tpu.yield
      }) : () -> ()
      %dma_start3A_56 = arith.constant 0 : i32
      %dma_start3A_57 = arith.constant 0 : i32
      %dma_start3A_58 = tpu.memref_slice %arg13[%dma_start3A_56, %dma_start3A_57] : memref<128x128xf32, #tpu.memory_space<vmem>> -> memref<80x128xf32, #tpu.memory_space<vmem>>
      %dma_start3A_59 = arith.constant 0 : i32
      %dma_start3A_60 = arith.constant 0 : i32
      %dma_start3A_61 = tpu.memref_slice %arg7[%dma_start3A_59, %dma_start3A_60] : memref<10008x128xf32, #tpu.memory_space<vmem_shared>> -> memref<10008x128xf32, #tpu.memory_space<vmem_shared>>
      tpu.enqueue_indirect_dma source(%dma_start3A_61 : memref<10008x128xf32, #tpu.memory_space<vmem_shared>>) target(%dma_start3A_58 : memref<80x128xf32, #tpu.memory_space<vmem>>) offsets(%arg12 : memref<80xi32, #tpu.memory_space<vmem>>) semaphore(%arg15 : memref<!tpu.dma_semaphore, #tpu.memory_space<semaphore_mem>>)
      %dma_wait3A_62 = arith.constant 0 : i32
      %dma_wait3A_63 = arith.constant 0 : i32
      %dma_wait3A_64 = tpu.memref_slice %arg13[%dma_wait3A_62, %dma_wait3A_63] : memref<128x128xf32, #tpu.memory_space<vmem>> -> memref<80x128xf32, #tpu.memory_space<vmem>>
      %dma_wait3A_65 = arith.constant 0 : i32
      %dma_wait3A_66 = arith.constant 0 : i32
      %dma_wait3A_67 = tpu.memref_slice %arg7[%dma_wait3A_65, %dma_wait3A_66] : memref<10008x128xf32, #tpu.memory_space<vmem_shared>> -> memref<10008x128xf32, #tpu.memory_space<vmem_shared>>
      tpu.wait_indirect_dma semaphore(%arg15 : memref<!tpu.dma_semaphore, #tpu.memory_space<semaphore_mem>>) src(%dma_wait3A_67 : memref<10008x128xf32, #tpu.memory_space<vmem_shared>>) dst(%dma_wait3A_64 : memref<80x128xf32, #tpu.memory_space<vmem>>)
      %mul3A_68 = arith.constant 10000 : i32
      %mul3A_69 = arith.muli %arg0, %mul3A_68 : i32
      %add3A_70 = arith.addi %mul3A_69, %mul3A_55 : i32
      "tpu.region"() ({
        %run_scoped3A = tpu.sem_alloc : memref<!tpu.dma_semaphore, #tpu.memory_space<semaphore_mem>>
        %dma_start3A_71 = arith.constant 0 : i32
        %dma_start3A_72 = arith.constant 0 : i32
        %dma_start3A_73 = tpu.memref_slice %arg13[%dma_start3A_71, %dma_start3A_72] : memref<128x128xf32, #tpu.memory_space<vmem>> -> memref<80x128xf32, #tpu.memory_space<vmem>>
        %dma_start3A_74 = arith.constant 0 : i32
        %dma_start3A_75 = tpu.memref_slice %arg6[%add3A_70, %dma_start3A_74] : memref<20000x128xf32, #tpu.memory_space<hbm>> -> memref<80x128xf32, #tpu.memory_space<hbm>>
        %dma_start3A_76 = arith.constant 0 : i32
        %dma_start3A_77 = tpu.memref_slice %arg6[%add3A_70, %dma_start3A_76] : memref<20000x128xf32, #tpu.memory_space<hbm>> -> memref<80x128xf32, #tpu.memory_space<hbm>>
        %dma_start3A_78 = arith.constant 0 : i32
        %dma_start3A_79 = arith.constant 0 : i32
        %dma_start3A_80 = tpu.memref_slice %arg13[%dma_start3A_78, %dma_start3A_79] : memref<128x128xf32, #tpu.memory_space<vmem>> -> memref<80x128xf32, #tpu.memory_space<vmem>>
        tpu.enqueue_dma source(%dma_start3A_80 : memref<80x128xf32, #tpu.memory_space<vmem>>) target(%dma_start3A_77 : memref<80x128xf32, #tpu.memory_space<hbm>>) target_semaphore(%run_scoped3A : memref<!tpu.dma_semaphore, #tpu.memory_space<semaphore_mem>>)
        %dma_wait3A_81 = arith.constant 0 : i32
        %dma_wait3A_82 = arith.constant 0 : i32
        %dma_wait3A_83 = tpu.memref_slice %arg13[%dma_wait3A_81, %dma_wait3A_82] : memref<128x128xf32, #tpu.memory_space<vmem>> -> memref<80x128xf32, #tpu.memory_space<vmem>>
        %dma_wait3A_84 = arith.constant 0 : i32
        %dma_wait3A_85 = tpu.memref_slice %arg6[%add3A_70, %dma_wait3A_84] : memref<20000x128xf32, #tpu.memory_space<hbm>> -> memref<80x128xf32, #tpu.memory_space<hbm>>
        %dma_wait3A_86 = arith.constant 0 : i32
        %dma_wait3A_87 = tpu.memref_slice %arg6[%add3A_70, %dma_wait3A_86] : memref<20000x128xf32, #tpu.memory_space<hbm>> -> memref<80x128xf32, #tpu.memory_space<hbm>>
        %dma_wait3A_88 = arith.constant 0 : i32
        %dma_wait3A_89 = arith.constant 0 : i32
        %dma_wait3A_90 = tpu.memref_slice %arg13[%dma_wait3A_88, %dma_wait3A_89] : memref<128x128xf32, #tpu.memory_space<vmem>> -> memref<80x128xf32, #tpu.memory_space<vmem>>
        tpu.wait_dma2 semaphore(%run_scoped3A : memref<!tpu.dma_semaphore, #tpu.memory_space<semaphore_mem>>) src(%dma_wait3A_90 : memref<80x128xf32, #tpu.memory_space<vmem>>) dst(%dma_wait3A_87 : memref<80x128xf32, #tpu.memory_space<hbm>>)
        tpu.yield
      }) : () -> ()
    }
    %while3A_49 = arith.constant 1 : i32
    scf.for %while3A_50 = %while3A_47 to %while3A_43 step %while3A_49  : i32 {
      %mul3A_51 = arith.constant 8 : i32
      %mul3A_52 = arith.muli %arg1, %mul3A_51 : i32
      %add3A_53 = arith.addi %mul3A_52, %while3A_50 : i32
      %mul3A_54 = arith.constant 80 : i32
      %mul3A_55 = arith.muli %add3A_53, %mul3A_54 : i32
      "tpu.region"() ({
        %run_scoped3A = tpu.sem_alloc : memref<!tpu.dma_semaphore, #tpu.memory_space<semaphore_mem>>
        %dma_start3A_71 = tpu.memref_slice %arg5[%mul3A_55] : memref<10240xi32, #tpu.memory_space<hbm>> -> memref<80xi32, #tpu.memory_space<hbm>>
        %dma_start3A_72 = tpu.memref_slice %arg5[%mul3A_55] : memref<10240xi32, #tpu.memory_space<hbm>> -> memref<80xi32, #tpu.memory_space<hbm>>
        tpu.enqueue_dma source(%dma_start3A_72 : memref<80xi32, #tpu.memory_space<hbm>>) target(%arg12 : memref<80xi32, #tpu.memory_space<vmem>>) target_semaphore(%run_scoped3A : memref<!tpu.dma_semaphore, #tpu.memory_space<semaphore_mem>>)
        %dma_wait3A_73 = tpu.memref_slice %arg5[%mul3A_55] : memref<10240xi32, #tpu.memory_space<hbm>> -> memref<80xi32, #tpu.memory_space<hbm>>
        %dma_wait3A_74 = tpu.memref_slice %arg5[%mul3A_55] : memref<10240xi32, #tpu.memory_space<hbm>> -> memref<80xi32, #tpu.memory_space<hbm>>
        tpu.wait_dma2 semaphore(%run_scoped3A : memref<!tpu.dma_semaphore, #tpu.memory_space<semaphore_mem>>) src(%dma_wait3A_74 : memref<80xi32, #tpu.memory_space<hbm>>) dst(%arg12 : memref<80xi32, #tpu.memory_space<vmem>>)
        tpu.yield
      }) : () -> ()
      %dma_start3A_56 = arith.constant 0 : i32
      %dma_start3A_57 = arith.constant 0 : i32
      %dma_start3A_58 = tpu.memref_slice %arg13[%dma_start3A_56, %dma_start3A_57] : memref<128x128xf32, #tpu.memory_space<vmem>> -> memref<80x128xf32, #tpu.memory_space<vmem>>
      %dma_start3A_59 = arith.constant 0 : i32
      %dma_start3A_60 = arith.constant 0 : i32
      %dma_start3A_61 = tpu.memref_slice %arg7[%dma_start3A_59, %dma_start3A_60] : memref<10008x128xf32, #tpu.memory_space<vmem_shared>> -> memref<10008x128xf32, #tpu.memory_space<vmem_shared>>
      tpu.enqueue_indirect_dma source(%dma_start3A_61 : memref<10008x128xf32, #tpu.memory_space<vmem_shared>>) target(%dma_start3A_58 : memref<80x128xf32, #tpu.memory_space<vmem>>) offsets(%arg12 : memref<80xi32, #tpu.memory_space<vmem>>) semaphore(%arg15 : memref<!tpu.dma_semaphore, #tpu.memory_space<semaphore_mem>>)
      %dma_wait3A_62 = arith.constant 0 : i32
      %dma_wait3A_63 = arith.constant 0 : i32
      %dma_wait3A_64 = tpu.memref_slice %arg13[%dma_wait3A_62, %dma_wait3A_63] : memref<128x128xf32, #tpu.memory_space<vmem>> -> memref<80x128xf32, #tpu.memory_space<vmem>>
      %dma_wait3A_65 = arith.constant 0 : i32
      %dma_wait3A_66 = arith.constant 0 : i32
      %dma_wait3A_67 = tpu.memref_slice %arg7[%dma_wait3A_65, %dma_wait3A_66] : memref<10008x128xf32, #tpu.memory_space<vmem_shared>> -> memref<10008x128xf32, #tpu.memory_space<vmem_shared>>
      tpu.wait_indirect_dma semaphore(%arg15 : memref<!tpu.dma_semaphore, #tpu.memory_space<semaphore_mem>>) src(%dma_wait3A_67 : memref<10008x128xf32, #tpu.memory_space<vmem_shared>>) dst(%dma_wait3A_64 : memref<80x128xf32, #tpu.memory_space<vmem>>)
      %mul3A_68 = arith.constant 10000 : i32
      %mul3A_69 = arith.muli %arg0, %mul3A_68 : i32
      %add3A_70 = arith.addi %mul3A_69, %mul3A_55 : i32
      "tpu.region"() ({
        %run_scoped3A = tpu.sem_alloc : memref<!tpu.dma_semaphore, #tpu.memory_space<semaphore_mem>>
        %dma_start3A_71 = arith.constant 0 : i32
        %dma_start3A_72 = arith.constant 0 : i32
        %dma_start3A_73 = tpu.memref_slice %arg13[%dma_start3A_71, %dma_start3A_72] : memref<128x128xf32, #tpu.memory_space<vmem>> -> memref<80x128xf32, #tpu.memory_space<vmem>>
        %dma_start3A_74 = arith.constant 0 : i32
        %dma_start3A_75 = tpu.memref_slice %arg6[%add3A_70, %dma_start3A_74] : memref<20000x128xf32, #tpu.memory_space<hbm>> -> memref<80x128xf32, #tpu.memory_space<hbm>>
        %dma_start3A_76 = arith.constant 0 : i32
        %dma_start3A_77 = tpu.memref_slice %arg6[%add3A_70, %dma_start3A_76] : memref<20000x128xf32, #tpu.memory_space<hbm>> -> memref<80x128xf32, #tpu.memory_space<hbm>>
        %dma_start3A_78 = arith.constant 0 : i32
        %dma_start3A_79 = arith.constant 0 : i32
        %dma_start3A_80 = tpu.memref_slice %arg13[%dma_start3A_78, %dma_start3A_79] : memref<128x128xf32, #tpu.memory_space<vmem>> -> memref<80x128xf32, #tpu.memory_space<vmem>>
        tpu.enqueue_dma source(%dma_start3A_80 : memref<80x128xf32, #tpu.memory_space<vmem>>) target(%dma_start3A_77 : memref<80x128xf32, #tpu.memory_space<hbm>>) target_semaphore(%run_scoped3A : memref<!tpu.dma_semaphore, #tpu.memory_space<semaphore_mem>>)
        %dma_wait3A_81 = arith.constant 0 : i32
        %dma_wait3A_82 = arith.constant 0 : i32
        %dma_wait3A_83 = tpu.memref_slice %arg13[%dma_wait3A_81, %dma_wait3A_82] : memref<128x128xf32, #tpu.memory_space<vmem>> -> memref<80x128xf32, #tpu.memory_space<vmem>>
        %dma_wait3A_84 = arith.constant 0 : i32
        %dma_wait3A_85 = tpu.memref_slice %arg6[%add3A_70, %dma_wait3A_84] : memref<20000x128xf32, #tpu.memory_space<hbm>> -> memref<80x128xf32, #tpu.memory_space<hbm>>
        %dma_wait3A_86 = arith.constant 0 : i32
        %dma_wait3A_87 = tpu.memref_slice %arg6[%add3A_70, %dma_wait3A_86] : memref<20000x128xf32, #tpu.memory_space<hbm>> -> memref<80x128xf32, #tpu.memory_space<hbm>>
        %dma_wait3A_88 = arith.constant 0 : i32
        %dma_wait3A_89 = arith.constant 0 : i32
        %dma_wait3A_90 = tpu.memref_slice %arg13[%dma_wait3A_88, %dma_wait3A_89] : memref<128x128xf32, #tpu.memory_space<vmem>> -> memref<80x128xf32, #tpu.memory_space<vmem>>
        tpu.wait_dma2 semaphore(%run_scoped3A : memref<!tpu.dma_semaphore, #tpu.memory_space<semaphore_mem>>) src(%dma_wait3A_90 : memref<80x128xf32, #tpu.memory_space<vmem>>) dst(%dma_wait3A_87 : memref<80x128xf32, #tpu.memory_space<hbm>>)
        tpu.yield
      }) : () -> ()
    }
    return
  }
}

module attributes {stable_mosaic.version = 14 : i64} {
  func.func @_tcm_body(%arg0: i32, %arg1: memref<2x1000x128xf32, #tpu.memory_space<vmem>>, %arg2: memref<1000x16xf32, #tpu.memory_space<vmem>>, %arg3: memref<256x256xf32, #tpu.memory_space<vmem>>, %arg4: memref<1x256xf32, #tpu.memory_space<vmem>>, %arg5: memref<2x1000x128xf32, #tpu.memory_space<vmem>>) attributes {dimension_semantics = [#tpu.dimension_semantics<arbitrary>], iteration_bounds = array<i64: 10>, scalar_prefetch = 0 : i64, scratch_operands = 0 : i64, tpu.core_type = #tpu.core_type<tc>, window_params = [{transform_indices = @transform_0, window_bounds = array<i64: 2, 1000, 128>}, {transform_indices = @transform_1, window_bounds = array<i64: 1000, 16>}, {pipeline_mode = #tpu.pipeline_mode<synchronous>, transform_indices = @transform_2, window_bounds = array<i64: 256, 256>}, {pipeline_mode = #tpu.pipeline_mode<synchronous>, transform_indices = @transform_3, window_bounds = array<i64: 1, 256>}, {transform_indices = @transform_4, window_bounds = array<i64: 2, 1000, 128>}]} {
    %get3A = arith.constant 0 : index
    %get3A_0 = arith.constant 0 : index
    %get3A_1 = vector.load %arg2[%get3A, %get3A_0] : memref<1000x16xf32, #tpu.memory_space<vmem>>, vector<1000x1xf32>
    %rsqrt3A = math.rsqrt %get3A_1 : vector<1000x1xf32>
    %get3A_2 = arith.constant 0 : index
    %get3A_3 = arith.constant 0 : index
    %get3A_4 = arith.constant 0 : index
    %get3A_5 = vector.load %arg1[%get3A_2, %get3A_3, %get3A_4] : memref<2x1000x128xf32, #tpu.memory_space<vmem>>, vector<1x1000x128xf32>
    %get3A_6 = vector.shape_cast %get3A_5 : vector<1x1000x128xf32> to vector<1000x128xf32>
    %get3A_7 = arith.constant 1 : index
    %get3A_8 = arith.constant 0 : index
    %get3A_9 = arith.constant 0 : index
    %get3A_10 = vector.load %arg1[%get3A_7, %get3A_8, %get3A_9] : memref<2x1000x128xf32, #tpu.memory_space<vmem>>, vector<1x1000x128xf32>
    %get3A_11 = vector.shape_cast %get3A_10 : vector<1x1000x128xf32> to vector<1000x128xf32>
    %concatenate3A = tpu.concatenate %get3A_6, %get3A_11 in 1 : vector<1000x128xf32>, vector<1000x128xf32> -> vector<1000x256xf32>
    %mul3A = vector.broadcast %rsqrt3A : vector<1000x1xf32> to vector<1000x256xf32>
    %mul3A_12 = arith.mulf %concatenate3A, %mul3A : vector<1000x256xf32>
    %get3A_13 = arith.constant 0 : index
    %get3A_14 = arith.constant 0 : index
    %get3A_15 = vector.load %arg4[%get3A_13, %get3A_14] : memref<1x256xf32, #tpu.memory_space<vmem>>, vector<1x256xf32>
    %add3A = vector.broadcast %get3A_15 : vector<1x256xf32> to vector<1000x256xf32>
    %add3A_16 = arith.addf %mul3A_12, %add3A : vector<1000x256xf32>
    %gt3A = arith.constant 0.000000e+00 : f32
    %gt3A_17 = vector.broadcast %gt3A : f32 to vector<1000x256xf32>
    %gt3A_18 = arith.cmpf ogt, %add3A_16, %gt3A_17 : vector<1000x256xf32>
    %mul3A_19 = arith.constant 0.00999999977 : f32
    %mul3A_20 = vector.broadcast %mul3A_19 : f32 to vector<1000x256xf32>
    %mul3A_21 = arith.mulf %mul3A_20, %add3A_16 : vector<1000x256xf32>
    %select_n3A = arith.select %gt3A_18, %add3A_16, %mul3A_21 : vector<1000x256xi1>, vector<1000x256xf32>
    %get3A_22 = arith.constant 0 : index
    %get3A_23 = arith.constant 0 : index
    %get3A_24 = vector.load %arg3[%get3A_22, %get3A_23] : memref<256x256xf32, #tpu.memory_space<vmem>>, vector<256x256xf32>
    %dot_general3A = arith.constant dense<0.000000e+00> : vector<1000x256xf32>
    %dot_general3A_25 = tpu.matmul %select_n3A, %get3A_24, %dot_general3A {dimension_numbers = #tpu.dot_dimension_numbers<[1], [0], [0], [1], [0, 0, 1, 1], [], []>, transpose_lhs_hint = false} : vector<1000x256xf32>, vector<256x256xf32>, vector<1000x256xf32> -> vector<1000x256xf32>
    %mul3A_26 = vector.broadcast %rsqrt3A : vector<1000x1xf32> to vector<1000x256xf32>
    %mul3A_27 = arith.mulf %dot_general3A_25, %mul3A_26 : vector<1000x256xf32>
    %slice3A = vector.extract_strided_slice %mul3A_27 {offsets = [0, 0], sizes = [1000, 128], strides = [1, 1]} : vector<1000x256xf32> to vector<1000x128xf32>
    %swap3A = arith.constant 0 : index
    %swap3A_28 = arith.constant 0 : index
    %swap3A_29 = arith.constant 0 : index
    %swap3A_30 = vector.load %arg5[%swap3A, %swap3A_28, %swap3A_29] : memref<2x1000x128xf32, #tpu.memory_space<vmem>>, vector<1x1000x128xf32>
    %swap3A_31 = vector.shape_cast %swap3A_30 : vector<1x1000x128xf32> to vector<1000x128xf32>
    %swap3A_32 = vector.shape_cast %slice3A : vector<1000x128xf32> to vector<1x1000x128xf32>
    tpu.vector_store %arg5[%swap3A, %swap3A_28, %swap3A_29], %swap3A_32 {strides = array<i32>} : memref<2x1000x128xf32, #tpu.memory_space<vmem>>, vector<1x1000x128xf32>,
    %slice3A_33 = vector.extract_strided_slice %mul3A_27 {offsets = [0, 128], sizes = [1000, 128], strides = [1, 1]} : vector<1000x256xf32> to vector<1000x128xf32>
    %swap3A_34 = arith.constant 1 : index
    %swap3A_35 = arith.constant 0 : index
    %swap3A_36 = arith.constant 0 : index
    %swap3A_37 = vector.load %arg5[%swap3A_34, %swap3A_35, %swap3A_36] : memref<2x1000x128xf32, #tpu.memory_space<vmem>>, vector<1x1000x128xf32>
    %swap3A_38 = vector.shape_cast %swap3A_37 : vector<1x1000x128xf32> to vector<1000x128xf32>
    %swap3A_39 = vector.shape_cast %slice3A_33 : vector<1000x128xf32> to vector<1x1000x128xf32>
    tpu.vector_store %arg5[%swap3A_34, %swap3A_35, %swap3A_36], %swap3A_39 {strides = array<i32>} : memref<2x1000x128xf32, #tpu.memory_space<vmem>>, vector<1x1000x128xf32>,
    return
  }
  func.func @transform_0(%arg0: i32) -> (i32, i32, i32) {
    %c0_i32 = arith.constant 0 : i32
    %c0_i32_0 = arith.constant 0 : i32
    %c0_i32_1 = arith.constant 0 : i32
    return %c0_i32, %arg0, %c0_i32_0 : i32, i32, i32
  }
  func.func @transform_1(%arg0: i32) -> (i32, i32) {
    %c0_i32 = arith.constant 0 : i32
    %c0_i32_0 = arith.constant 0 : i32
    return %arg0, %c0_i32 : i32, i32
  }
  func.func @transform_2(%arg0: i32) -> (i32, i32) {
    %c0_i32 = arith.constant 0 : i32
    %c0_i32_0 = arith.constant 0 : i32
    %c0_i32_1 = arith.constant 0 : i32
    return %c0_i32, %c0_i32_0 : i32, i32
  }
  func.func @transform_3(%arg0: i32) -> (i32, i32) {
    %c0_i32 = arith.constant 0 : i32
    %c0_i32_0 = arith.constant 0 : i32
    %c0_i32_1 = arith.constant 0 : i32
    return %c0_i32, %c0_i32_0 : i32, i32
  }
  func.func @transform_4(%arg0: i32) -> (i32, i32, i32) {
    %c0_i32 = arith.constant 0 : i32
    %c0_i32_0 = arith.constant 0 : i32
    %c0_i32_1 = arith.constant 0 : i32
    return %c0_i32, %arg0, %c0_i32_0 : i32, i32, i32
  }
}

module attributes {stable_mosaic.version = 14 : i64} {
  func.func @_tc0_body(%arg0: i32, %arg1: memref<1000x128xf32, #tpu.memory_space<vmem>>, %arg2: memref<1000x16xf32, #tpu.memory_space<vmem>>, %arg3: memref<128x256xf32, #tpu.memory_space<vmem>>, %arg4: memref<2x1000x128xf32, #tpu.memory_space<vmem>>) attributes {dimension_semantics = [#tpu.dimension_semantics<arbitrary>], iteration_bounds = array<i64: 10>, scalar_prefetch = 0 : i64, scratch_operands = 0 : i64, tpu.core_type = #tpu.core_type<tc>, window_params = [{transform_indices = @transform_0, window_bounds = array<i64: 1000, 128>}, {transform_indices = @transform_1, window_bounds = array<i64: 1000, 16>}, {pipeline_mode = #tpu.pipeline_mode<synchronous>, transform_indices = @transform_2, window_bounds = array<i64: 128, 256>}, {transform_indices = @transform_3, window_bounds = array<i64: 2, 1000, 128>}]} {
    %get3A = arith.constant 0 : index
    %get3A_0 = arith.constant 0 : index
    %get3A_1 = vector.load %arg2[%get3A, %get3A_0] : memref<1000x16xf32, #tpu.memory_space<vmem>>, vector<1000x1xf32>
    %rsqrt3A = math.rsqrt %get3A_1 : vector<1000x1xf32>
    %get3A_2 = arith.constant 0 : index
    %get3A_3 = arith.constant 0 : index
    %get3A_4 = vector.load %arg1[%get3A_2, %get3A_3] : memref<1000x128xf32, #tpu.memory_space<vmem>>, vector<1000x128xf32>
    %get3A_5 = arith.constant 0 : index
    %get3A_6 = arith.constant 0 : index
    %get3A_7 = vector.load %arg3[%get3A_5, %get3A_6] : memref<128x256xf32, #tpu.memory_space<vmem>>, vector<128x256xf32>
    %dot_general3A = arith.constant dense<0.000000e+00> : vector<1000x256xf32>
    %dot_general3A_8 = tpu.matmul %get3A_4, %get3A_7, %dot_general3A {dimension_numbers = #tpu.dot_dimension_numbers<[1], [0], [0], [1], [0, 0, 1, 1], [], []>, transpose_lhs_hint = false} : vector<1000x128xf32>, vector<128x256xf32>, vector<1000x256xf32> -> vector<1000x256xf32>
    %mul3A = vector.broadcast %rsqrt3A : vector<1000x1xf32> to vector<1000x256xf32>
    %mul3A_9 = arith.mulf %dot_general3A_8, %mul3A : vector<1000x256xf32>
    %slice3A = vector.extract_strided_slice %mul3A_9 {offsets = [0, 0], sizes = [1000, 128], strides = [1, 1]} : vector<1000x256xf32> to vector<1000x128xf32>
    %swap3A = arith.constant 0 : index
    %swap3A_10 = arith.constant 0 : index
    %swap3A_11 = arith.constant 0 : index
    %swap3A_12 = vector.load %arg4[%swap3A, %swap3A_10, %swap3A_11] : memref<2x1000x128xf32, #tpu.memory_space<vmem>>, vector<1x1000x128xf32>
    %swap3A_13 = vector.shape_cast %swap3A_12 : vector<1x1000x128xf32> to vector<1000x128xf32>
    %swap3A_14 = vector.shape_cast %slice3A : vector<1000x128xf32> to vector<1x1000x128xf32>
    tpu.vector_store %arg4[%swap3A, %swap3A_10, %swap3A_11], %swap3A_14 {strides = array<i32>} : memref<2x1000x128xf32, #tpu.memory_space<vmem>>, vector<1x1000x128xf32>,
    %slice3A_15 = vector.extract_strided_slice %mul3A_9 {offsets = [0, 128], sizes = [1000, 128], strides = [1, 1]} : vector<1000x256xf32> to vector<1000x128xf32>
    %swap3A_16 = arith.constant 1 : index
    %swap3A_17 = arith.constant 0 : index
    %swap3A_18 = arith.constant 0 : index
    %swap3A_19 = vector.load %arg4[%swap3A_16, %swap3A_17, %swap3A_18] : memref<2x1000x128xf32, #tpu.memory_space<vmem>>, vector<1x1000x128xf32>
    %swap3A_20 = vector.shape_cast %swap3A_19 : vector<1x1000x128xf32> to vector<1000x128xf32>
    %swap3A_21 = vector.shape_cast %slice3A_15 : vector<1000x128xf32> to vector<1x1000x128xf32>
    tpu.vector_store %arg4[%swap3A_16, %swap3A_17, %swap3A_18], %swap3A_21 {strides = array<i32>} : memref<2x1000x128xf32, #tpu.memory_space<vmem>>, vector<1x1000x128xf32>,
    return
  }
  func.func @transform_0(%arg0: i32) -> (i32, i32) {
    %c0_i32 = arith.constant 0 : i32
    %c0_i32_0 = arith.constant 0 : i32
    return %arg0, %c0_i32 : i32, i32
  }
  func.func @transform_1(%arg0: i32) -> (i32, i32) {
    %c0_i32 = arith.constant 0 : i32
    %c0_i32_0 = arith.constant 0 : i32
    return %arg0, %c0_i32 : i32, i32
  }
  func.func @transform_2(%arg0: i32) -> (i32, i32) {
    %c0_i32 = arith.constant 0 : i32
    %c0_i32_0 = arith.constant 0 : i32
    %c0_i32_1 = arith.constant 0 : i32
    return %c0_i32, %c0_i32_0 : i32, i32
  }
  func.func @transform_3(%arg0: i32) -> (i32, i32, i32) {
    %c0_i32 = arith.constant 0 : i32
    %c0_i32_0 = arith.constant 0 : i32
    %c0_i32_1 = arith.constant 0 : i32
    return %c0_i32, %arg0, %c0_i32_0 : i32, i32, i32
  }
}

module attributes {stable_mosaic.version = 14 : i64} {
  func.func @_gene_body(%arg0: memref<256x2176xf32, #tpu.memory_space<vmem>>, %arg1: memref<2176x512xf32, #tpu.memory_space<vmem>>, %arg2: memref<1x512xf32, #tpu.memory_space<vmem>>, %arg3: memref<512x256xf32, #tpu.memory_space<vmem>>, %arg4: memref<1x256xf32, #tpu.memory_space<vmem>>, %arg5: memref<256x256xf32, #tpu.memory_space<vmem>>) attributes {dimension_semantics = [], scalar_prefetch = 0 : i64, scratch_operands = 0 : i64, tpu.core_type = #tpu.core_type<tc>} {
    %get3A = arith.constant 0 : index
    %get3A_0 = arith.constant 0 : index
    %get3A_1 = vector.load %arg0[%get3A, %get3A_0] : memref<256x2176xf32, #tpu.memory_space<vmem>>, vector<256x2176xf32>
    %get3A_2 = arith.constant 0 : index
    %get3A_3 = arith.constant 0 : index
    %get3A_4 = vector.load %arg1[%get3A_2, %get3A_3] : memref<2176x512xf32, #tpu.memory_space<vmem>>, vector<2176x512xf32>
    %dot_general3A = arith.constant dense<0.000000e+00> : vector<256x512xf32>
    %dot_general3A_5 = tpu.matmul %get3A_1, %get3A_4, %dot_general3A {dimension_numbers = #tpu.dot_dimension_numbers<[1], [0], [0], [1], [0, 0, 1, 1], [], []>, transpose_lhs_hint = false} : vector<256x2176xf32>, vector<2176x512xf32>, vector<256x512xf32> -> vector<256x512xf32>
    %get3A_6 = arith.constant 0 : index
    %get3A_7 = arith.constant 0 : index
    %get3A_8 = vector.load %arg2[%get3A_6, %get3A_7] : memref<1x512xf32, #tpu.memory_space<vmem>>, vector<1x512xf32>
    %add3A = vector.broadcast %get3A_8 : vector<1x512xf32> to vector<256x512xf32>
    %add3A_9 = arith.addf %dot_general3A_5, %add3A : vector<256x512xf32>
    %max3A = arith.constant 0.000000e+00 : f32
    %max3A_10 = vector.broadcast %max3A : f32 to vector<256x512xf32>
    %max3A_11 = arith.maximumf %add3A_9, %max3A_10 : vector<256x512xf32>
    %get3A_12 = arith.constant 0 : index
    %get3A_13 = arith.constant 0 : index
    %get3A_14 = vector.load %arg3[%get3A_12, %get3A_13] : memref<512x256xf32, #tpu.memory_space<vmem>>, vector<512x256xf32>
    %dot_general3A_15 = arith.constant dense<0.000000e+00> : vector<256x256xf32>
    %dot_general3A_16 = tpu.matmul %max3A_11, %get3A_14, %dot_general3A_15 {dimension_numbers = #tpu.dot_dimension_numbers<[1], [0], [0], [1], [0, 0, 1, 1], [], []>, transpose_lhs_hint = false} : vector<256x512xf32>, vector<512x256xf32>, vector<256x256xf32> -> vector<256x256xf32>
    %get3A_17 = arith.constant 0 : index
    %get3A_18 = arith.constant 0 : index
    %get3A_19 = vector.load %arg4[%get3A_17, %get3A_18] : memref<1x256xf32, #tpu.memory_space<vmem>>, vector<1x256xf32>
    %add3A_20 = vector.broadcast %get3A_19 : vector<1x256xf32> to vector<256x256xf32>
    %add3A_21 = arith.addf %dot_general3A_16, %add3A_20 : vector<256x256xf32>
    %swap3A = arith.constant 0 : index
    %swap3A_22 = arith.constant 0 : index
    %swap3A_23 = vector.load %arg5[%swap3A, %swap3A_22] : memref<256x256xf32, #tpu.memory_space<vmem>>, vector<256x256xf32>
    tpu.vector_store %arg5[%swap3A, %swap3A_22], %add3A_21 {strides = array<i32>} : memref<256x256xf32, #tpu.memory_space<vmem>>, vector<256x256xf32>,
    return
  }
}

module attributes {stable_mosaic.version = 14 : i64} {
  func.func @_fin_body(%arg0: i32, %arg1: memref<2x1000x128xf32, #tpu.memory_space<vmem>>, %arg2: memref<1000x16xf32, #tpu.memory_space<vmem>>, %arg3: memref<1x1x1000xi32, #tpu.memory_space<vmem>>, %arg4: memref<256x256xf32, #tpu.memory_space<vmem>>, %arg5: memref<1x256xf32, #tpu.memory_space<vmem>>, %arg6: memref<256x256xf32, #tpu.memory_space<vmem>>, %arg7: memref<1x256xf32, #tpu.memory_space<vmem>>, %arg8: memref<256x1xf32, #tpu.memory_space<vmem>>, %arg9: memref<1x1xf32, #tpu.memory_space<vmem>>, %arg10: memref<256x1xf32, #tpu.memory_space<vmem>>, %arg11: memref<256x256xf32, #tpu.memory_space<vmem>>, %arg12: memref<256x1xf32, #tpu.memory_space<vmem>>) attributes {dimension_semantics = [#tpu.dimension_semantics<arbitrary>], iteration_bounds = array<i64: 10>, scalar_prefetch = 0 : i64, scratch_operands = 2 : i64, tpu.core_type = #tpu.core_type<tc>, window_params = [{transform_indices = @transform_0, window_bounds = array<i64: 2, 1000, 128>}, {transform_indices = @transform_1, window_bounds = array<i64: 1000, 16>}, {transform_indices = @transform_2, window_bounds = array<i64: 1, 1, 1000>}, {pipeline_mode = #tpu.pipeline_mode<synchronous>, transform_indices = @transform_3, window_bounds = array<i64: 256, 256>}, {pipeline_mode = #tpu.pipeline_mode<synchronous>, transform_indices = @transform_4, window_bounds = array<i64: 1, 256>}, {pipeline_mode = #tpu.pipeline_mode<synchronous>, transform_indices = @transform_5, window_bounds = array<i64: 256, 256>}, {pipeline_mode = #tpu.pipeline_mode<synchronous>, transform_indices = @transform_6, window_bounds = array<i64: 1, 256>}, {pipeline_mode = #tpu.pipeline_mode<synchronous>, transform_indices = @transform_7, window_bounds = array<i64: 256, 1>}, {pipeline_mode = #tpu.pipeline_mode<synchronous>, transform_indices = @transform_8, window_bounds = array<i64: 1, 1>}, {pipeline_mode = #tpu.pipeline_mode<synchronous>, transform_indices = @transform_9, window_bounds = array<i64: 256, 1>}]} {
    %eq3A = arith.constant 0 : i32
    %eq3A_0 = arith.cmpi eq, %arg0, %eq3A : i32
    %convert_element_type3A = arith.extui %eq3A_0 : i1 to i32
    %cond3A = arith.constant 0 : i32
    %cond3A_1 = arith.cmpi ne, %convert_element_type3A, %cond3A : i32
    scf.if %cond3A_1 {
      %broadcast_in_dim3A_48 = arith.constant 0.000000e+00 : f32
      %broadcast_in_dim3A_49 = vector.broadcast %broadcast_in_dim3A_48 : f32 to vector<256x256xf32>
      %swap3A_50 = arith.constant 0 : index
      %swap3A_51 = arith.constant 0 : index
      %swap3A_52 = vector.load %arg11[%swap3A_50, %swap3A_51] : memref<256x256xf32, #tpu.memory_space<vmem>>, vector<256x256xf32>
      tpu.vector_store %arg11[%swap3A_50, %swap3A_51], %broadcast_in_dim3A_49 {strides = array<i32>} : memref<256x256xf32, #tpu.memory_space<vmem>>, vector<256x256xf32>,
      %broadcast_in_dim3A_53 = arith.constant 0.000000e+00 : f32
      %broadcast_in_dim3A_54 = vector.broadcast %broadcast_in_dim3A_53 : f32 to vector<256x1xf32>
      %swap3A_55 = arith.constant 0 : index
      %swap3A_56 = arith.constant 0 : index
      %swap3A_57 = vector.load %arg12[%swap3A_55, %swap3A_56] : memref<256x1xf32, #tpu.memory_space<vmem>>, vector<256x1xf32>
      tpu.vector_store %arg12[%swap3A_55, %swap3A_56], %broadcast_in_dim3A_54 {strides = array<i32>} : memref<256x1xf32, #tpu.memory_space<vmem>>, vector<256x1xf32>,
    } else {
    }
    %get3A = arith.constant 0 : index
    %get3A_2 = arith.constant 0 : index
    %get3A_3 = vector.load %arg2[%get3A, %get3A_2] : memref<1000x16xf32, #tpu.memory_space<vmem>>, vector<1000x1xf32>
    %rsqrt3A = math.rsqrt %get3A_3 : vector<1000x1xf32>
    %get3A_4 = arith.constant 0 : index
    %get3A_5 = arith.constant 0 : index
    %get3A_6 = arith.constant 0 : index
    %get3A_7 = vector.load %arg1[%get3A_4, %get3A_5, %get3A_6] : memref<2x1000x128xf32, #tpu.memory_space<vmem>>, vector<1x1000x128xf32>
    %get3A_8 = vector.shape_cast %get3A_7 : vector<1x1000x128xf32> to vector<1000x128xf32>
    %get3A_9 = arith.constant 1 : index
    %get3A_10 = arith.constant 0 : index
    %get3A_11 = arith.constant 0 : index
    %get3A_12 = vector.load %arg1[%get3A_9, %get3A_10, %get3A_11] : memref<2x1000x128xf32, #tpu.memory_space<vmem>>, vector<1x1000x128xf32>
    %get3A_13 = vector.shape_cast %get3A_12 : vector<1x1000x128xf32> to vector<1000x128xf32>
    %concatenate3A = tpu.concatenate %get3A_8, %get3A_13 in 1 : vector<1000x128xf32>, vector<1000x128xf32> -> vector<1000x256xf32>
    %mul3A = vector.broadcast %rsqrt3A : vector<1000x1xf32> to vector<1000x256xf32>
    %mul3A_14 = arith.mulf %concatenate3A, %mul3A : vector<1000x256xf32>
    %get3A_15 = arith.constant 0 : index
    %get3A_16 = arith.constant 0 : index
    %get3A_17 = vector.load %arg5[%get3A_15, %get3A_16] : memref<1x256xf32, #tpu.memory_space<vmem>>, vector<1x256xf32>
    %add3A = vector.broadcast %get3A_17 : vector<1x256xf32> to vector<1000x256xf32>
    %add3A_18 = arith.addf %mul3A_14, %add3A : vector<1000x256xf32>
    %get3A_19 = arith.constant 0 : index
    %get3A_20 = arith.constant 0 : index
    %get3A_21 = arith.constant 0 : index
    %get3A_22 = vector.load %arg3[%get3A_19, %get3A_20, %get3A_21] : memref<1x1x1000xi32, #tpu.memory_space<vmem>>, vector<1x1x1000xi32>
    %squeeze3A = vector.shape_cast %get3A_22 : vector<1x1x1000xi32> to vector<1000xi32>
    %iota3A = tpu.iota {dimensions = array<i32: 0>} : vector<256x1000xi32>
    %broadcast_in_dim3A = vector.shape_cast %squeeze3A : vector<1000xi32> to vector<1x1000xi32>
    %eq3A_23 = vector.broadcast %broadcast_in_dim3A : vector<1x1000xi32> to vector<256x1000xi32>
    %eq3A_24 = arith.cmpi eq, %iota3A, %eq3A_23 : vector<256x1000xi32>
    %convert_element_type3A_25 = arith.extui %eq3A_24 : vector<256x1000xi1> to vector<256x1000xi32>
    %convert_element_type3A_26 = arith.sitofp %convert_element_type3A_25 : vector<256x1000xi32> to vector<256x1000xf32>
    %get3A_27 = arith.constant 0 : index
    %get3A_28 = arith.constant 0 : index
    %get3A_29 = vector.load %arg11[%get3A_27, %get3A_28] : memref<256x256xf32, #tpu.memory_space<vmem>>, vector<256x256xf32>
    %dot_general3A = arith.constant dense<0.000000e+00> : vector<256x256xf32>
    %dot_general3A_30 = tpu.matmul %convert_element_type3A_26, %add3A_18, %dot_general3A {dimension_numbers = #tpu.dot_dimension_numbers<[1], [0], [0], [1], [0, 0, 1, 1], [], []>, transpose_lhs_hint = false} : vector<256x1000xf32>, vector<1000x256xf32>, vector<256x256xf32> -> vector<256x256xf32>
    %add3A_31 = arith.addf %get3A_29, %dot_general3A_30 : vector<256x256xf32>
    %swap3A = arith.constant 0 : index
    %swap3A_32 = arith.constant 0 : index
    %swap3A_33 = vector.load %arg11[%swap3A, %swap3A_32] : memref<256x256xf32, #tpu.memory_space<vmem>>, vector<256x256xf32>
    tpu.vector_store %arg11[%swap3A, %swap3A_32], %add3A_31 {strides = array<i32>} : memref<256x256xf32, #tpu.memory_space<vmem>>, vector<256x256xf32>,
    %get3A_34 = arith.constant 0 : index
    %get3A_35 = arith.constant 0 : index
    %get3A_36 = vector.load %arg12[%get3A_34, %get3A_35] : memref<256x1xf32, #tpu.memory_space<vmem>>, vector<256x1xf32>
    %reduce_sum3A = arith.constant dense<0.000000e+00> : vector<256xf32>
    %reduce_sum3A_37 = vector.multi_reduction <add>, %convert_element_type3A_26, %reduce_sum3A [1] : vector<256x1000xf32> to vector<256xf32>
    %broadcast_in_dim3A_38 = vector.shape_cast %reduce_sum3A_37 : vector<256xf32> to vector<256x1xf32>
    %add3A_39 = arith.addf %get3A_36, %broadcast_in_dim3A_38 : vector<256x1xf32>
    %swap3A_40 = arith.constant 0 : index
    %swap3A_41 = arith.constant 0 : index
    %swap3A_42 = vector.load %arg12[%swap3A_40, %swap3A_41] : memref<256x1xf32, #tpu.memory_space<vmem>>, vector<256x1xf32>
    tpu.vector_store %arg12[%swap3A_40, %swap3A_41], %add3A_39 {strides = array<i32>} : memref<256x1xf32, #tpu.memory_space<vmem>>, vector<256x1xf32>,
    %eq3A_43 = arith.constant 9 : i32
    %eq3A_44 = arith.cmpi eq, %arg0, %eq3A_43 : i32
    %convert_element_type3A_45 = arith.extui %eq3A_44 : i1 to i32
    %cond3A_46 = arith.constant 0 : i32
    %cond3A_47 = arith.cmpi ne, %convert_element_type3A_45, %cond3A_46 : i32
    scf.if %cond3A_47 {
      %get3A_48 = arith.constant 0 : index
      %get3A_49 = arith.constant 0 : index
      %get3A_50 = vector.load %arg12[%get3A_48, %get3A_49] : memref<256x1xf32, #tpu.memory_space<vmem>>, vector<256x1xf32>
      %get3A_51 = arith.constant 0 : index
      %get3A_52 = arith.constant 0 : index
      %get3A_53 = vector.load %arg11[%get3A_51, %get3A_52] : memref<256x256xf32, #tpu.memory_space<vmem>>, vector<256x256xf32>
      %max3A = arith.constant 1.000000e+00 : f32
      %max3A_54 = vector.broadcast %max3A : f32 to vector<256x1xf32>
      %max3A_55 = arith.maximumf %get3A_50, %max3A_54 : vector<256x1xf32>
      %div3A = vector.broadcast %max3A_55 : vector<256x1xf32> to vector<256x256xf32>
      %div3A_56 = arith.divf %get3A_53, %div3A : vector<256x256xf32>
      %get3A_57 = arith.constant 0 : index
      %get3A_58 = arith.constant 0 : index
      %get3A_59 = vector.load %arg4[%get3A_57, %get3A_58] : memref<256x256xf32, #tpu.memory_space<vmem>>, vector<256x256xf32>
      %gt3A = arith.constant 0.000000e+00 : f32
      %gt3A_60 = vector.broadcast %gt3A : f32 to vector<256x1xf32>
      %gt3A_61 = arith.cmpf ogt, %get3A_50, %gt3A_60 : vector<256x1xf32>
      %convert_element_type3A_62 = arith.extui %gt3A_61 : vector<256x1xi1> to vector<256x1xi32>
      %convert_element_type3A_63 = arith.sitofp %convert_element_type3A_62 : vector<256x1xi32> to vector<256x1xf32>
      %mul3A_64 = vector.broadcast %convert_element_type3A_63 : vector<256x1xf32> to vector<256x256xf32>
      %mul3A_65 = arith.mulf %get3A_59, %mul3A_64 : vector<256x256xf32>
      %add3A_66 = arith.addf %div3A_56, %mul3A_65 : vector<256x256xf32>
      %get3A_67 = arith.constant 0 : index
      %get3A_68 = arith.constant 0 : index
      %get3A_69 = vector.load %arg6[%get3A_67, %get3A_68] : memref<256x256xf32, #tpu.memory_space<vmem>>, vector<256x256xf32>
      %dot_general3A_70 = arith.constant dense<0.000000e+00> : vector<256x256xf32>
      %dot_general3A_71 = tpu.matmul %add3A_66, %get3A_69, %dot_general3A_70 {dimension_numbers = #tpu.dot_dimension_numbers<[1], [0], [0], [1], [0, 0, 1, 1], [], []>, transpose_lhs_hint = false} : vector<256x256xf32>, vector<256x256xf32>, vector<256x256xf32> -> vector<256x256xf32>
      %get3A_72 = arith.constant 0 : index
      %get3A_73 = arith.constant 0 : index
      %get3A_74 = vector.load %arg7[%get3A_72, %get3A_73] : memref<1x256xf32, #tpu.memory_space<vmem>>, vector<1x256xf32>
      %add3A_75 = vector.broadcast %get3A_74 : vector<1x256xf32> to vector<256x256xf32>
      %add3A_76 = arith.addf %dot_general3A_71, %add3A_75 : vector<256x256xf32>
      %max3A_77 = arith.constant 0.000000e+00 : f32
      %max3A_78 = vector.broadcast %max3A_77 : f32 to vector<256x256xf32>
      %max3A_79 = arith.maximumf %add3A_76, %max3A_78 : vector<256x256xf32>
      %get3A_80 = arith.constant 0 : index
      %get3A_81 = arith.constant 0 : index
      %get3A_82 = vector.load %arg8[%get3A_80, %get3A_81] : memref<256x1xf32, #tpu.memory_space<vmem>>, vector<256x1xf32>
      %dot_general3A_83 = arith.constant dense<0.000000e+00> : vector<256x1xf32>
      %dot_general3A_84 = tpu.matmul %max3A_79, %get3A_82, %dot_general3A_83 {dimension_numbers = #tpu.dot_dimension_numbers<[1], [0], [0], [1], [0, 0, 1, 1], [], []>, transpose_lhs_hint = false} : vector<256x256xf32>, vector<256x1xf32>, vector<256x1xf32> -> vector<256x1xf32>
      %get3A_85 = arith.constant 0 : index
      %get3A_86 = arith.constant 0 : index
      %get3A_87 = vector.load %arg9[%get3A_85, %get3A_86] : memref<1x1xf32, #tpu.memory_space<vmem>>, vector<1x1xf32>
      %add3A_88 = vector.broadcast %get3A_87 : vector<1x1xf32> to vector<256x1xf32>
      %add3A_89 = arith.addf %dot_general3A_84, %add3A_88 : vector<256x1xf32>
      %swap3A_90 = arith.constant 0 : index
      %swap3A_91 = arith.constant 0 : index
      %swap3A_92 = vector.load %arg10[%swap3A_90, %swap3A_91] : memref<256x1xf32, #tpu.memory_space<vmem>>, vector<256x1xf32>
      tpu.vector_store %arg10[%swap3A_90, %swap3A_91], %add3A_89 {strides = array<i32>} : memref<256x1xf32, #tpu.memory_space<vmem>>, vector<256x1xf32>,
    } else {
    }
    return
  }
  func.func @transform_0(%arg0: i32) -> (i32, i32, i32) {
    %c0_i32 = arith.constant 0 : i32
    %c0_i32_0 = arith.constant 0 : i32
    %c0_i32_1 = arith.constant 0 : i32
    return %c0_i32, %arg0, %c0_i32_0 : i32, i32, i32
  }
  func.func @transform_1(%arg0: i32) -> (i32, i32) {
    %c0_i32 = arith.constant 0 : i32
    %c0_i32_0 = arith.constant 0 : i32
    return %arg0, %c0_i32 : i32, i32
  }
  func.func @transform_2(%arg0: i32) -> (i32, i32, i32) {
    %c0_i32 = arith.constant 0 : i32
    %c0_i32_0 = arith.constant 0 : i32
    %c0_i32_1 = arith.constant 0 : i32
    return %arg0, %c0_i32, %c0_i32_0 : i32, i32, i32
  }
  func.func @transform_3(%arg0: i32) -> (i32, i32) {
    %c0_i32 = arith.constant 0 : i32
    %c0_i32_0 = arith.constant 0 : i32
    %c0_i32_1 = arith.constant 0 : i32
    return %c0_i32, %c0_i32_0 : i32, i32
  }
  func.func @transform_4(%arg0: i32) -> (i32, i32) {
    %c0_i32 = arith.constant 0 : i32
    %c0_i32_0 = arith.constant 0 : i32
    %c0_i32_1 = arith.constant 0 : i32
    return %c0_i32, %c0_i32_0 : i32, i32
  }
  func.func @transform_5(%arg0: i32) -> (i32, i32) {
    %c0_i32 = arith.constant 0 : i32
    %c0_i32_0 = arith.constant 0 : i32
    %c0_i32_1 = arith.constant 0 : i32
    return %c0_i32, %c0_i32_0 : i32, i32
  }
  func.func @transform_6(%arg0: i32) -> (i32, i32) {
    %c0_i32 = arith.constant 0 : i32
    %c0_i32_0 = arith.constant 0 : i32
    %c0_i32_1 = arith.constant 0 : i32
    return %c0_i32, %c0_i32_0 : i32, i32
  }
  func.func @transform_7(%arg0: i32) -> (i32, i32) {
    %c0_i32 = arith.constant 0 : i32
    %c0_i32_0 = arith.constant 0 : i32
    %c0_i32_1 = arith.constant 0 : i32
    return %c0_i32, %c0_i32_0 : i32, i32
  }
  func.func @transform_8(%arg0: i32) -> (i32, i32) {
    %c0_i32 = arith.constant 0 : i32
    %c0_i32_0 = arith.constant 0 : i32
    %c0_i32_1 = arith.constant 0 : i32
    return %c0_i32, %c0_i32_0 : i32, i32
  }
  func.func @transform_9(%arg0: i32) -> (i32, i32) {
    %c0_i32 = arith.constant 0 : i32
    %c0_i32_0 = arith.constant 0 : i32
    %c0_i32_1 = arith.constant 0 : i32
    return %c0_i32, %c0_i32_0 : i32, i32
  }
}

</mosaic_0001>

<sc_bundles>
// kernel: kernel.11.cloned.1.call-start
scs
__scs_entry_jumppad:
0x0: {  	(pc) =	sbr.rel $0x88, $3  }
0x1: {  	(tag) =	ssettag $0x0;
	lr =	simm.s32 $0x1  }
0x2: {  	[smem:$0x3F8F] =	sst lr;
	_ =	strace $0xD0000000  }
0x3: {  	_ = 	snop  }
0x4: {  	_ = 	snop  }
0x5: {  	_ = 	snop  }
0x6: {  	_ = 	snop  }
0x7: {  	_ = 	snop  }
__scs_overlays_trampoline_lowered:
0x8: {  	[smem:$0x3F9E] =	sst s0  }
0x9: {  	[smem:$0x3F9F] =	sst s1  }
0xa: {  	[smem:$0x3FA0] =	sst s2  }
0xb: {  	[smem:$0x3FA1] =	sst s3  }
0xc: {  	[smem:$0x3FA2] =	sst s4  }
0xd: {  	[smem:$0x3FA3] =	sst s5  }
0xe: {  	[smem:$0x3FA4] =	sst s6  }
0xf: {  	[smem:$0x3FA5] =	sst s7  }
0x10: {  	[smem:$0x3FA6] =	sst s8  }
0x11: {  	[smem:$0x3FA7] =	sst s9;
	s0 =	simm.s32 @!p0 $0x0  }
0x12: {  	s1 =	sld [smem:$0x3F8D];
	s0 =	simm.s32 @p0 $0x1  }
0x13: {  	[smem:$0x3FA8] =	sst s0;
	s0 =	simm.s32 @!p1 $0x0  }
0x14: {  	s2 =	sld [smem:$0x3F8C];
	s0 =	simm.s32 @p1 $0x1  }
0x15: {  	[smem:$0x3FA9] =	sst s0;
	s0 =	simm.s32 @!p2 $0x0  }
0x16: {  	s3 =	sld [smem:$0x3FDB];
	s0 =	simm.s32 @p2 $0x1  }
0x17: {  	s4 =	simm.s32 $0x1BF5;
	[smem:$0x3FAB] =	sst s0  }
0x18: {  	s0 =	sld [smem:$0x3F8E];
	_ =	swait.ge [sflag:s4], $0x0  }
0x19: {  	s7 =	sld [smem:$0x3F8F]  }
0x1a: {  	s8 =	sadd.s32 $0xFFFFE003, lr  }
0x1b: {  	s9 =	sadd.s32 $0xFFFFFEF7, lr;
	s5 =	simm.s32 $0xFFFFFFFF;
	p2 =	slt.u32 s8, $0xFFFFF086  }
0x1c: {  	p1 =	slt.u32 s9, $0xF7A;
	s5 =	simm.s32 @!p2 $0x0  }
0x1d: {  	s5 =	simm.s32 @p1 $0x1;
	p0 =	seq.s32 s7, s2  }
0x1e: {  	s7 =	smul.u32 @!p0 $0xF7A, s2;
	p2 =	seq.s32 @!p0 s5, $0x0  }
0x1f: {  	s9 =	smul.u32 $0xF7A, s1;
	s8 =	simm.s32 @!p0 $0x1BF5;
	p2 =	por !p2, p0  }
0x20: {  	[sflag:s8] =	ssyncset.s32 @!p0 $0xFFFFF086;
	s6 =	sadd.s32 @!p0 s3, s7;
	s7 =	simm.s32 @!p0 $0x108  }
0x21: {  	s3 =	sadd.s32 s3, s9;
	s6 =	sadd.s32 @!p0 $0x88, s6;
	s7 =	simm.s32 @p2 $0x1082  }
0x22: {  	[simem:s7], [sflag:s8] =	dma.local @!p0 [hbm:s6], $0xF7A  }
0x23: {  	s9 =	sor.u32 $0xD0000000, s2;
	s6 =	simm.s32 $0x108;
	_ =	swait.ge @!p0 [sflag:s8], $0x0  }
0x24: {  	s3 =	sadd.s32 $0x88, s3;
	s6 =	simm.s32 @!p1 $0x1082;
	[sflag:s4] =	ssyncset.s32 $0xFFFFF086  }
0x25: {  	[simem:s6], [sflag:s4] =	dma.local [hbm:s3], $0xF7A  }
0x26: {  	[smem:$0x3F8F] =	sst s1;
	(tag) =	ssettag s2;
	_ =	strace s9  }
0x27: {  	s1 =	sld [smem:$0x3F9F]  }
0x28: {  	s2 =	sld [smem:$0x3FA0]  }
0x29: {  	s4 =	sld [smem:$0x3FA2]  }
0x2a: {  	p0 =	seq.s32 s5, $0x0;
	s5 =	sld [smem:$0x3FA3]  }
0x2b: {  	s6 =	sld [smem:$0x3FA4]  }
0x2c: {  	s7 =	sld [smem:$0x3FA5]  }
0x2d: {  	s3 =	simm.s32 $0x108;
	s8 =	sld [smem:$0x3FA6]  }
0x2e: {  	s3 =	simm.s32 @!p0 $0x1082;
	s9 =	sld [smem:$0x3FA7]  }
0x2f: {  	lr =	sadd.s32 s0, s3;
	s0 =	sld [smem:$0x3F9E]  }
0x30: {  	s3 =	sld [smem:$0x3FA1]  }
0x31: {  	[smem:$0x3FAA] =	sst s10  }
0x32: {  	s10 =	sld [smem:$0x3FA8];
	_ =	sdelay $0x3  }
0x33: {  	p0 =	seq.s32 s10, $0x1;
	s10 =	sld [smem:$0x3FAA];
	_ =	sdelay $0x3  }
0x34: {  	[smem:$0x3FAA] =	sst s10  }
0x35: {  	s10 =	sld [smem:$0x3FA9];
	_ =	sdelay $0x3  }
0x36: {  	p1 =	seq.s32 s10, $0x1;
	s10 =	sld [smem:$0x3FAA];
	_ =	sdelay $0x3  }
0x37: {  	[smem:$0x3FAA] =	sst s10  }
0x38: {  	s10 =	sld [smem:$0x3FAB]  }
0x39: {  	_ = 	snop;
	(pc) =	sbr.ind lr, $3  }
0x3a: {  	_ = 	snop  }
0x3b: {  	_ = 	snop  }
0x3c: {  	p2 =	seq.s32 s10, $0x1;
	s10 =	sld [smem:$0x3FAA]  }
0x3d: {  	_ =	shalt  }
0x3e: {  	_ =	shalt  }
0x3f: {  	_ =	shalt  }
0x40: {  	_ =	shalt  }
0x41: {  	_ =	shalt  }
0x42: {  	_ =	shalt  }
0x43: {  	_ =	shalt  }
0x44: {  	_ =	shalt  }
0x45: {  	_ =	shalt  }
0x46: {  	_ =	shalt  }
0x47: {  	_ =	shalt  }
0x48: {  	_ =	shalt  }
0x49: {  	_ =	shalt  }
0x4a: {  	_ =	shalt  }
0x4b: {  	_ =	shalt  }
0x4c: {  	_ =	shalt  }
0x4d: {  	_ =	shalt  }
0x4e: {  	_ =	shalt  }
0x4f: {  	_ =	shalt  }
0x50: {  	_ =	shalt  }
0x51: {  	_ =	shalt  }
0x52: {  	_ =	shalt  }
0x53: {  	_ =	shalt  }
0x54: {  	_ =	shalt  }
0x55: {  	_ =	shalt  }
0x56: {  	_ =	shalt  }
0x57: {  	_ =	shalt  }
0x58: {  	_ =	shalt  }
0x59: {  	_ =	shalt  }
0x5a: {  	_ =	shalt  }
0x5b: {  	_ =	shalt  }
0x5c: {  	_ =	shalt  }
0x5d: {  	_ =	shalt  }
0x5e: {  	_ =	shalt  }
0x5f: {  	_ =	shalt  }
0x60: {  	_ =	shalt  }
0x61: {  	_ =	shalt  }
0x62: {  	_ =	shalt  }
0x63: {  	_ =	shalt  }
0x64: {  	_ =	shalt  }
0x65: {  	_ =	shalt  }
0x66: {  	_ =	shalt  }
0x67: {  	_ =	shalt  }
0x68: {  	_ =	shalt  }
0x69: {  	_ =	shalt  }
0x6a: {  	_ =	shalt  }
0x6b: {  	_ =	shalt  }
0x6c: {  	_ =	shalt  }
0x6d: {  	_ =	shalt  }
0x6e: {  	_ =	shalt  }
0x6f: {  	_ =	shalt  }
0x70: {  	_ =	shalt  }
0x71: {  	_ =	shalt  }
0x72: {  	_ =	shalt  }
0x73: {  	_ =	shalt  }
0x74: {  	_ =	shalt  }
0x75: {  	_ =	shalt  }
0x76: {  	_ =	shalt  }
0x77: {  	_ =	shalt  }
0x78: {  	_ =	shalt  }
0x79: {  	_ =	shalt  }
0x7a: {  	_ =	shalt  }
0x7b: {  	_ =	shalt  }
0x7c: {  	_ =	shalt  }
0x7d: {  	_ =	shalt  }
0x7e: {  	_ =	shalt  }
0x7f: {  	_ =	shalt  }
0x80: {  	_ =	shalt  }
0x81: {  	_ =	shalt  }
0x82: {  	_ =	shalt  }
0x83: {  	_ =	shalt  }
0x84: {  	_ =	shalt  }
0x85: {  	_ =	shalt  }
0x86: {  	_ =	shalt  }
0x87: {  	_ =	shalt  }
.Lfunc_end0:
.L_simem_size_0:
called_computation_lowered:
.L_overlay_start_0:
0x88: {  	s2 =	sld [smem:$0x3FD9]  }
0x89: {  	s3 =	sld [smem:$0x3FFE];
	_ =	sdelay $0x1  }
0x8a: {  	s1 =	srdreg.scid  }
0x8b: {  	s0 =	sand.u32 $0x1, s1  }
0x8c: {  	s16 =	sshll.u32 s0, $0xA;
	s2 =	sadd.s32 s3, s2  }
0x8d: {  	s2 =	sadd.s32 s2, s16  }
0x8e: {  	[smem:$0x3FB6] =	sst s2  }
0x8f: {  	_ = 	snop  }
0x90: {  	(tm) =	ssettm $0x1  }
0x91: {  	s17 =	sld [smem:$0x3FFB];
	_ =	sdelay $0x3  }
0x92: {  	_ =	strace s17  }
0x93: {  	s2 =	sld [smem:$0x3FFC];
	_ =	sdelay $0x3  }
0x94: {  	_ =	strace s2  }
0x95: {  	s2 =	sld [smem:$0x3FFD];
	_ =	sdelay $0x3  }
0x96: {  	_ =	strace s2  }
0x97: {  	_ =	strace $0x8FFFFFFF  }
0x98: {  	s18 =	sld [smem:$0x3FDB];
	_ =	sdelay $0x1  }
0x99: {  	s19 =	simm.s32 $_scs_section_size  }
0x9a: {  	s4 =	simm.s32 $_size__tile_overlayer_lowered;
	s5 =	simm.s32 $_tile_overlayer_lowered  }
0x9b: {  	s22 =	simm.s32 $0x1BFF;
	s21 =	sshll.u32 s5, $0x1;
	s2 =	sadd.s32 s19, s18  }
0x9c: {  	s6 =	simm.s32 $0x0;
	s20 =	sshll.u32 s4, $0x1;
	s4 =	sadd.s32 s21, s2  }
0x9d: {  	[timem:s6], [sflag:s22] =	dma.local [hbm:s4], s20  }
0x9e: {  	_ =	swait.ge [sflag:s22], s20  }
0x9f: {  	s3 =	ssub.s32 $0x0, s20;
	[sflag:s22] =	ssyncset.done $0x0  }
0xa0: {  	[sflag:s22] =	ssyncadd.s32 s3;
	_ =	sdelay $0x1  }
0xa1: {  	s23 =	simm.s32 $0x1B8B  }
0xa2: {  	_ =	swait.ge [sflag:s23], $0x1  }
0xa3: {  	[sflag:s23] =	ssyncset.done $0x0  }
0xa4: {  	s25 =	simm.s32 $0x1B8E;
	s24 =	sld [smem:$0x3FFE];
	[sflag:s23] =	ssyncadd.s32 $0xFFFFFFFF  }
0xa5: {  	s26 =	simm.s32 $execute0_lowered;
	[smem:$0x3FD2] =	sst s25  }
0xa6: {  	s4 =	sshll.u32 s26, $0x1;
	_ =	strace $0x80000046;
	[dreg:$0x1] =	wrdreg $0xFFFFFFFF  }
0xa7: {  	s28 =	simm.s32 $_size_execute0_lowered;
	s2 =	sadd.s32 s2, s4;
	[dreg:$0x0] =	wrdreg $0x0  }
0xa8: {  	s4 =	sshll.u32 s28, $0x1;
	[dreg:$0x2] =	wrdreg s2  }
0xa9: {  	[dreg:$0x3] =	wrdreg s4  }
0xaa: {  	[dreg:$0x4] =	wrdreg $0xC0  }
0xab: {  	_ =	task [dreg:s6], $0x5FFFF  }
0xac: {  	[dreg:$0x1] =	wrdreg $0xFFFFFFFF  }
0xad: {  	[dreg:$0x0] =	wrdreg $0x60  }
0xae: {  	[dreg:$0x2] =	wrdreg s24  }
0xaf: {  	[dreg:$0x3] =	wrdreg $0x68800  }
0xb0: {  	[dreg:$0x4] =	wrdreg $0x9  }
0xb1: {  	_ =	task.clear_ibuf [dreg:s6], $0x5FFFF;
	_ =	strace $0x90000046  }
0xb2: {  	s29 =	simm.s32 $0x9;
	_ =	strace $0x80000048  }
0xb3: {  	_ =	swait.ge [sflag:s29], $0x1  }
0xb4: {  	[sflag:s29] =	ssyncadd.s32 $0xFFFFFFFF  }
0xb5: {  	_ =	strace $0x90000048  }
0xb6: {  	_ =	sfence  }
0xb7: {  	s30 =	sld [smem:$0x0];
	_ =	sdelay $0x2  }
0xb8: {  	s31 =	sshll.u32 s1, $0xD;
	s1 =	sshrl.u32 s1, $0x2  }
0xb9: {  	s3 =	sand.u32 $0x4000, s31;
	s1 =	sadd.s32 s1, s30  }
0xba: {  	s0 =	sor.u32 s3, s0;
	s1 =	sshll.u32 s1, $0x11  }
0xbb: {  	s0 =	sor.u32 s1, s0  }
0xbc: {  	s0 =	sadd.s32 $0x8F2B, s0  }
0xbd: {  	[sflag:s0] =	ssyncadd.remote.s32 $0x1  }
0xbe: {  	_ =	sfence.sel $0xFFFF  }
0xbf: {  	[dreg:$0x0] =	wrdreg $0xFFFFFFFF;
	(pc) =	sbr.abs _section_cstart, $3  }
0xc0: {  	[dreg:$0x1] =	wrdreg $0xFFFFFFFF  }
0xc1: {  	_ =	task.clear_ibuf [dreg:s6], $0x2FFFF;
	_ =	strace $0x9FFFFFFF  }
0xc2: {  	(tm) =	ssettm $0x7FFFFFFF  }
0xc3: {  	_ =	shalt  }
tec
execute0_lowered:
.L_overlay_start_1:
0x0: {  	(tag) =	ssettag $0x1  }
0x1: {  	s5 =	rddreg [dreg:$0x0]  }
0x2: {  	s2 =	rddreg [dreg:$0x1]  }
0x3: {  	s0 =	rddreg [dreg:$0x2];
	s3 =	simm.s32 $0x0  }
0x4: {  	s1 =	stileid.u32;
	s7 =	srdreg.scid;
	s17 =	simm.s32 $0x2  }
0x5: {  	s18 =	simm.s32 $0x50;
	s19 =	simm.s32 $0x4080;
	s4 =	smul.u32 $0x640, s1  }
0x6: {  	s20 =	simm.s32 $0x1;
	s21 =	simm.s32 $0x0;
	s6 =	smul.u32 $0x50, s1  }
0x7: {  	[smem:$0x7FF] =	sst s3;
	s16 =	sand.u32 $0x1, s7;
	s30 =	smul.u32 $0x2800, s1  }
0x8: {  	p0 =	seq.s32 s1, $0xF;
	_ =	strace $0x80000047;
	s7 =	ssub.s32 $0x2, s16  }
0x9: {  	s14 =	sadd.s32 s4, s5;
	s13 =	sadd.s32 s6, s5;
	s8 =	sshrl.u32 s7, $0x1  }
0xa: {  	s4 =	simm.s32 $0x5;
	s15 =	sadd.s32 s30, s5;
	s31 =	ssub.s32 s7, s8  }
.Ltmp0:
0xb: {  	s4 =	simm.s32 @!p0 $0x8;
	s6 =	sadd.s32 $0xE800, s13;
	(pc) =	sbr.rel .LBB2_1-.Ltmp0, $4  }
0xc: {  	s7 =	sadd.s32 $0xE80A, s13;
	s8 =	sadd.s32 $0xE814, s13;
	s9 =	sadd.s32 $0xE81E, s13  }
0xd: {  	s10 =	sadd.s32 $0xE828, s13;
	s11 =	sadd.s32 $0xE832, s13;
	s12 =	sadd.s32 $0xE83C, s13  }
0xe: {  	s13 =	sadd.s32 $0xE846, s13;
	s14 =	sadd.s32 $0x4800, s14;
	s15 =	sadd.s32 $0x10000, s15  }
0xf: {  	v0 =	vimm.f32 $1.000000000e+00;
	p0 =	sne.s32 s16, $0x0;
	s16 =	simm.s32 $0x4000;
	s5 =	smax.u32 s31, $0x1  }
.LBB2_11:
0x10: {  	[bflag:$0x0] =	sbarrier.arrive $0xFFFF  }
0x11: {  	[bflag:$0x0] =	sbarrier.arrive $0xFFFF  }
.LBB2_9:
0x12: {  	s21 =	sadd.s32 $0x1, s21  }
0x13: {  	p1 =	sne.s32 s21, s5  }
.Ltmp1:
0x14: {  	_ = 	snop;
	(pc) =	sbr.rel @!p1 .LBB2_10-.Ltmp1, $1  }
0x15: {  	_ =	sdelay $0x3  }
.LBB2_1:
0x16: {  	s22 =	simm.s32 $0x200;
	s23 =	simm.s32 $0x0  }
.LBB2_2:
0x17: {  	p1 =	sne.s32 s22, $0xFE00;
	[tilespmem:s23+$0x0] =	vst v0;
	s23 =	smov.u32 s22;
	s22 =	sadd.s32 $0x200, s22  }
.Ltmp2:
0x18: {  	(pc) =	sbr.rel @p1 .LBB2_2-.Ltmp2, $2  }
0x19: {  	_ =	sdelay $0x2  }
0x1a: {  	s23 =	sshra.s32 s23, $0x2  }
.Ltmp3:
0x1b: {  	(pc) =	sbr.rel @p0 .LBB2_11-.Ltmp3, $2  }
0x1c: {  	_ =	sdelay $0x2  }
0x1d: {  	[tilespmem:s23+$0x0] =	vst v0  }
0x1e: {  	s22 =	simm.s32 $0x0  }
0x1f: {  	[tilespmem:s16], [sflag:$0x2] =	stream.linear.gather [hbm4b:s6+s22], $0x50, $0x38;
	[tilespmem:$0x8F98] =	vst v63  }
0x20: {  	_ =	swait.ge [sflag:s17], $0x50  }
0x21: {  	[sflag:s17] =	ssyncset.done $0x0  }
0x22: {  	[sflag:s17] =	ssyncadd.s32 $0xFFFFFFB0  }
0x23: {  	[spmem:s2] =	stream.indirect.scatter [tilespmem:s22], [sflag:$0x2], $0x10, s16, s18, $0xb8;
	[tilespmem:$0x8F98] =	vst v63  }
0x24: {  	_ =	swait.ge [sflag:s17], $0x500  }
0x25: {  	[sflag:s17] =	ssyncset.done $0x0  }
0x26: {  	[sflag:s17] =	ssyncadd.s32 $0xFFFFFB00  }
0x27: {  	[tilespmem:s16], [sflag:$0x2] =	stream.linear.gather [hbm4b:s7+s22], $0x50, $0x38;
	[tilespmem:$0x8F98] =	vst v63  }
0x28: {  	_ =	swait.ge [sflag:s17], $0x50  }
0x29: {  	[sflag:s17] =	ssyncset.done $0x0  }
0x2a: {  	[sflag:s17] =	ssyncadd.s32 $0xFFFFFFB0  }
0x2b: {  	[spmem:s2] =	stream.indirect.scatter [tilespmem:s22], [sflag:$0x2], $0x10, s16, s18, $0xb8;
	[tilespmem:$0x8F98] =	vst v63  }
0x2c: {  	_ =	swait.ge [sflag:s17], $0x500  }
0x2d: {  	[sflag:s17] =	ssyncset.done $0x0  }
0x2e: {  	[sflag:s17] =	ssyncadd.s32 $0xFFFFFB00  }
0x2f: {  	[tilespmem:s16], [sflag:$0x2] =	stream.linear.gather [hbm4b:s8+s22], $0x50, $0x38;
	[tilespmem:$0x8F98] =	vst v63  }
0x30: {  	_ =	swait.ge [sflag:s17], $0x50  }
0x31: {  	[sflag:s17] =	ssyncset.done $0x0  }
0x32: {  	[sflag:s17] =	ssyncadd.s32 $0xFFFFFFB0  }
0x33: {  	[spmem:s2] =	stream.indirect.scatter [tilespmem:s22], [sflag:$0x2], $0x10, s16, s18, $0xb8;
	[tilespmem:$0x8F98] =	vst v63  }
0x34: {  	_ =	swait.ge [sflag:s17], $0x500  }
0x35: {  	[sflag:s17] =	ssyncset.done $0x0  }
0x36: {  	[sflag:s17] =	ssyncadd.s32 $0xFFFFFB00  }
0x37: {  	[tilespmem:s16], [sflag:$0x2] =	stream.linear.gather [hbm4b:s9+s22], $0x50, $0x38;
	[tilespmem:$0x8F98] =	vst v63  }
0x38: {  	_ =	swait.ge [sflag:s17], $0x50  }
0x39: {  	[sflag:s17] =	ssyncset.done $0x0  }
0x3a: {  	[sflag:s17] =	ssyncadd.s32 $0xFFFFFFB0  }
0x3b: {  	[spmem:s2] =	stream.indirect.scatter [tilespmem:s22], [sflag:$0x2], $0x10, s16, s18, $0xb8;
	[tilespmem:$0x8F98] =	vst v63  }
0x3c: {  	_ =	swait.ge [sflag:s17], $0x500  }
0x3d: {  	[sflag:s17] =	ssyncset.done $0x0  }
0x3e: {  	[sflag:s17] =	ssyncadd.s32 $0xFFFFFB00  }
0x3f: {  	[tilespmem:s16], [sflag:$0x2] =	stream.linear.gather [hbm4b:s10+s22], $0x50, $0x38;
	[tilespmem:$0x8F98] =	vst v63  }
0x40: {  	_ =	swait.ge [sflag:s17], $0x50  }
0x41: {  	[sflag:s17] =	ssyncset.done $0x0  }
0x42: {  	[sflag:s17] =	ssyncadd.s32 $0xFFFFFFB0  }
0x43: {  	[spmem:s2] =	stream.indirect.scatter [tilespmem:s22], [sflag:$0x2], $0x10, s16, s18, $0xb8;
	[tilespmem:$0x8F98] =	vst v63  }
0x44: {  	_ =	swait.ge [sflag:s17], $0x500  }
0x45: {  	[sflag:s17] =	ssyncset.done $0x0  }
0x46: {  	[sflag:s17] =	ssyncadd.s32 $0xFFFFFB00  }
0x47: {  	[tilespmem:s16], [sflag:$0x2] =	stream.linear.gather [hbm4b:s11+s22], $0x50, $0x38;
	[tilespmem:$0x8F98] =	vst v63  }
0x48: {  	_ =	swait.ge [sflag:s17], $0x50  }
0x49: {  	[sflag:s17] =	ssyncset.done $0x0  }
0x4a: {  	[sflag:s17] =	ssyncadd.s32 $0xFFFFFFB0  }
0x4b: {  	[spmem:s2] =	stream.indirect.scatter [tilespmem:s22], [sflag:$0x2], $0x10, s16, s18, $0xb8;
	[tilespmem:$0x8F98] =	vst v63  }
0x4c: {  	_ =	swait.ge [sflag:s17], $0x500  }
0x4d: {  	[sflag:s17] =	ssyncset.done $0x0  }
0x4e: {  	[sflag:s17] =	ssyncadd.s32 $0xFFFFFB00  }
0x4f: {  	[tilespmem:s16], [sflag:$0x2] =	stream.linear.gather [hbm4b:s12+s22], $0x50, $0x38;
	[tilespmem:$0x8F98] =	vst v63  }
0x50: {  	_ =	swait.ge [sflag:s17], $0x50  }
0x51: {  	[sflag:s17] =	ssyncset.done $0x0  }
0x52: {  	[sflag:s17] =	ssyncadd.s32 $0xFFFFFFB0  }
0x53: {  	[spmem:s2] =	stream.indirect.scatter [tilespmem:s22], [sflag:$0x2], $0x10, s16, s18, $0xb8;
	[tilespmem:$0x8F98] =	vst v63  }
0x54: {  	_ =	swait.ge [sflag:s17], $0x500  }
0x55: {  	[sflag:s17] =	ssyncset.done $0x0  }
0x56: {  	[sflag:s17] =	ssyncadd.s32 $0xFFFFFB00  }
0x57: {  	[tilespmem:s16], [sflag:$0x2] =	stream.linear.gather [hbm4b:s13+s22], $0x50, $0x38;
	[tilespmem:$0x8F98] =	vst v63  }
0x58: {  	_ =	swait.ge [sflag:s17], $0x50  }
0x59: {  	[sflag:s17] =	ssyncset.done $0x0  }
0x5a: {  	[sflag:s17] =	ssyncadd.s32 $0xFFFFFFB0  }
0x5b: {  	[spmem:s2] =	stream.indirect.scatter [tilespmem:s22], [sflag:$0x2], $0x10, s16, s18, $0xb8;
	[tilespmem:$0x8F98] =	vst v63  }
0x5c: {  	_ =	swait.ge [sflag:s17], $0x500  }
0x5d: {  	[sflag:s17] =	ssyncset.done $0x0  }
0x5e: {  	[sflag:s17] =	ssyncadd.s32 $0xFFFFFB00  }
0x5f: {  	s31 =	sadd.s32 $0x0, s14;
	[bflag:$0x0] =	sbarrier.arrive $0xFFFF  }
0x60: {  	[tilespmem:s16], [sflag:$0x2] =	stream.linear.gather [hbm4b:s31+s3], $0x50, $0x38;
	[tilespmem:$0x8F98] =	vst v63  }
0x61: {  	_ =	swait.ge [sflag:s17], $0x50  }
0x62: {  	[sflag:s17] =	ssyncset.done $0x0  }
0x63: {  	[sflag:s17] =	ssyncadd.s32 $0xFFFFFFB0  }
0x64: {  	[spmem:s2] =	stream.indirect.scatter.add.f32 [tilespmem:s3], [sflag:$0x2], $0x10, s16, s18, $0xb8;
	[tilespmem:$0x8F98] =	vst v63  }
0x65: {  	_ =	swait.ge [sflag:s17], $0x500  }
0x66: {  	s23 =	simm.s32 $0x14;
	s22 =	simm.s32 $0xA;
	[sflag:s17] =	ssyncset.done $0x0  }
.LBB2_5:
0x67: {  	s24 =	sadd.s32 s22, s14  }
0x68: {  	[sflag:s17] =	ssyncadd.s32 $0xFFFFFB00;
	s22 =	smov.u32 s23;
	s25 =	sadd.s32 $0xA, s23  }
0x69: {  	[tilespmem:s16], [sflag:$0x2] =	stream.linear.gather [hbm4b:s24+s3], $0x50, $0x38;
	[tilespmem:$0x8F98] =	vst v63  }
0x6a: {  	p1 =	seq.s32 s23, $0x636;
	_ =	swait.ge [sflag:s17], $0x50  }
.Ltmp4:
0x6b: {  	[sflag:s17] =	ssyncset.done $0x0;
	(pc) =	sbr.rel @!p1 .LBB2_5-.Ltmp4, $4  }
0x6c: {  	[sflag:s17] =	ssyncadd.s32 $0xFFFFFFB0  }
0x6d: {  	[spmem:s2] =	stream.indirect.scatter.add.f32 [tilespmem:s3], [sflag:$0x2], $0x10, s16, s18, $0xb8;
	[tilespmem:$0x8F98] =	vst v63  }
0x6e: {  	_ =	swait.ge [sflag:s17], $0x500  }
0x6f: {  	s23 =	smov.u32 s25;
	[sflag:s17] =	ssyncset.done $0x0  }
0x70: {  	s22 =	sadd.s32 s22, s14;
	[sflag:s17] =	ssyncadd.s32 $0xFFFFFB00  }
0x71: {  	[tilespmem:s16], [sflag:$0x2] =	stream.linear.gather [hbm4b:s22+s3], $0x50, $0x38;
	[tilespmem:$0x8F98] =	vst v63  }
0x72: {  	_ =	swait.ge [sflag:s17], $0x50  }
0x73: {  	[sflag:s17] =	ssyncset.done $0x0  }
0x74: {  	[sflag:s17] =	ssyncadd.s32 $0xFFFFFFB0  }
0x75: {  	[spmem:s2] =	stream.indirect.scatter.add.f32 [tilespmem:s3], [sflag:$0x2], $0x10, s16, s18, $0xb8;
	[tilespmem:$0x8F98] =	vst v63  }
0x76: {  	_ =	swait.ge [sflag:s17], $0x500  }
0x77: {  	[sflag:s17] =	ssyncset.done $0x0  }
0x78: {  	[sflag:s17] =	ssyncadd.s32 $0xFFFFFB00  }
0x79: {  	[bflag:$0x0] =	sbarrier.arrive $0xFFFF  }
0x7a: {  	[tilespmem:s16], [sflag:$0x2] =	stream.linear.gather [hbm4b:s6+s3], $0x50, $0x38;
	[tilespmem:$0x8F98] =	vst v63  }
0x7b: {  	_ =	swait.ge [sflag:s17], $0x50  }
0x7c: {  	[sflag:s17] =	ssyncset.done $0x0  }
0x7d: {  	[sflag:s17] =	ssyncadd.s32 $0xFFFFFFB0  }
0x7e: {  	[tilespmem:s19], [sflag:$0x1] =	stream.indirect.gather [spmem:s2], $0x10, s16, s18, $0xb8;
	[tilespmem:$0x8F98] =	vst v63  }
0x7f: {  	p1 =	sne.s32 s4, $0x1;
	_ =	swait.ge [sflag:s20], $0x500  }
.Ltmp5:
0x80: {  	[sflag:s20] =	ssyncset.done $0x0;
	(pc) =	sbr.rel @!p1 .LBB2_8-.Ltmp5, $4  }
0x81: {  	[sflag:s20] =	ssyncadd.s32 $0xFFFFFB00  }
0x82: {  	[hbm4b:s15+s3] =	stream.linear.scatter [tilespmem:s19], [sflag:$0x2], $0x2800, $0x38;
	[tilespmem:$0x8F98] =	vst v63  }
0x83: {  	s23 =	smov.u32 s15;
	_ =	swait.ge [sflag:s17], $0x2800  }
0x84: {  	s24 =	smov.u32 s6;
	s22 =	sadd.s32 $0xFFFFFFFF, s4;
	[sflag:s17] =	ssyncset.done $0x0  }
.LBB2_7:
0x85: {  	[sflag:s17] =	ssyncadd.s32 $0xFFFFD800;
	s23 =	sadd.s32 $0x500, s23;
	s24 =	sadd.s32 $0xA, s24  }
0x86: {  	[tilespmem:s16], [sflag:$0x2] =	stream.linear.gather [hbm4b:s24+s3], $0x50, $0x38;
	[tilespmem:$0x8F98] =	vst v63  }
0x87: {  	p1 =	sne.s32 s22, $0x1;
	s22 =	sadd.s32 $0xFFFFFFFF, s22;
	_ =	swait.ge [sflag:s17], $0x50  }
0x88: {  	[sflag:s17] =	ssyncset.done $0x0  }
0x89: {  	[sflag:s17] =	ssyncadd.s32 $0xFFFFFFB0  }
0x8a: {  	[tilespmem:s19], [sflag:$0x1] =	stream.indirect.gather [spmem:s2], $0x10, s16, s18, $0xb8;
	[tilespmem:$0x8F98] =	vst v63  }
0x8b: {  	_ =	swait.ge [sflag:s20], $0x500  }
.Ltmp6:
0x8c: {  	[sflag:s20] =	ssyncset.done $0x0;
	(pc) =	sbr.rel @p1 .LBB2_7-.Ltmp6, $4  }
0x8d: {  	[sflag:s20] =	ssyncadd.s32 $0xFFFFFB00  }
0x8e: {  	[hbm4b:s23+s3] =	stream.linear.scatter [tilespmem:s19], [sflag:$0x2], $0x2800, $0x38;
	[tilespmem:$0x8F98] =	vst v63  }
0x8f: {  	_ =	swait.ge [sflag:s17], $0x2800  }
0x90: {  	[sflag:s17] =	ssyncset.done $0x0  }
.LBB2_8:
.Ltmp7:
0x91: {  	(pc) =	sbr.rel .LBB2_9-.Ltmp7, $2  }
0x92: {  	_ =	sdelay $0x2  }
0x93: {  	[sflag:s17] =	ssyncadd.s32 $0xFFFFD800  }
.LBB2_10:
0x94: {  	_ =	sfence.sel $0x180000  }
0x95: {  	[bflag:$0x0] =	sbarrier.arrive $0xFFFF  }
0x96: {  	p0 =	sne.s32 s1, $0x0;
	_ =	strace $0x90000047  }
0x97: {  	s0 =	sadd.s32 @!p0 $0x100000, s0;
	[bflag:$0x2] =	sbarrier.arrive $0xFFFF  }
0x98: {  	[sflag:s0] =	ssyncadd.tile.s32 @!p0 $0x1;
	_ =	shalt  }
.Lfunc_end2:
_tile_overlayer_lowered:
.L_overlay_start_2:
0x99: {  	(tag) =	ssettag $0x2  }
0x9a: {  	s0 =	rddreg [dreg:$0x0];
	s2 =	stileid.u32  }
0x9b: {  	s1 =	rddreg [dreg:$0x1];
	p0 =	sne.s32 s2, $0x0  }
0x9c: {  	s3 =	rddreg [dreg:$0x2];
	[bflag:$0x3] =	sbarrier.arrive $0xFFFF;
	s2 =	simm.s32 @!p0 $0x1C02  }
0x9d: {  	[timem:s3], [sflag:s2] =	dma.local @!p0 [hbm:s0], s1  }
0x9e: {  	s0 =	simm.s32 @!p0 $0x2  }
0x9f: {  	_ =	swait.ge @!p0 [sflag:s0], s1  }
0xa0: {  	s1 =	ssub.s32 @!p0 $0x0, s1;
	[sflag:s0] =	ssyncset.done @!p0 $0x0  }
0xa1: {  	[sflag:s0] =	ssyncadd.s32 @!p0 s1  }
0xa2: {  	[bflag:$0x3] =	sbarrier.arrive $0xFFFF  }
0xa3: {  	_ =	shalt  }

// kernel: kernel.14.cloned.1.call-start
scs
__scs_entry_jumppad:
0x0: {  	(pc) =	sbr.rel $0x88, $3  }
0x1: {  	(tag) =	ssettag $0x0;
	lr =	simm.s32 $0x1  }
0x2: {  	[smem:$0x3F8F] =	sst lr;
	_ =	strace $0xD0000000  }
0x3: {  	_ = 	snop  }
0x4: {  	_ = 	snop  }
0x5: {  	_ = 	snop  }
0x6: {  	_ = 	snop  }
0x7: {  	_ = 	snop  }
__scs_overlays_trampoline_lowered:
0x8: {  	[smem:$0x3F9E] =	sst s0  }
0x9: {  	[smem:$0x3F9F] =	sst s1  }
0xa: {  	[smem:$0x3FA0] =	sst s2  }
0xb: {  	[smem:$0x3FA1] =	sst s3  }
0xc: {  	[smem:$0x3FA2] =	sst s4  }
0xd: {  	[smem:$0x3FA3] =	sst s5  }
0xe: {  	[smem:$0x3FA4] =	sst s6  }
0xf: {  	[smem:$0x3FA5] =	sst s7  }
0x10: {  	[smem:$0x3FA6] =	sst s8  }
0x11: {  	[smem:$0x3FA7] =	sst s9;
	s0 =	simm.s32 @!p0 $0x0  }
0x12: {  	s1 =	sld [smem:$0x3F8D];
	s0 =	simm.s32 @p0 $0x1  }
0x13: {  	[smem:$0x3FA8] =	sst s0;
	s0 =	simm.s32 @!p1 $0x0  }
0x14: {  	s2 =	sld [smem:$0x3F8C];
	s0 =	simm.s32 @p1 $0x1  }
0x15: {  	[smem:$0x3FA9] =	sst s0;
	s0 =	simm.s32 @!p2 $0x0  }
0x16: {  	s3 =	sld [smem:$0x3FDB];
	s0 =	simm.s32 @p2 $0x1  }
0x17: {  	s4 =	simm.s32 $0x1BF5;
	[smem:$0x3FAB] =	sst s0  }
0x18: {  	s0 =	sld [smem:$0x3F8E];
	_ =	swait.ge [sflag:s4], $0x0  }
0x19: {  	s7 =	sld [smem:$0x3F8F]  }
0x1a: {  	s8 =	sadd.s32 $0xFFFFE003, lr  }
0x1b: {  	s9 =	sadd.s32 $0xFFFFFEF7, lr;
	s5 =	simm.s32 $0xFFFFFFFF;
	p2 =	slt.u32 s8, $0xFFFFF086  }
0x1c: {  	p1 =	slt.u32 s9, $0xF7A;
	s5 =	simm.s32 @!p2 $0x0  }
0x1d: {  	s5 =	simm.s32 @p1 $0x1;
	p0 =	seq.s32 s7, s2  }
0x1e: {  	s7 =	smul.u32 @!p0 $0xF7A, s2;
	p2 =	seq.s32 @!p0 s5, $0x0  }
0x1f: {  	s9 =	smul.u32 $0xF7A, s1;
	s8 =	simm.s32 @!p0 $0x1BF5;
	p2 =	por !p2, p0  }
0x20: {  	[sflag:s8] =	ssyncset.s32 @!p0 $0xFFFFF086;
	s6 =	sadd.s32 @!p0 s3, s7;
	s7 =	simm.s32 @!p0 $0x108  }
0x21: {  	s3 =	sadd.s32 s3, s9;
	s6 =	sadd.s32 @!p0 $0x88, s6;
	s7 =	simm.s32 @p2 $0x1082  }
0x22: {  	[simem:s7], [sflag:s8] =	dma.local @!p0 [hbm:s6], $0xF7A  }
0x23: {  	s9 =	sor.u32 $0xD0000000, s2;
	s6 =	simm.s32 $0x108;
	_ =	swait.ge @!p0 [sflag:s8], $0x0  }
0x24: {  	s3 =	sadd.s32 $0x88, s3;
	s6 =	simm.s32 @!p1 $0x1082;
	[sflag:s4] =	ssyncset.s32 $0xFFFFF086  }
0x25: {  	[simem:s6], [sflag:s4] =	dma.local [hbm:s3], $0xF7A  }
0x26: {  	[smem:$0x3F8F] =	sst s1;
	(tag) =	ssettag s2;
	_ =	strace s9  }
0x27: {  	s1 =	sld [smem:$0x3F9F]  }
0x28: {  	s2 =	sld [smem:$0x3FA0]  }
0x29: {  	s4 =	sld [smem:$0x3FA2]  }
0x2a: {  	p0 =	seq.s32 s5, $0x0;
	s5 =	sld [smem:$0x3FA3]  }
0x2b: {  	s6 =	sld [smem:$0x3FA4]  }
0x2c: {  	s7 =	sld [smem:$0x3FA5]  }
0x2d: {  	s3 =	simm.s32 $0x108;
	s8 =	sld [smem:$0x3FA6]  }
0x2e: {  	s3 =	simm.s32 @!p0 $0x1082;
	s9 =	sld [smem:$0x3FA7]  }
0x2f: {  	lr =	sadd.s32 s0, s3;
	s0 =	sld [smem:$0x3F9E]  }
0x30: {  	s3 =	sld [smem:$0x3FA1]  }
0x31: {  	[smem:$0x3FAA] =	sst s10  }
0x32: {  	s10 =	sld [smem:$0x3FA8];
	_ =	sdelay $0x3  }
0x33: {  	p0 =	seq.s32 s10, $0x1;
	s10 =	sld [smem:$0x3FAA];
	_ =	sdelay $0x3  }
0x34: {  	[smem:$0x3FAA] =	sst s10  }
0x35: {  	s10 =	sld [smem:$0x3FA9];
	_ =	sdelay $0x3  }
0x36: {  	p1 =	seq.s32 s10, $0x1;
	s10 =	sld [smem:$0x3FAA];
	_ =	sdelay $0x3  }
0x37: {  	[smem:$0x3FAA] =	sst s10  }
0x38: {  	s10 =	sld [smem:$0x3FAB]  }
0x39: {  	_ = 	snop;
	(pc) =	sbr.ind lr, $3  }
0x3a: {  	_ = 	snop  }
0x3b: {  	_ = 	snop  }
0x3c: {  	p2 =	seq.s32 s10, $0x1;
	s10 =	sld [smem:$0x3FAA]  }
0x3d: {  	_ =	shalt  }
0x3e: {  	_ =	shalt  }
0x3f: {  	_ =	shalt  }
0x40: {  	_ =	shalt  }
0x41: {  	_ =	shalt  }
0x42: {  	_ =	shalt  }
0x43: {  	_ =	shalt  }
0x44: {  	_ =	shalt  }
0x45: {  	_ =	shalt  }
0x46: {  	_ =	shalt  }
0x47: {  	_ =	shalt  }
0x48: {  	_ =	shalt  }
0x49: {  	_ =	shalt  }
0x4a: {  	_ =	shalt  }
0x4b: {  	_ =	shalt  }
0x4c: {  	_ =	shalt  }
0x4d: {  	_ =	shalt  }
0x4e: {  	_ =	shalt  }
0x4f: {  	_ =	shalt  }
0x50: {  	_ =	shalt  }
0x51: {  	_ =	shalt  }
0x52: {  	_ =	shalt  }
0x53: {  	_ =	shalt  }
0x54: {  	_ =	shalt  }
0x55: {  	_ =	shalt  }
0x56: {  	_ =	shalt  }
0x57: {  	_ =	shalt  }
0x58: {  	_ =	shalt  }
0x59: {  	_ =	shalt  }
0x5a: {  	_ =	shalt  }
0x5b: {  	_ =	shalt  }
0x5c: {  	_ =	shalt  }
0x5d: {  	_ =	shalt  }
0x5e: {  	_ =	shalt  }
0x5f: {  	_ =	shalt  }
0x60: {  	_ =	shalt  }
0x61: {  	_ =	shalt  }
0x62: {  	_ =	shalt  }
0x63: {  	_ =	shalt  }
0x64: {  	_ =	shalt  }
0x65: {  	_ =	shalt  }
0x66: {  	_ =	shalt  }
0x67: {  	_ =	shalt  }
0x68: {  	_ =	shalt  }
0x69: {  	_ =	shalt  }
0x6a: {  	_ =	shalt  }
0x6b: {  	_ =	shalt  }
0x6c: {  	_ =	shalt  }
0x6d: {  	_ =	shalt  }
0x6e: {  	_ =	shalt  }
0x6f: {  	_ =	shalt  }
0x70: {  	_ =	shalt  }
0x71: {  	_ =	shalt  }
0x72: {  	_ =	shalt  }
0x73: {  	_ =	shalt  }
0x74: {  	_ =	shalt  }
0x75: {  	_ =	shalt  }
0x76: {  	_ =	shalt  }
0x77: {  	_ =	shalt  }
0x78: {  	_ =	shalt  }
0x79: {  	_ =	shalt  }
0x7a: {  	_ =	shalt  }
0x7b: {  	_ =	shalt  }
0x7c: {  	_ =	shalt  }
0x7d: {  	_ =	shalt  }
0x7e: {  	_ =	shalt  }
0x7f: {  	_ =	shalt  }
0x80: {  	_ =	shalt  }
0x81: {  	_ =	shalt  }
0x82: {  	_ =	shalt  }
0x83: {  	_ =	shalt  }
0x84: {  	_ =	shalt  }
0x85: {  	_ =	shalt  }
0x86: {  	_ =	shalt  }
0x87: {  	_ =	shalt  }
.Lfunc_end0:
.L_simem_size_0:
called_computation.1_lowered:
.L_overlay_start_0:
0x88: {  	s2 =	sld [smem:$0x3FD9]  }
0x89: {  	s3 =	sld [smem:$0x3FFE];
	_ =	sdelay $0x1  }
0x8a: {  	s1 =	srdreg.scid  }
0x8b: {  	s0 =	sand.u32 $0x1, s1  }
0x8c: {  	s16 =	sshll.u32 s0, $0xA;
	s2 =	sadd.s32 s3, s2  }
0x8d: {  	s2 =	sadd.s32 s2, s16  }
0x8e: {  	[smem:$0x3FB6] =	sst s2  }
0x8f: {  	_ = 	snop  }
0x90: {  	(tm) =	ssettm $0x1  }
0x91: {  	s17 =	sld [smem:$0x3FFB];
	_ =	sdelay $0x3  }
0x92: {  	_ =	strace s17  }
0x93: {  	s2 =	sld [smem:$0x3FFC];
	_ =	sdelay $0x3  }
0x94: {  	_ =	strace s2  }
0x95: {  	s2 =	sld [smem:$0x3FFD];
	_ =	sdelay $0x3  }
0x96: {  	_ =	strace s2  }
0x97: {  	_ =	strace $0x8FFFFFFF  }
0x98: {  	s18 =	sld [smem:$0x3FDB];
	_ =	sdelay $0x1  }
0x99: {  	s19 =	simm.s32 $_scs_section_size  }
0x9a: {  	s4 =	simm.s32 $_size__tile_overlayer_lowered;
	s5 =	simm.s32 $_tile_overlayer_lowered  }
0x9b: {  	s22 =	simm.s32 $0x1BFF;
	s21 =	sshll.u32 s5, $0x1;
	s2 =	sadd.s32 s19, s18  }
0x9c: {  	s6 =	simm.s32 $0x0;
	s20 =	sshll.u32 s4, $0x1;
	s4 =	sadd.s32 s21, s2  }
0x9d: {  	[timem:s6], [sflag:s22] =	dma.local [hbm:s4], s20  }
0x9e: {  	_ =	swait.ge [sflag:s22], s20  }
0x9f: {  	s3 =	ssub.s32 $0x0, s20;
	[sflag:s22] =	ssyncset.done $0x0  }
0xa0: {  	[sflag:s22] =	ssyncadd.s32 s3;
	_ =	sdelay $0x1  }
0xa1: {  	s23 =	simm.s32 $0x1B8B  }
0xa2: {  	_ =	swait.ge [sflag:s23], $0x1  }
0xa3: {  	[sflag:s23] =	ssyncset.done $0x0  }
0xa4: {  	s25 =	simm.s32 $0x1B8E;
	s24 =	sld [smem:$0x3FFE];
	[sflag:s23] =	ssyncadd.s32 $0xFFFFFFFF  }
0xa5: {  	s26 =	simm.s32 $execute0_lowered;
	[smem:$0x3FD2] =	sst s25  }
0xa6: {  	s4 =	sshll.u32 s26, $0x1;
	_ =	strace $0x80000049;
	[dreg:$0x1] =	wrdreg $0xFFFFFFFF  }
0xa7: {  	s28 =	simm.s32 $_size_execute0_lowered;
	s2 =	sadd.s32 s2, s4;
	[dreg:$0x0] =	wrdreg $0x0  }
0xa8: {  	s4 =	sshll.u32 s28, $0x1;
	[dreg:$0x2] =	wrdreg s2  }
0xa9: {  	[dreg:$0x3] =	wrdreg s4  }
0xaa: {  	[dreg:$0x4] =	wrdreg $0xC0  }
0xab: {  	_ =	task [dreg:s6], $0x5FFFF  }
0xac: {  	[dreg:$0x1] =	wrdreg $0xFFFFFFFF  }
0xad: {  	[dreg:$0x0] =	wrdreg $0x60  }
0xae: {  	[dreg:$0x2] =	wrdreg s24  }
0xaf: {  	[dreg:$0x3] =	wrdreg $0x0  }
0xb0: {  	[dreg:$0x4] =	wrdreg $0x9  }
0xb1: {  	_ =	task.clear_ibuf [dreg:s6], $0x5FFFF;
	_ =	strace $0x90000049  }
0xb2: {  	s29 =	simm.s32 $0x9;
	_ =	strace $0x8000004B  }
0xb3: {  	_ =	swait.ge [sflag:s29], $0x1  }
0xb4: {  	[sflag:s29] =	ssyncadd.s32 $0xFFFFFFFF  }
0xb5: {  	_ =	strace $0x9000004B  }
0xb6: {  	_ =	sfence  }
0xb7: {  	s30 =	sld [smem:$0x0];
	_ =	sdelay $0x2  }
0xb8: {  	s31 =	sshll.u32 s1, $0xD;
	s1 =	sshrl.u32 s1, $0x2  }
0xb9: {  	s3 =	sand.u32 $0x4000, s31;
	s1 =	sadd.s32 s1, s30  }
0xba: {  	s0 =	sor.u32 s3, s0;
	s1 =	sshll.u32 s1, $0x11  }
0xbb: {  	s0 =	sor.u32 s1, s0  }
0xbc: {  	s0 =	sadd.s32 $0x8F2B, s0  }
0xbd: {  	[sflag:s0] =	ssyncadd.remote.s32 $0x1  }
0xbe: {  	_ =	sfence.sel $0xFFFF  }
0xbf: {  	[dreg:$0x0] =	wrdreg $0xFFFFFFFF;
	(pc) =	sbr.abs _section_cstart, $3  }
0xc0: {  	[dreg:$0x1] =	wrdreg $0xFFFFFFFF  }
0xc1: {  	_ =	task.clear_ibuf [dreg:s6], $0x2FFFF;
	_ =	strace $0x9FFFFFFF  }
0xc2: {  	(tm) =	ssettm $0x7FFFFFFF  }
0xc3: {  	_ =	shalt  }
tec
execute0_lowered:
.L_overlay_start_1:
0x0: {  	(tag) =	ssettag $0x1  }
0x1: {  	s0 =	rddreg [dreg:$0x0]  }
0x2: {  	s1 =	rddreg [dreg:$0x1];
	s2 =	simm.s32 $0x0  }
0x3: {  	s3 =	srdreg.scid;
	s15 =	stileid.u32;
	s20 =	simm.s32 $0x13AC0  }
0x4: {  	s28 =	simm.s32 $0x13940;
	s29 =	simm.s32 $0x13A40;
	s30 =	simm.s32 $0x17B40  }
0x5: {  	s31 =	simm.s32 $0x2;
	[smem:$0x7FF] =	sst s2;
	s12 =	smul.u32 $0x5000, s15  }
0x6: {  	s3 =	sand.u32 $0x1, s3;
	s4 =	sadd.s32 $0x4B200, s0;
	s14 =	smul.u32 $0x50, s15  }
0x7: {  	s10 =	sadd.s32 $0x37200, s0;
	s11 =	sadd.s32 $0x4800, s0;
	s25 =	smul.u32 $0xA00, s15  }
0x8: {  	p0 =	seq.s32 s15, $0xF;
	s26 =	smul.u32 $0x2800, s15;
	_ =	strace $0x8000004A  }
0x9: {  	s5 =	sshll.u32 s3, $0x4;
	s6 =	smul.u32 $0x27100, s3;
	s7 =	ssub.s32 $0x2, s3  }
0xa: {  	s5 =	sor.u32 s15, s5;
	s9 =	sshrl.u32 s7, $0x1;
	s21 =	sshrl.u32 s12, $0x3  }
0xb: {  	s17 =	sadd.s32 s25, s11;
	s25 =	simm.s32 $0x139C0;
	s8 =	smul.u32 $0x5000, s5  }
0xc: {  	s5 =	sadd.s32 $0xEE00, s0;
	s13 =	ssub.s32 s7, s9;
	s7 =	smul.u32 $0x2710, s3  }
0xd: {  	s0 =	sadd.s32 s6, s0;
	s6 =	sshll.u32 s15, $0x3;
	s3 =	smul.u32 $0x50000, s3  }
0xe: {  	s9 =	sadd.s32 s11, s21;
	s15 =	smul.u32 $0x280, s15;
	s21 =	simm.s32 $0x4  }
0xf: {  	s22 =	sadd.s32 $0x10, s9;
	s23 =	smax.u32 s13, $0x1;
	s24 =	sadd.s32 s14, s5  }
0x10: {  	s0 =	sadd.s32 s26, s0;
	s26 =	simm.s32 $0x80;
	[dreg:$0x5] =	wrdreg s22  }
0x11: {  	s8 =	sshrl.u32 s8, $0x3;
	[dreg:$0x7] =	wrdreg s23;
	s3 =	sadd.s32 s12, s3  }
0x12: {  	[dreg:$0x8] =	wrdreg s24;
	s19 =	sadd.s32 $0x99400, s0;
	s22 =	simm.s32 $0x13B40  }
0x13: {  	s23 =	simm.s32 $0x50;
	s24 =	simm.s32 $0x138C0;
	s0 =	simm.s32 $0x3  }
0x14: {  	s8 =	sadd.s32 s10, s8;
	s12 =	sor.u32 $0x100, s3;
	s3 =	sor.u32 $0x180, s3  }
0x15: {  	[dreg:$0x3] =	wrdreg s8;
	s8 =	sadd.s32 $0x10, s8;
	s12 =	sshrl.u32 s12, $0x3  }
0x16: {  	s3 =	sshrl.u32 s3, $0x3;
	[dreg:$0x4] =	wrdreg s8;
	s8 =	simm.s32 $0x5  }
0x17: {  	s16 =	sadd.s32 s12, s10;
	s18 =	sadd.s32 s3, s10;
	s8 =	simm.s32 @!p0 $0x8  }
0x18: {  	s3 =	simm.s32 $0x1;
	s10 =	simm.s32 $0x0;
	[dreg:$0x6] =	wrdreg s8  }
.LBB2_1:
0x19: {  	s11 =	sadd.s32 $0x0, s6  }
0x1a: {  	s8 =	rddreg [dreg:$0x8];
	p0 =	slt.u32 s11, $0x7D;
	s11 =	smov.u32 s15  }
0x1b: {  	[tilespmem:s20], [sflag:$0x4] =	stream.linear.gather [hbm4b:s8+s2], $0x50, $0x38;
	[tilespmem:$0x1BB40] =	vst v63  }
0x1c: {  	s11 =	simm.s32 @!p0 $0x0  }
0x1d: {  	_ =	swait.ge [sflag:s21], $0x50;
	s11 =	sadd.s32 s7, s11  }
0x1e: {  	[sflag:s21] =	ssyncset.done $0x0;
	s11 =	sshll.u32 s11, $0x4  }
0x1f: {  	[sflag:s21] =	ssyncadd.s32 $0xFFFFFFB0;
	s11 =	sadd.s32 s4, s11  }
0x20: {  	[tilespmem:s22], [sflag:$0x4] =	stream.linear.gather [hbm4b:s11+s2], $0x2800, $0x38;
	[tilespmem:$0x1BB40] =	vst v63  }
0x21: {  	_ =	swait.ge [sflag:s21], $0x2800  }
0x22: {  	[sflag:s21] =	ssyncset.done $0x0  }
0x23: {  	s12 =	simm.s32 $0x2;
	s14 =	sadd.s32 $0x1, s6;
	[sflag:s21] =	ssyncadd.s32 $0xFFFFD800  }
0x24: {  	[spmem:s1] =	stream.indirect.scatter [tilespmem:s22], [sflag:$0x4], $0x80, s20, s23, $0xb8;
	[tilespmem:$0x1BB40] =	vst v63  }
0x25: {  	s13 =	sadd.s32 $0xA, s8;
	s11 =	sadd.s32 $0x50, s15;
	_ =	swait.ge [sflag:s21], $0x2800  }
.LBB2_2:
0x26: {  	p1 =	slt.u32 s14, $0x7D;
	[sflag:s21] =	ssyncset.done $0x0;
	s14 =	smov.u32 s12  }
0x27: {  	s8 =	sadd.s32 $0x1, s12;
	p0 =	sne.s32 s12, $0x7;
	s12 =	smov.u32 s11  }
0x28: {  	s12 =	simm.s32 @!p1 $0x0;
	[sflag:s21] =	ssyncadd.s32 $0xFFFFD800  }
0x29: {  	[tilespmem:s20], [sflag:$0x4] =	stream.linear.gather [hbm4b:s13+s2], $0x50, $0x38;
	[tilespmem:$0x1BB40] =	vst v63  }
0x2a: {  	s12 =	sadd.s32 s7, s12;
	_ =	swait.ge [sflag:s21], $0x50  }
0x2b: {  	s12 =	sshll.u32 s12, $0x4;
	[sflag:s21] =	ssyncset.done $0x0  }
0x2c: {  	s12 =	sadd.s32 s4, s12;
	[sflag:s21] =	ssyncadd.s32 $0xFFFFFFB0  }
0x2d: {  	[tilespmem:s22], [sflag:$0x4] =	stream.linear.gather [hbm4b:s12+s2], $0x2800, $0x38;
	[tilespmem:$0x1BB40] =	vst v63  }
.Ltmp0:
0x2e: {  	_ =	swait.ge [sflag:s21], $0x2800;
	(pc) =	sbr.rel @p0 .LBB2_2-.Ltmp0, $4  }
0x2f: {  	[sflag:s21] =	ssyncset.done $0x0  }
0x30: {  	s11 =	sadd.s32 $0x50, s11;
	s14 =	sadd.s32 s14, s6;
	[sflag:s21] =	ssyncadd.s32 $0xFFFFD800  }
0x31: {  	[spmem:s1] =	stream.indirect.scatter [tilespmem:s22], [sflag:$0x4], $0x80, s20, s23, $0xb8;
	[tilespmem:$0x1BB40] =	vst v63  }
0x32: {  	s13 =	sadd.s32 $0xA, s13;
	s12 =	smov.u32 s8;
	_ =	swait.ge [sflag:s21], $0x2800  }
0x33: {  	p0 =	slt.u32 s14, $0x7D;
	[sflag:s21] =	ssyncset.done $0x0  }
0x34: {  	s11 =	simm.s32 @!p0 $0x0;
	[sflag:s21] =	ssyncadd.s32 $0xFFFFD800  }
0x35: {  	[tilespmem:s20], [sflag:$0x4] =	stream.linear.gather [hbm4b:s13+s2], $0x50, $0x38;
	[tilespmem:$0x1BB40] =	vst v63  }
0x36: {  	s8 =	sadd.s32 s7, s11;
	_ =	swait.ge [sflag:s21], $0x50  }
0x37: {  	s8 =	sshll.u32 s8, $0x4;
	[sflag:s21] =	ssyncset.done $0x0  }
0x38: {  	s8 =	sadd.s32 s4, s8;
	[sflag:s21] =	ssyncadd.s32 $0xFFFFFFB0  }
0x39: {  	[tilespmem:s22], [sflag:$0x4] =	stream.linear.gather [hbm4b:s8+s2], $0x2800, $0x38;
	[tilespmem:$0x1BB40] =	vst v63  }
0x3a: {  	_ =	swait.ge [sflag:s21], $0x2800  }
0x3b: {  	[sflag:s21] =	ssyncset.done $0x0  }
0x3c: {  	[sflag:s21] =	ssyncadd.s32 $0xFFFFD800  }
0x3d: {  	[spmem:s1] =	stream.indirect.scatter [tilespmem:s22], [sflag:$0x4], $0x80, s20, s23, $0xb8;
	[tilespmem:$0x1BB40] =	vst v63  }
0x3e: {  	_ =	swait.ge [sflag:s21], $0x2800  }
0x3f: {  	[sflag:s21] =	ssyncset.done $0x0  }
0x40: {  	[sflag:s21] =	ssyncadd.s32 $0xFFFFD800  }
0x41: {  	[bflag:$0x0] =	sbarrier.arrive $0xFFFF  }
0x42: {  	s8 =	simm.s32 $0x0;
	s12 =	rddreg [dreg:$0x3]  }
0x43: {  	[tilespmem:s24], [sflag:$0x4] =	stream.linear.gather [hbm4b:s12+s8], $0x80, $0x38;
	[tilespmem:$0x1BB40] =	vst v63  }
0x44: {  	_ =	swait.ge [sflag:s21], $0x80  }
0x45: {  	[sflag:s21] =	ssyncset.done $0x0  }
0x46: {  	[sflag:s21] =	ssyncadd.s32 $0xFFFFFF80  }
0x47: {  	[tilespmem:s25], [sflag:$0x4] =	stream.linear.gather [hbm4b:s9+s8], $0x80, $0x38;
	[tilespmem:$0x1BB40] =	vst v63  }
0x48: {  	_ =	swait.ge [sflag:s21], $0x80  }
0x49: {  	[sflag:s21] =	ssyncset.done $0x0  }
0x4a: {  	[sflag:s21] =	ssyncadd.s32 $0xFFFFFF80  }
0x4b: {  	[tilespmem:s22], [sflag:$0x2] =	stream.indirect.gather [hbm4b:s4+s26], $0x80, s24, s26, $0xb8;
	[tilespmem:$0x1BB40] =	vst v63  }
0x4c: {  	s13 =	rddreg [dreg:$0x4]  }
0x4d: {  	[tilespmem:s28], [sflag:$0x4] =	stream.linear.gather [hbm4b:s13+s8], $0x80, $0x38;
	[tilespmem:$0x1BB40] =	vst v63  }
0x4e: {  	_ =	swait.ge [sflag:s21], $0x80  }
0x4f: {  	[sflag:s21] =	ssyncset.done $0x0  }
0x50: {  	s14 =	rddreg [dreg:$0x5];
	[sflag:s21] =	ssyncadd.s32 $0xFFFFFF80  }
0x51: {  	[tilespmem:s29], [sflag:$0x4] =	stream.linear.gather [hbm4b:s14+s8], $0x80, $0x38;
	[tilespmem:$0x1BB40] =	vst v63  }
0x52: {  	_ =	swait.ge [sflag:s21], $0x80  }
0x53: {  	[sflag:s21] =	ssyncset.done $0x0  }
0x54: {  	[sflag:s21] =	ssyncadd.s32 $0xFFFFFF80  }
0x55: {  	[tilespmem:s30], [sflag:$0x3] =	stream.indirect.gather [hbm4b:s4+s26], $0x80, s28, s26, $0xb8;
	[tilespmem:$0x1BB40] =	vst v63  }
0x56: {  	_ =	swait.ge [sflag:s31], $0x4000  }
0x57: {  	[sflag:s31] =	ssyncset.done $0x0  }
0x58: {  	[sflag:s31] =	ssyncadd.s32 $0xFFFFC000  }
0x59: {  	[spmem:s1] =	stream.indirect.scatter.add.f32 [tilespmem:s22], [sflag:$0x4], $0x80, s25, s26, $0xb8;
	[tilespmem:$0x1BB40] =	vst v63  }
0x5a: {  	_ =	swait.ge [sflag:s21], $0x4000  }
0x5b: {  	[sflag:s21] =	ssyncset.done $0x0  }
0x5c: {  	s11 =	sadd.s32 $0x0, s16;
	[sflag:s21] =	ssyncadd.s32 $0xFFFFC000  }
0x5d: {  	[tilespmem:s24], [sflag:$0x4] =	stream.linear.gather [hbm4b:s11+s2], $0x80, $0x38;
	[tilespmem:$0x1BB40] =	vst v63  }
0x5e: {  	_ =	swait.ge [sflag:s21], $0x80  }
0x5f: {  	s12 =	sadd.s32 $0x0, s17;
	[sflag:s21] =	ssyncset.done $0x0  }
0x60: {  	s13 =	sadd.s32 $0x20, s12;
	[sflag:s21] =	ssyncadd.s32 $0xFFFFFF80  }
0x61: {  	[tilespmem:s25], [sflag:$0x4] =	stream.linear.gather [hbm4b:s13+s2], $0x80, $0x38;
	[tilespmem:$0x1BB40] =	vst v63  }
0x62: {  	_ =	swait.ge [sflag:s21], $0x80  }
0x63: {  	[sflag:s21] =	ssyncset.done $0x0  }
0x64: {  	[sflag:s21] =	ssyncadd.s32 $0xFFFFFF80  }
0x65: {  	[tilespmem:s22], [sflag:$0x2] =	stream.indirect.gather [hbm4b:s4+s26], $0x80, s24, s26, $0xb8;
	[tilespmem:$0x1BB40] =	vst v63  }
0x66: {  	_ =	swait.ge [sflag:s0], $0x4000  }
0x67: {  	[sflag:s0] =	ssyncset.done $0x0  }
0x68: {  	[sflag:s0] =	ssyncadd.s32 $0xFFFFC000  }
0x69: {  	[spmem:s1] =	stream.indirect.scatter.add.f32 [tilespmem:s30], [sflag:$0x4], $0x80, s29, s26, $0xb8;
	[tilespmem:$0x1BB40] =	vst v63  }
0x6a: {  	_ =	swait.ge [sflag:s21], $0x4000  }
0x6b: {  	[sflag:s21] =	ssyncset.done $0x0  }
0x6c: {  	s14 =	sadd.s32 $0x0, s18;
	[sflag:s21] =	ssyncadd.s32 $0xFFFFC000  }
0x6d: {  	[tilespmem:s28], [sflag:$0x4] =	stream.linear.gather [hbm4b:s14+s2], $0x80, $0x38;
	[tilespmem:$0x1BB40] =	vst v63  }
0x6e: {  	_ =	swait.ge [sflag:s21], $0x80  }
0x6f: {  	[sflag:s21] =	ssyncset.done $0x0  }
0x70: {  	s8 =	sadd.s32 $0x30, s12;
	[sflag:s21] =	ssyncadd.s32 $0xFFFFFF80  }
0x71: {  	[tilespmem:s29], [sflag:$0x4] =	stream.linear.gather [hbm4b:s8+s2], $0x80, $0x38;
	[tilespmem:$0x1BB40] =	vst v63  }
0x72: {  	_ =	swait.ge [sflag:s21], $0x80  }
0x73: {  	[sflag:s21] =	ssyncset.done $0x0  }
0x74: {  	s11 =	simm.s32 $0x20;
	[sflag:s21] =	ssyncadd.s32 $0xFFFFFF80  }
.LBB2_4:
0x75: {  	[tilespmem:s30], [sflag:$0x3] =	stream.indirect.gather [hbm4b:s4+s26], $0x80, s28, s26, $0xb8;
	[tilespmem:$0x1BB40] =	vst v63  }
0x76: {  	s8 =	smov.u32 s11  }
0x77: {  	p0 =	sne.s32 s11, $0x9C0;
	s11 =	sadd.s32 $0x20, s11;
	_ =	swait.ge [sflag:s31], $0x4000  }
0x78: {  	[sflag:s31] =	ssyncset.done $0x0  }
0x79: {  	[sflag:s31] =	ssyncadd.s32 $0xFFFFC000  }
0x7a: {  	[spmem:s1] =	stream.indirect.scatter.add.f32 [tilespmem:s22], [sflag:$0x4], $0x80, s25, s26, $0xb8;
	[tilespmem:$0x1BB40] =	vst v63  }
0x7b: {  	_ =	swait.ge [sflag:s21], $0x4000  }
0x7c: {  	[sflag:s21] =	ssyncset.done $0x0  }
0x7d: {  	s12 =	sadd.s32 s8, s16;
	[sflag:s21] =	ssyncadd.s32 $0xFFFFC000  }
0x7e: {  	[tilespmem:s24], [sflag:$0x4] =	stream.linear.gather [hbm4b:s12+s2], $0x80, $0x38;
	[tilespmem:$0x1BB40] =	vst v63  }
0x7f: {  	_ =	swait.ge [sflag:s21], $0x80  }
0x80: {  	s12 =	sadd.s32 s8, s17;
	[sflag:s21] =	ssyncset.done $0x0  }
0x81: {  	s13 =	sadd.s32 $0x20, s12;
	[sflag:s21] =	ssyncadd.s32 $0xFFFFFF80  }
0x82: {  	[tilespmem:s25], [sflag:$0x4] =	stream.linear.gather [hbm4b:s13+s2], $0x80, $0x38;
	[tilespmem:$0x1BB40] =	vst v63  }
0x83: {  	_ =	swait.ge [sflag:s21], $0x80  }
0x84: {  	[sflag:s21] =	ssyncset.done $0x0  }
0x85: {  	[sflag:s21] =	ssyncadd.s32 $0xFFFFFF80  }
0x86: {  	[tilespmem:s22], [sflag:$0x2] =	stream.indirect.gather [hbm4b:s4+s26], $0x80, s24, s26, $0xb8;
	[tilespmem:$0x1BB40] =	vst v63  }
0x87: {  	_ =	swait.ge [sflag:s0], $0x4000  }
0x88: {  	[sflag:s0] =	ssyncset.done $0x0  }
0x89: {  	[sflag:s0] =	ssyncadd.s32 $0xFFFFC000  }
0x8a: {  	[spmem:s1] =	stream.indirect.scatter.add.f32 [tilespmem:s30], [sflag:$0x4], $0x80, s29, s26, $0xb8;
	[tilespmem:$0x1BB40] =	vst v63  }
0x8b: {  	_ =	swait.ge [sflag:s21], $0x4000  }
0x8c: {  	[sflag:s21] =	ssyncset.done $0x0  }
0x8d: {  	s8 =	sadd.s32 s8, s18;
	[sflag:s21] =	ssyncadd.s32 $0xFFFFC000  }
0x8e: {  	[tilespmem:s28], [sflag:$0x4] =	stream.linear.gather [hbm4b:s8+s2], $0x80, $0x38;
	[tilespmem:$0x1BB40] =	vst v63  }
0x8f: {  	_ =	swait.ge [sflag:s21], $0x80  }
0x90: {  	[sflag:s21] =	ssyncset.done $0x0  }
.Ltmp1:
0x91: {  	s8 =	sadd.s32 $0x30, s12;
	[sflag:s21] =	ssyncadd.s32 $0xFFFFFF80;
	(pc) =	sbr.rel @p0 .LBB2_4-.Ltmp1, $4  }
0x92: {  	[tilespmem:s29], [sflag:$0x4] =	stream.linear.gather [hbm4b:s8+s2], $0x80, $0x38;
	[tilespmem:$0x1BB40] =	vst v63  }
0x93: {  	_ =	swait.ge [sflag:s21], $0x80  }
0x94: {  	[sflag:s21] =	ssyncset.done $0x0  }
0x95: {  	[sflag:s21] =	ssyncadd.s32 $0xFFFFFF80  }
0x96: {  	[tilespmem:s30], [sflag:$0x3] =	stream.indirect.gather [hbm4b:s4+s26], $0x80, s28, s26, $0xb8;
	[tilespmem:$0x1BB40] =	vst v63  }
0x97: {  	_ =	swait.ge [sflag:s31], $0x4000  }
0x98: {  	[sflag:s31] =	ssyncset.done $0x0  }
0x99: {  	[sflag:s31] =	ssyncadd.s32 $0xFFFFC000  }
0x9a: {  	[spmem:s1] =	stream.indirect.scatter.add.f32 [tilespmem:s22], [sflag:$0x4], $0x80, s25, s26, $0xb8;
	[tilespmem:$0x1BB40] =	vst v63  }
0x9b: {  	_ =	swait.ge [sflag:s21], $0x4000  }
0x9c: {  	[sflag:s21] =	ssyncset.done $0x0  }
0x9d: {  	s8 =	rddreg [dreg:$0x3];
	[sflag:s21] =	ssyncadd.s32 $0xFFFFC000  }
0x9e: {  	[tilespmem:s24], [sflag:$0x4] =	stream.linear.gather [hbm4b:s8+s2], $0x80, $0x38;
	[tilespmem:$0x1BB40] =	vst v63  }
0x9f: {  	_ =	swait.ge [sflag:s21], $0x80  }
0xa0: {  	[sflag:s21] =	ssyncset.done $0x0  }
0xa1: {  	[sflag:s21] =	ssyncadd.s32 $0xFFFFFF80  }
0xa2: {  	[tilespmem:s25], [sflag:$0x4] =	stream.linear.gather [hbm4b:s9+s2], $0x80, $0x38;
	[tilespmem:$0x1BB40] =	vst v63  }
0xa3: {  	_ =	swait.ge [sflag:s21], $0x80  }
0xa4: {  	[sflag:s21] =	ssyncset.done $0x0  }
0xa5: {  	[sflag:s21] =	ssyncadd.s32 $0xFFFFFF80  }
0xa6: {  	[tilespmem:s22], [sflag:$0x2] =	stream.indirect.gather [hbm4b:s4+s26], $0x80, s24, s26, $0xb8;
	[tilespmem:$0x1BB40] =	vst v63  }
0xa7: {  	_ =	swait.ge [sflag:s0], $0x4000  }
0xa8: {  	[sflag:s0] =	ssyncset.done $0x0  }
0xa9: {  	[sflag:s0] =	ssyncadd.s32 $0xFFFFC000  }
0xaa: {  	[spmem:s1] =	stream.indirect.scatter.add.f32 [tilespmem:s30], [sflag:$0x4], $0x80, s29, s26, $0xb8;
	[tilespmem:$0x1BB40] =	vst v63  }
0xab: {  	_ =	swait.ge [sflag:s21], $0x4000  }
0xac: {  	[sflag:s21] =	ssyncset.done $0x0  }
0xad: {  	[sflag:s21] =	ssyncadd.s32 $0xFFFFC000  }
0xae: {  	[tilespmem:s28], [sflag:$0x4] =	stream.linear.gather [hbm4b:s8+s2], $0x80, $0x38;
	[tilespmem:$0x1BB40] =	vst v63  }
0xaf: {  	_ =	swait.ge [sflag:s21], $0x80  }
0xb0: {  	[sflag:s21] =	ssyncset.done $0x0  }
0xb1: {  	[sflag:s21] =	ssyncadd.s32 $0xFFFFFF80  }
0xb2: {  	[tilespmem:s29], [sflag:$0x4] =	stream.linear.gather [hbm4b:s9+s2], $0x80, $0x38;
	[tilespmem:$0x1BB40] =	vst v63  }
0xb3: {  	_ =	swait.ge [sflag:s21], $0x80  }
0xb4: {  	[sflag:s21] =	ssyncset.done $0x0  }
0xb5: {  	[sflag:s21] =	ssyncadd.s32 $0xFFFFFF80  }
0xb6: {  	[tilespmem:s30], [sflag:$0x3] =	stream.indirect.gather [hbm4b:s4+s26], $0x80, s28, s26, $0xb8;
	[tilespmem:$0x1BB40] =	vst v63  }
0xb7: {  	_ =	swait.ge [sflag:s31], $0x4000  }
0xb8: {  	[sflag:s31] =	ssyncset.done $0x0  }
0xb9: {  	[sflag:s31] =	ssyncadd.s32 $0xFFFFC000  }
0xba: {  	_ =	swait.ge [sflag:s0], $0x4000  }
0xbb: {  	[sflag:s0] =	ssyncset.done $0x0  }
0xbc: {  	[sflag:s0] =	ssyncadd.s32 $0xFFFFC000  }
0xbd: {  	[bflag:$0x0] =	sbarrier.arrive $0xFFFF  }
0xbe: {  	s14 =	rddreg [dreg:$0x6]  }
0xbf: {  	p1 =	sne.s32 s14, $0x1  }
.Ltmp2:
0xc0: {  	_ = 	snop;
	(pc) =	sbr.rel @!p1 .LBB2_6-.Ltmp2, $2  }
0xc1: {  	_ =	sdelay $0x2  }
0xc2: {  	s12 =	sshrl.u32 s15, $0x3;
	p0 =	por $0x0, $0x0;
	s11 =	sadd.s32 $0xFFFFFFFF, s14  }
0xc3: {  	s8 =	sadd.s32 s5, s12  }
0xc4: {  	[tilespmem:s20], [sflag:$0x4] =	stream.linear.gather [hbm4b:s8+s2], $0x50, $0x38;
	[tilespmem:$0x1BB40] =	vst v63  }
0xc5: {  	_ =	swait.ge [sflag:s21], $0x50  }
0xc6: {  	[sflag:s21] =	ssyncset.done $0x0  }
0xc7: {  	[sflag:s21] =	ssyncadd.s32 $0xFFFFFFB0  }
0xc8: {  	[tilespmem:s22], [sflag:$0x1] =	stream.indirect.gather [spmem:s1], $0x80, s20, s23, $0xb8;
	[tilespmem:$0x1BB40] =	vst v63  }
0xc9: {  	p1 =	sne.s32 s11, $0x1;
	_ =	swait.ge [sflag:s3], $0x2800  }
.Ltmp3:
0xca: {  	[sflag:s3] =	ssyncset.done $0x0;
	(pc) =	sbr.rel @!p1 .LBB2_8-.Ltmp3, $4  }
0xcb: {  	s13 =	sadd.s32 $0xFFFFFFFF, s11;
	[sflag:s3] =	ssyncadd.s32 $0xFFFFD800  }
0xcc: {  	[hbm4b:s19+s2] =	stream.linear.scatter [tilespmem:s22], [sflag:$0x4], $0x2800, $0x38;
	[tilespmem:$0x1BB40] =	vst v63  }
0xcd: {  	s14 =	sadd.s32 $0x50, s15;
	p0 =	por $0x1, $0x1;
	_ =	swait.ge [sflag:s21], $0x2800  }
0xce: {  	s11 =	smov.u32 s19;
	s12 =	sshrl.u32 s14, $0x3;
	[sflag:s21] =	ssyncset.done $0x0  }
.LBB2_9:
0xcf: {  	s8 =	sadd.s32 s5, s12;
	[sflag:s21] =	ssyncadd.s32 $0xFFFFD800;
	s11 =	sadd.s32 $0x500, s11  }
0xd0: {  	[tilespmem:s20], [sflag:$0x4] =	stream.linear.gather [hbm4b:s8+s2], $0x50, $0x38;
	[tilespmem:$0x1BB40] =	vst v63  }
0xd1: {  	p1 =	sne.s32 s13, $0x1;
	s13 =	sadd.s32 $0xFFFFFFFF, s13;
	_ =	swait.ge [sflag:s21], $0x50  }
0xd2: {  	[sflag:s21] =	ssyncset.done $0x0  }
0xd3: {  	[sflag:s21] =	ssyncadd.s32 $0xFFFFFFB0  }
0xd4: {  	[tilespmem:s22], [sflag:$0x1] =	stream.indirect.gather [spmem:s1], $0x80, s20, s23, $0xb8;
	[tilespmem:$0x1BB40] =	vst v63  }
0xd5: {  	_ =	swait.ge [sflag:s3], $0x2800  }
.Ltmp4:
0xd6: {  	[sflag:s3] =	ssyncset.done $0x0;
	(pc) =	sbr.rel @p1 .LBB2_9-.Ltmp4, $4  }
0xd7: {  	[sflag:s3] =	ssyncadd.s32 $0xFFFFD800  }
0xd8: {  	[hbm4b:s11+s2] =	stream.linear.scatter [tilespmem:s22], [sflag:$0x4], $0x2800, $0x38;
	[tilespmem:$0x1BB40] =	vst v63  }
0xd9: {  	s14 =	sadd.s32 $0x50, s14;
	_ =	swait.ge [sflag:s21], $0x2800  }
0xda: {  	s12 =	sshrl.u32 s14, $0x3;
	[sflag:s21] =	ssyncset.done $0x0  }
.LBB2_10:
0xdb: {  	s8 =	sadd.s32 s5, s12;
	[sflag:s21] =	ssyncadd.s32 @p0 $0xFFFFD800  }
0xdc: {  	[tilespmem:s20], [sflag:$0x4] =	stream.linear.gather [hbm4b:s8+s2], $0x50, $0x38;
	[tilespmem:$0x1BB40] =	vst v63  }
0xdd: {  	_ =	swait.ge [sflag:s21], $0x50  }
0xde: {  	[sflag:s21] =	ssyncset.done $0x0  }
0xdf: {  	[sflag:s21] =	ssyncadd.s32 $0xFFFFFFB0  }
0xe0: {  	[tilespmem:s22], [sflag:$0x1] =	stream.indirect.gather [spmem:s1], $0x80, s20, s23, $0xb8;
	[tilespmem:$0x1BB40] =	vst v63  }
0xe1: {  	_ =	swait.ge [sflag:s3], $0x2800  }
0xe2: {  	s8 =	sadd.s32 @p0 $0x500, s11;
	s11 =	smov.u32 s19;
	[sflag:s3] =	ssyncset.done $0x0  }
0xe3: {  	s11 =	smov.u32 @p0 s8;
	[sflag:s3] =	ssyncadd.s32 $0xFFFFD800  }
0xe4: {  	[hbm4b:s11+s2] =	stream.linear.scatter [tilespmem:s22], [sflag:$0x4], $0x2800, $0x38;
	[tilespmem:$0x1BB40] =	vst v63  }
0xe5: {  	_ =	swait.ge [sflag:s21], $0x2800  }
0xe6: {  	s10 =	sadd.s32 $0x1, s10;
	s14 =	rddreg [dreg:$0x7]  }
0xe7: {  	p0 =	sne.s32 s10, s14  }
.Ltmp5:
0xe8: {  	_ = 	snop;
	(pc) =	sbr.rel @p0 .LBB2_1-.Ltmp5, $4  }
.Ltmp6:
0xe9: {  	_ = 	snop;
	(pc) =	sbr.rel @!p0 .LBB2_11-.Ltmp6, $4  }
0xea: {  	_ = 	snop  }
0xeb: {  	[sflag:s21] =	ssyncset.done $0x0  }
0xec: {  	[sflag:s21] =	ssyncadd.s32 $0xFFFFD800  }
0xed: {  	_ = 	snop  }
.LBB2_6:
.Ltmp7:
0xee: {  	(pc) =	sbr.rel .LBB2_10-.Ltmp7, $2  }
0xef: {  	_ =	sdelay $0x2  }
0xf0: {  	s11 =	smov.u32 s19  }
.LBB2_8:
.Ltmp8:
0xf1: {  	(pc) =	sbr.rel .LBB2_10-.Ltmp8, $2  }
0xf2: {  	_ =	sdelay $0x2  }
0xf3: {  	s11 =	smov.u32 s19  }
.LBB2_11:
0xf4: {  	_ =	sfence.sel $0x180000  }
0xf5: {  	[bflag:$0x0] =	sbarrier.arrive $0xFFFF  }
0xf6: {  	_ =	strace $0x9000004A  }
0xf7: {  	s0 =	stileid.u32;
	[bflag:$0x2] =	sbarrier.arrive $0xFFFF  }
0xf8: {  	p0 =	sne.s32 s0, $0x0;
	s0 =	rddreg [dreg:$0x2]  }
0xf9: {  	s0 =	sadd.s32 @!p0 $0x100000, s0  }
0xfa: {  	[sflag:s0] =	ssyncadd.tile.s32 @!p0 $0x1;
	_ =	shalt  }
.Lfunc_end2:
_tile_overlayer_lowered:
.L_overlay_start_2:
0xfb: {  	(tag) =	ssettag $0x2  }
0xfc: {  	s0 =	rddreg [dreg:$0x0];
	s2 =	stileid.u32  }
0xfd: {  	s1 =	rddreg [dreg:$0x1];
	p0 =	sne.s32 s2, $0x0  }
0xfe: {  	s3 =	rddreg [dreg:$0x2];
	[bflag:$0x3] =	sbarrier.arrive $0xFFFF;
	s2 =	simm.s32 @!p0 $0x1C04  }
0xff: {  	[timem:s3], [sflag:s2] =	dma.local @!p0 [hbm:s0], s1  }
0x100: {  	s0 =	simm.s32 @!p0 $0x4  }
0x101: {  	_ =	swait.ge @!p0 [sflag:s0], s1  }
0x102: {  	s1 =	ssub.s32 @!p0 $0x0, s1;
	[sflag:s0] =	ssyncset.done @!p0 $0x0  }
0x103: {  	[sflag:s0] =	ssyncadd.s32 @!p0 s1  }
0x104: {  	[bflag:$0x3] =	sbarrier.arrive $0xFFFF  }
0x105: {  	_ =	shalt  }

// kernel: kernel.17.cloned.1.call-start
scs
__scs_entry_jumppad:
0x0: {  	(pc) =	sbr.rel $0x88, $3  }
0x1: {  	(tag) =	ssettag $0x0;
	lr =	simm.s32 $0x1  }
0x2: {  	[smem:$0x3F8F] =	sst lr;
	_ =	strace $0xD0000000  }
0x3: {  	_ = 	snop  }
0x4: {  	_ = 	snop  }
0x5: {  	_ = 	snop  }
0x6: {  	_ = 	snop  }
0x7: {  	_ = 	snop  }
__scs_overlays_trampoline_lowered:
0x8: {  	[smem:$0x3F9E] =	sst s0  }
0x9: {  	[smem:$0x3F9F] =	sst s1  }
0xa: {  	[smem:$0x3FA0] =	sst s2  }
0xb: {  	[smem:$0x3FA1] =	sst s3  }
0xc: {  	[smem:$0x3FA2] =	sst s4  }
0xd: {  	[smem:$0x3FA3] =	sst s5  }
0xe: {  	[smem:$0x3FA4] =	sst s6  }
0xf: {  	[smem:$0x3FA5] =	sst s7  }
0x10: {  	[smem:$0x3FA6] =	sst s8  }
0x11: {  	[smem:$0x3FA7] =	sst s9;
	s0 =	simm.s32 @!p0 $0x0  }
0x12: {  	s1 =	sld [smem:$0x3F8D];
	s0 =	simm.s32 @p0 $0x1  }
0x13: {  	[smem:$0x3FA8] =	sst s0;
	s0 =	simm.s32 @!p1 $0x0  }
0x14: {  	s2 =	sld [smem:$0x3F8C];
	s0 =	simm.s32 @p1 $0x1  }
0x15: {  	[smem:$0x3FA9] =	sst s0;
	s0 =	simm.s32 @!p2 $0x0  }
0x16: {  	s3 =	sld [smem:$0x3FDB];
	s0 =	simm.s32 @p2 $0x1  }
0x17: {  	s4 =	simm.s32 $0x1BF5;
	[smem:$0x3FAB] =	sst s0  }
0x18: {  	s0 =	sld [smem:$0x3F8E];
	_ =	swait.ge [sflag:s4], $0x0  }
0x19: {  	s7 =	sld [smem:$0x3F8F]  }
0x1a: {  	s8 =	sadd.s32 $0xFFFFE003, lr  }
0x1b: {  	s9 =	sadd.s32 $0xFFFFFEF7, lr;
	s5 =	simm.s32 $0xFFFFFFFF;
	p2 =	slt.u32 s8, $0xFFFFF086  }
0x1c: {  	p1 =	slt.u32 s9, $0xF7A;
	s5 =	simm.s32 @!p2 $0x0  }
0x1d: {  	s5 =	simm.s32 @p1 $0x1;
	p0 =	seq.s32 s7, s2  }
0x1e: {  	s7 =	smul.u32 @!p0 $0xF7A, s2;
	p2 =	seq.s32 @!p0 s5, $0x0  }
0x1f: {  	s9 =	smul.u32 $0xF7A, s1;
	s8 =	simm.s32 @!p0 $0x1BF5;
	p2 =	por !p2, p0  }
0x20: {  	[sflag:s8] =	ssyncset.s32 @!p0 $0xFFFFF086;
	s6 =	sadd.s32 @!p0 s3, s7;
	s7 =	simm.s32 @!p0 $0x108  }
0x21: {  	s3 =	sadd.s32 s3, s9;
	s6 =	sadd.s32 @!p0 $0x88, s6;
	s7 =	simm.s32 @p2 $0x1082  }
0x22: {  	[simem:s7], [sflag:s8] =	dma.local @!p0 [hbm:s6], $0xF7A  }
0x23: {  	s9 =	sor.u32 $0xD0000000, s2;
	s6 =	simm.s32 $0x108;
	_ =	swait.ge @!p0 [sflag:s8], $0x0  }
0x24: {  	s3 =	sadd.s32 $0x88, s3;
	s6 =	simm.s32 @!p1 $0x1082;
	[sflag:s4] =	ssyncset.s32 $0xFFFFF086  }
0x25: {  	[simem:s6], [sflag:s4] =	dma.local [hbm:s3], $0xF7A  }
0x26: {  	[smem:$0x3F8F] =	sst s1;
	(tag) =	ssettag s2;
	_ =	strace s9  }
0x27: {  	s1 =	sld [smem:$0x3F9F]  }
0x28: {  	s2 =	sld [smem:$0x3FA0]  }
0x29: {  	s4 =	sld [smem:$0x3FA2]  }
0x2a: {  	p0 =	seq.s32 s5, $0x0;
	s5 =	sld [smem:$0x3FA3]  }
0x2b: {  	s6 =	sld [smem:$0x3FA4]  }
0x2c: {  	s7 =	sld [smem:$0x3FA5]  }
0x2d: {  	s3 =	simm.s32 $0x108;
	s8 =	sld [smem:$0x3FA6]  }
0x2e: {  	s3 =	simm.s32 @!p0 $0x1082;
	s9 =	sld [smem:$0x3FA7]  }
0x2f: {  	lr =	sadd.s32 s0, s3;
	s0 =	sld [smem:$0x3F9E]  }
0x30: {  	s3 =	sld [smem:$0x3FA1]  }
0x31: {  	[smem:$0x3FAA] =	sst s10  }
0x32: {  	s10 =	sld [smem:$0x3FA8];
	_ =	sdelay $0x3  }
0x33: {  	p0 =	seq.s32 s10, $0x1;
	s10 =	sld [smem:$0x3FAA];
	_ =	sdelay $0x3  }
0x34: {  	[smem:$0x3FAA] =	sst s10  }
0x35: {  	s10 =	sld [smem:$0x3FA9];
	_ =	sdelay $0x3  }
0x36: {  	p1 =	seq.s32 s10, $0x1;
	s10 =	sld [smem:$0x3FAA];
	_ =	sdelay $0x3  }
0x37: {  	[smem:$0x3FAA] =	sst s10  }
0x38: {  	s10 =	sld [smem:$0x3FAB]  }
0x39: {  	_ = 	snop;
	(pc) =	sbr.ind lr, $3  }
0x3a: {  	_ = 	snop  }
0x3b: {  	_ = 	snop  }
0x3c: {  	p2 =	seq.s32 s10, $0x1;
	s10 =	sld [smem:$0x3FAA]  }
0x3d: {  	_ =	shalt  }
0x3e: {  	_ =	shalt  }
0x3f: {  	_ =	shalt  }
0x40: {  	_ =	shalt  }
0x41: {  	_ =	shalt  }
0x42: {  	_ =	shalt  }
0x43: {  	_ =	shalt  }
0x44: {  	_ =	shalt  }
0x45: {  	_ =	shalt  }
0x46: {  	_ =	shalt  }
0x47: {  	_ =	shalt  }
0x48: {  	_ =	shalt  }
0x49: {  	_ =	shalt  }
0x4a: {  	_ =	shalt  }
0x4b: {  	_ =	shalt  }
0x4c: {  	_ =	shalt  }
0x4d: {  	_ =	shalt  }
0x4e: {  	_ =	shalt  }
0x4f: {  	_ =	shalt  }
0x50: {  	_ =	shalt  }
0x51: {  	_ =	shalt  }
0x52: {  	_ =	shalt  }
0x53: {  	_ =	shalt  }
0x54: {  	_ =	shalt  }
0x55: {  	_ =	shalt  }
0x56: {  	_ =	shalt  }
0x57: {  	_ =	shalt  }
0x58: {  	_ =	shalt  }
0x59: {  	_ =	shalt  }
0x5a: {  	_ =	shalt  }
0x5b: {  	_ =	shalt  }
0x5c: {  	_ =	shalt  }
0x5d: {  	_ =	shalt  }
0x5e: {  	_ =	shalt  }
0x5f: {  	_ =	shalt  }
0x60: {  	_ =	shalt  }
0x61: {  	_ =	shalt  }
0x62: {  	_ =	shalt  }
0x63: {  	_ =	shalt  }
0x64: {  	_ =	shalt  }
0x65: {  	_ =	shalt  }
0x66: {  	_ =	shalt  }
0x67: {  	_ =	shalt  }
0x68: {  	_ =	shalt  }
0x69: {  	_ =	shalt  }
0x6a: {  	_ =	shalt  }
0x6b: {  	_ =	shalt  }
0x6c: {  	_ =	shalt  }
0x6d: {  	_ =	shalt  }
0x6e: {  	_ =	shalt  }
0x6f: {  	_ =	shalt  }
0x70: {  	_ =	shalt  }
0x71: {  	_ =	shalt  }
0x72: {  	_ =	shalt  }
0x73: {  	_ =	shalt  }
0x74: {  	_ =	shalt  }
0x75: {  	_ =	shalt  }
0x76: {  	_ =	shalt  }
0x77: {  	_ =	shalt  }
0x78: {  	_ =	shalt  }
0x79: {  	_ =	shalt  }
0x7a: {  	_ =	shalt  }
0x7b: {  	_ =	shalt  }
0x7c: {  	_ =	shalt  }
0x7d: {  	_ =	shalt  }
0x7e: {  	_ =	shalt  }
0x7f: {  	_ =	shalt  }
0x80: {  	_ =	shalt  }
0x81: {  	_ =	shalt  }
0x82: {  	_ =	shalt  }
0x83: {  	_ =	shalt  }
0x84: {  	_ =	shalt  }
0x85: {  	_ =	shalt  }
0x86: {  	_ =	shalt  }
0x87: {  	_ =	shalt  }
.Lfunc_end0:
.L_simem_size_0:
called_computation.2_lowered:
.L_overlay_start_0:
0x88: {  	s2 =	sld [smem:$0x3FD9]  }
0x89: {  	s3 =	sld [smem:$0x3FFE];
	_ =	sdelay $0x1  }
0x8a: {  	s1 =	srdreg.scid  }
0x8b: {  	s0 =	sand.u32 $0x1, s1  }
0x8c: {  	s16 =	sshll.u32 s0, $0xA;
	s2 =	sadd.s32 s3, s2  }
0x8d: {  	s2 =	sadd.s32 s2, s16  }
0x8e: {  	[smem:$0x3FB6] =	sst s2  }
0x8f: {  	_ = 	snop  }
0x90: {  	(tm) =	ssettm $0x1  }
0x91: {  	s17 =	sld [smem:$0x3FFB];
	_ =	sdelay $0x3  }
0x92: {  	_ =	strace s17  }
0x93: {  	s2 =	sld [smem:$0x3FFC];
	_ =	sdelay $0x3  }
0x94: {  	_ =	strace s2  }
0x95: {  	s2 =	sld [smem:$0x3FFD];
	_ =	sdelay $0x3  }
0x96: {  	_ =	strace s2  }
0x97: {  	_ =	strace $0x8FFFFFFF  }
0x98: {  	s18 =	sld [smem:$0x3FDB];
	_ =	sdelay $0x1  }
0x99: {  	s19 =	simm.s32 $_scs_section_size  }
0x9a: {  	s4 =	simm.s32 $_size__tile_overlayer_lowered;
	s5 =	simm.s32 $_tile_overlayer_lowered  }
0x9b: {  	s22 =	simm.s32 $0x1BFF;
	s21 =	sshll.u32 s5, $0x1;
	s2 =	sadd.s32 s19, s18  }
0x9c: {  	s6 =	simm.s32 $0x0;
	s20 =	sshll.u32 s4, $0x1;
	s4 =	sadd.s32 s21, s2  }
0x9d: {  	[timem:s6], [sflag:s22] =	dma.local [hbm:s4], s20  }
0x9e: {  	_ =	swait.ge [sflag:s22], s20  }
0x9f: {  	s3 =	ssub.s32 $0x0, s20;
	[sflag:s22] =	ssyncset.done $0x0  }
0xa0: {  	[sflag:s22] =	ssyncadd.s32 s3;
	_ =	sdelay $0x1  }
0xa1: {  	s23 =	simm.s32 $0x1B8B  }
0xa2: {  	_ =	swait.ge [sflag:s23], $0x1  }
0xa3: {  	[sflag:s23] =	ssyncset.done $0x0  }
0xa4: {  	s25 =	simm.s32 $0x1B8E;
	s24 =	sld [smem:$0x3FFE];
	[sflag:s23] =	ssyncadd.s32 $0xFFFFFFFF  }
0xa5: {  	s26 =	simm.s32 $execute0_lowered;
	[smem:$0x3FD2] =	sst s25  }
0xa6: {  	s4 =	sshll.u32 s26, $0x1;
	_ =	strace $0x8000004C;
	[dreg:$0x1] =	wrdreg $0xFFFFFFFF  }
0xa7: {  	s28 =	simm.s32 $_size_execute0_lowered;
	s2 =	sadd.s32 s2, s4;
	[dreg:$0x0] =	wrdreg $0x0  }
0xa8: {  	s4 =	sshll.u32 s28, $0x1;
	[dreg:$0x2] =	wrdreg s2  }
0xa9: {  	[dreg:$0x3] =	wrdreg s4  }
0xaa: {  	[dreg:$0x4] =	wrdreg $0xC0  }
0xab: {  	_ =	task [dreg:s6], $0x5FFFF  }
0xac: {  	[dreg:$0x1] =	wrdreg $0xFFFFFFFF  }
0xad: {  	[dreg:$0x0] =	wrdreg $0x60  }
0xae: {  	[dreg:$0x2] =	wrdreg s24  }
0xaf: {  	[dreg:$0x3] =	wrdreg $0x0  }
0xb0: {  	[dreg:$0x4] =	wrdreg $0x9  }
0xb1: {  	_ =	task.clear_ibuf [dreg:s6], $0x5FFFF;
	_ =	strace $0x9000004C  }
0xb2: {  	s29 =	simm.s32 $0x9;
	_ =	strace $0x8000004E  }
0xb3: {  	_ =	swait.ge [sflag:s29], $0x1  }
0xb4: {  	[sflag:s29] =	ssyncadd.s32 $0xFFFFFFFF  }
0xb5: {  	_ =	strace $0x9000004E  }
0xb6: {  	_ =	sfence  }
0xb7: {  	s30 =	sld [smem:$0x0];
	_ =	sdelay $0x2  }
0xb8: {  	s31 =	sshll.u32 s1, $0xD;
	s1 =	sshrl.u32 s1, $0x2  }
0xb9: {  	s3 =	sand.u32 $0x4000, s31;
	s1 =	sadd.s32 s1, s30  }
0xba: {  	s0 =	sor.u32 s3, s0;
	s1 =	sshll.u32 s1, $0x11  }
0xbb: {  	s0 =	sor.u32 s1, s0  }
0xbc: {  	s0 =	sadd.s32 $0x8F2B, s0  }
0xbd: {  	[sflag:s0] =	ssyncadd.remote.s32 $0x1  }
0xbe: {  	_ =	sfence.sel $0xFFFF  }
0xbf: {  	[dreg:$0x0] =	wrdreg $0xFFFFFFFF;
	(pc) =	sbr.abs _section_cstart, $3  }
0xc0: {  	[dreg:$0x1] =	wrdreg $0xFFFFFFFF  }
0xc1: {  	_ =	task.clear_ibuf [dreg:s6], $0x2FFFF;
	_ =	strace $0x9FFFFFFF  }
0xc2: {  	(tm) =	ssettm $0x7FFFFFFF  }
0xc3: {  	_ =	shalt  }
tec
execute0_lowered:
.L_overlay_start_1:
0x0: {  	(tag) =	ssettag $0x1  }
0x1: {  	s0 =	rddreg [dreg:$0x0]  }
0x2: {  	s1 =	rddreg [dreg:$0x1];
	s2 =	simm.s32 $0x0  }
0x3: {  	s3 =	srdreg.scid;
	s15 =	stileid.u32;
	s20 =	simm.s32 $0x13AC0  }
0x4: {  	s28 =	simm.s32 $0x13940;
	s29 =	simm.s32 $0x13A40;
	s30 =	simm.s32 $0x17B40  }
0x5: {  	s31 =	simm.s32 $0x2;
	[smem:$0x7FF] =	sst s2;
	s12 =	smul.u32 $0x5000, s15  }
0x6: {  	s3 =	sand.u32 $0x1, s3;
	s4 =	sadd.s32 $0x4B200, s0;
	s14 =	smul.u32 $0x50, s15  }
0x7: {  	s10 =	sadd.s32 $0x37200, s0;
	s11 =	sadd.s32 $0x4800, s0;
	s25 =	smul.u32 $0xA00, s15  }
0x8: {  	p0 =	seq.s32 s15, $0xF;
	s26 =	smul.u32 $0x2800, s15;
	_ =	strace $0x8000004D  }
0x9: {  	s5 =	sshll.u32 s3, $0x4;
	s6 =	smul.u32 $0x27100, s3;
	s7 =	ssub.s32 $0x2, s3  }
0xa: {  	s5 =	sor.u32 s15, s5;
	s9 =	sshrl.u32 s7, $0x1;
	s21 =	sshrl.u32 s12, $0x3  }
0xb: {  	s17 =	sadd.s32 s25, s11;
	s25 =	simm.s32 $0x139C0;
	s8 =	smul.u32 $0x5000, s5  }
0xc: {  	s5 =	sadd.s32 $0xF400, s0;
	s13 =	ssub.s32 s7, s9;
	s7 =	smul.u32 $0x2710, s3  }
0xd: {  	s0 =	sadd.s32 s6, s0;
	s6 =	sshll.u32 s15, $0x3;
	s3 =	smul.u32 $0x50000, s3  }
0xe: {  	s9 =	sadd.s32 s11, s21;
	s15 =	smul.u32 $0x280, s15;
	s21 =	simm.s32 $0x4  }
0xf: {  	s22 =	sadd.s32 $0x10, s9;
	s23 =	smax.u32 s13, $0x1;
	s24 =	sadd.s32 s14, s5  }
0x10: {  	s0 =	sadd.s32 s26, s0;
	s26 =	simm.s32 $0x80;
	[dreg:$0x5] =	wrdreg s22  }
0x11: {  	s8 =	sshrl.u32 s8, $0x3;
	[dreg:$0x7] =	wrdreg s23;
	s3 =	sadd.s32 s12, s3  }
0x12: {  	[dreg:$0x8] =	wrdreg s24;
	s19 =	sadd.s32 $0x99400, s0;
	s22 =	simm.s32 $0x13B40  }
0x13: {  	s23 =	simm.s32 $0x50;
	s24 =	simm.s32 $0x138C0;
	s0 =	simm.s32 $0x3  }
0x14: {  	s8 =	sadd.s32 s10, s8;
	s12 =	sor.u32 $0x100, s3;
	s3 =	sor.u32 $0x180, s3  }
0x15: {  	[dreg:$0x3] =	wrdreg s8;
	s8 =	sadd.s32 $0x10, s8;
	s12 =	sshrl.u32 s12, $0x3  }
0x16: {  	s3 =	sshrl.u32 s3, $0x3;
	[dreg:$0x4] =	wrdreg s8;
	s8 =	simm.s32 $0x5  }
0x17: {  	s16 =	sadd.s32 s12, s10;
	s18 =	sadd.s32 s3, s10;
	s8 =	simm.s32 @!p0 $0x8  }
0x18: {  	s3 =	simm.s32 $0x1;
	s10 =	simm.s32 $0x0;
	[dreg:$0x6] =	wrdreg s8  }
.LBB2_1:
0x19: {  	s11 =	sadd.s32 $0x0, s6  }
0x1a: {  	s8 =	rddreg [dreg:$0x8];
	p0 =	slt.u32 s11, $0x7D;
	s11 =	smov.u32 s15  }
0x1b: {  	[tilespmem:s20], [sflag:$0x4] =	stream.linear.gather [hbm4b:s8+s2], $0x50, $0x38;
	[tilespmem:$0x1BB40] =	vst v63  }
0x1c: {  	s11 =	simm.s32 @!p0 $0x0  }
0x1d: {  	_ =	swait.ge [sflag:s21], $0x50;
	s11 =	sadd.s32 s7, s11  }
0x1e: {  	[sflag:s21] =	ssyncset.done $0x0;
	s11 =	sshll.u32 s11, $0x4  }
0x1f: {  	[sflag:s21] =	ssyncadd.s32 $0xFFFFFFB0;
	s11 =	sadd.s32 s4, s11  }
0x20: {  	[tilespmem:s22], [sflag:$0x4] =	stream.linear.gather [hbm4b:s11+s2], $0x2800, $0x38;
	[tilespmem:$0x1BB40] =	vst v63  }
0x21: {  	_ =	swait.ge [sflag:s21], $0x2800  }
0x22: {  	[sflag:s21] =	ssyncset.done $0x0  }
0x23: {  	s12 =	simm.s32 $0x2;
	s14 =	sadd.s32 $0x1, s6;
	[sflag:s21] =	ssyncadd.s32 $0xFFFFD800  }
0x24: {  	[spmem:s1] =	stream.indirect.scatter [tilespmem:s22], [sflag:$0x4], $0x80, s20, s23, $0xb8;
	[tilespmem:$0x1BB40] =	vst v63  }
0x25: {  	s13 =	sadd.s32 $0xA, s8;
	s11 =	sadd.s32 $0x50, s15;
	_ =	swait.ge [sflag:s21], $0x2800  }
.LBB2_2:
0x26: {  	p1 =	slt.u32 s14, $0x7D;
	[sflag:s21] =	ssyncset.done $0x0;
	s14 =	smov.u32 s12  }
0x27: {  	s8 =	sadd.s32 $0x1, s12;
	p0 =	sne.s32 s12, $0x7;
	s12 =	smov.u32 s11  }
0x28: {  	s12 =	simm.s32 @!p1 $0x0;
	[sflag:s21] =	ssyncadd.s32 $0xFFFFD800  }
0x29: {  	[tilespmem:s20], [sflag:$0x4] =	stream.linear.gather [hbm4b:s13+s2], $0x50, $0x38;
	[tilespmem:$0x1BB40] =	vst v63  }
0x2a: {  	s12 =	sadd.s32 s7, s12;
	_ =	swait.ge [sflag:s21], $0x50  }
0x2b: {  	s12 =	sshll.u32 s12, $0x4;
	[sflag:s21] =	ssyncset.done $0x0  }
0x2c: {  	s12 =	sadd.s32 s4, s12;
	[sflag:s21] =	ssyncadd.s32 $0xFFFFFFB0  }
0x2d: {  	[tilespmem:s22], [sflag:$0x4] =	stream.linear.gather [hbm4b:s12+s2], $0x2800, $0x38;
	[tilespmem:$0x1BB40] =	vst v63  }
.Ltmp0:
0x2e: {  	_ =	swait.ge [sflag:s21], $0x2800;
	(pc) =	sbr.rel @p0 .LBB2_2-.Ltmp0, $4  }
0x2f: {  	[sflag:s21] =	ssyncset.done $0x0  }
0x30: {  	s11 =	sadd.s32 $0x50, s11;
	s14 =	sadd.s32 s14, s6;
	[sflag:s21] =	ssyncadd.s32 $0xFFFFD800  }
0x31: {  	[spmem:s1] =	stream.indirect.scatter [tilespmem:s22], [sflag:$0x4], $0x80, s20, s23, $0xb8;
	[tilespmem:$0x1BB40] =	vst v63  }
0x32: {  	s13 =	sadd.s32 $0xA, s13;
	s12 =	smov.u32 s8;
	_ =	swait.ge [sflag:s21], $0x2800  }
0x33: {  	p0 =	slt.u32 s14, $0x7D;
	[sflag:s21] =	ssyncset.done $0x0  }
0x34: {  	s11 =	simm.s32 @!p0 $0x0;
	[sflag:s21] =	ssyncadd.s32 $0xFFFFD800  }
0x35: {  	[tilespmem:s20], [sflag:$0x4] =	stream.linear.gather [hbm4b:s13+s2], $0x50, $0x38;
	[tilespmem:$0x1BB40] =	vst v63  }
0x36: {  	s8 =	sadd.s32 s7, s11;
	_ =	swait.ge [sflag:s21], $0x50  }
0x37: {  	s8 =	sshll.u32 s8, $0x4;
	[sflag:s21] =	ssyncset.done $0x0  }
0x38: {  	s8 =	sadd.s32 s4, s8;
	[sflag:s21] =	ssyncadd.s32 $0xFFFFFFB0  }
0x39: {  	[tilespmem:s22], [sflag:$0x4] =	stream.linear.gather [hbm4b:s8+s2], $0x2800, $0x38;
	[tilespmem:$0x1BB40] =	vst v63  }
0x3a: {  	_ =	swait.ge [sflag:s21], $0x2800  }
0x3b: {  	[sflag:s21] =	ssyncset.done $0x0  }
0x3c: {  	[sflag:s21] =	ssyncadd.s32 $0xFFFFD800  }
0x3d: {  	[spmem:s1] =	stream.indirect.scatter [tilespmem:s22], [sflag:$0x4], $0x80, s20, s23, $0xb8;
	[tilespmem:$0x1BB40] =	vst v63  }
0x3e: {  	_ =	swait.ge [sflag:s21], $0x2800  }
0x3f: {  	[sflag:s21] =	ssyncset.done $0x0  }
0x40: {  	[sflag:s21] =	ssyncadd.s32 $0xFFFFD800  }
0x41: {  	[bflag:$0x0] =	sbarrier.arrive $0xFFFF  }
0x42: {  	s8 =	simm.s32 $0x0;
	s12 =	rddreg [dreg:$0x3]  }
0x43: {  	[tilespmem:s24], [sflag:$0x4] =	stream.linear.gather [hbm4b:s12+s8], $0x80, $0x38;
	[tilespmem:$0x1BB40] =	vst v63  }
0x44: {  	_ =	swait.ge [sflag:s21], $0x80  }
0x45: {  	[sflag:s21] =	ssyncset.done $0x0  }
0x46: {  	[sflag:s21] =	ssyncadd.s32 $0xFFFFFF80  }
0x47: {  	[tilespmem:s25], [sflag:$0x4] =	stream.linear.gather [hbm4b:s9+s8], $0x80, $0x38;
	[tilespmem:$0x1BB40] =	vst v63  }
0x48: {  	_ =	swait.ge [sflag:s21], $0x80  }
0x49: {  	[sflag:s21] =	ssyncset.done $0x0  }
0x4a: {  	[sflag:s21] =	ssyncadd.s32 $0xFFFFFF80  }
0x4b: {  	[tilespmem:s22], [sflag:$0x2] =	stream.indirect.gather [hbm4b:s4+s26], $0x80, s24, s26, $0xb8;
	[tilespmem:$0x1BB40] =	vst v63  }
0x4c: {  	s13 =	rddreg [dreg:$0x4]  }
0x4d: {  	[tilespmem:s28], [sflag:$0x4] =	stream.linear.gather [hbm4b:s13+s8], $0x80, $0x38;
	[tilespmem:$0x1BB40] =	vst v63  }
0x4e: {  	_ =	swait.ge [sflag:s21], $0x80  }
0x4f: {  	[sflag:s21] =	ssyncset.done $0x0  }
0x50: {  	s14 =	rddreg [dreg:$0x5];
	[sflag:s21] =	ssyncadd.s32 $0xFFFFFF80  }
0x51: {  	[tilespmem:s29], [sflag:$0x4] =	stream.linear.gather [hbm4b:s14+s8], $0x80, $0x38;
	[tilespmem:$0x1BB40] =	vst v63  }
0x52: {  	_ =	swait.ge [sflag:s21], $0x80  }
0x53: {  	[sflag:s21] =	ssyncset.done $0x0  }
0x54: {  	[sflag:s21] =	ssyncadd.s32 $0xFFFFFF80  }
0x55: {  	[tilespmem:s30], [sflag:$0x3] =	stream.indirect.gather [hbm4b:s4+s26], $0x80, s28, s26, $0xb8;
	[tilespmem:$0x1BB40] =	vst v63  }
0x56: {  	_ =	swait.ge [sflag:s31], $0x4000  }
0x57: {  	[sflag:s31] =	ssyncset.done $0x0  }
0x58: {  	[sflag:s31] =	ssyncadd.s32 $0xFFFFC000  }
0x59: {  	[spmem:s1] =	stream.indirect.scatter.add.f32 [tilespmem:s22], [sflag:$0x4], $0x80, s25, s26, $0xb8;
	[tilespmem:$0x1BB40] =	vst v63  }
0x5a: {  	_ =	swait.ge [sflag:s21], $0x4000  }
0x5b: {  	[sflag:s21] =	ssyncset.done $0x0  }
0x5c: {  	s11 =	sadd.s32 $0x0, s16;
	[sflag:s21] =	ssyncadd.s32 $0xFFFFC000  }
0x5d: {  	[tilespmem:s24], [sflag:$0x4] =	stream.linear.gather [hbm4b:s11+s2], $0x80, $0x38;
	[tilespmem:$0x1BB40] =	vst v63  }
0x5e: {  	_ =	swait.ge [sflag:s21], $0x80  }
0x5f: {  	s12 =	sadd.s32 $0x0, s17;
	[sflag:s21] =	ssyncset.done $0x0  }
0x60: {  	s13 =	sadd.s32 $0x20, s12;
	[sflag:s21] =	ssyncadd.s32 $0xFFFFFF80  }
0x61: {  	[tilespmem:s25], [sflag:$0x4] =	stream.linear.gather [hbm4b:s13+s2], $0x80, $0x38;
	[tilespmem:$0x1BB40] =	vst v63  }
0x62: {  	_ =	swait.ge [sflag:s21], $0x80  }
0x63: {  	[sflag:s21] =	ssyncset.done $0x0  }
0x64: {  	[sflag:s21] =	ssyncadd.s32 $0xFFFFFF80  }
0x65: {  	[tilespmem:s22], [sflag:$0x2] =	stream.indirect.gather [hbm4b:s4+s26], $0x80, s24, s26, $0xb8;
	[tilespmem:$0x1BB40] =	vst v63  }
0x66: {  	_ =	swait.ge [sflag:s0], $0x4000  }
0x67: {  	[sflag:s0] =	ssyncset.done $0x0  }
0x68: {  	[sflag:s0] =	ssyncadd.s32 $0xFFFFC000  }
0x69: {  	[spmem:s1] =	stream.indirect.scatter.add.f32 [tilespmem:s30], [sflag:$0x4], $0x80, s29, s26, $0xb8;
	[tilespmem:$0x1BB40] =	vst v63  }
0x6a: {  	_ =	swait.ge [sflag:s21], $0x4000  }
0x6b: {  	[sflag:s21] =	ssyncset.done $0x0  }
0x6c: {  	s14 =	sadd.s32 $0x0, s18;
	[sflag:s21] =	ssyncadd.s32 $0xFFFFC000  }
0x6d: {  	[tilespmem:s28], [sflag:$0x4] =	stream.linear.gather [hbm4b:s14+s2], $0x80, $0x38;
	[tilespmem:$0x1BB40] =	vst v63  }
0x6e: {  	_ =	swait.ge [sflag:s21], $0x80  }
0x6f: {  	[sflag:s21] =	ssyncset.done $0x0  }
0x70: {  	s8 =	sadd.s32 $0x30, s12;
	[sflag:s21] =	ssyncadd.s32 $0xFFFFFF80  }
0x71: {  	[tilespmem:s29], [sflag:$0x4] =	stream.linear.gather [hbm4b:s8+s2], $0x80, $0x38;
	[tilespmem:$0x1BB40] =	vst v63  }
0x72: {  	_ =	swait.ge [sflag:s21], $0x80  }
0x73: {  	[sflag:s21] =	ssyncset.done $0x0  }
0x74: {  	s11 =	simm.s32 $0x20;
	[sflag:s21] =	ssyncadd.s32 $0xFFFFFF80  }
.LBB2_4:
0x75: {  	[tilespmem:s30], [sflag:$0x3] =	stream.indirect.gather [hbm4b:s4+s26], $0x80, s28, s26, $0xb8;
	[tilespmem:$0x1BB40] =	vst v63  }
0x76: {  	s8 =	smov.u32 s11  }
0x77: {  	p0 =	sne.s32 s11, $0x9C0;
	s11 =	sadd.s32 $0x20, s11;
	_ =	swait.ge [sflag:s31], $0x4000  }
0x78: {  	[sflag:s31] =	ssyncset.done $0x0  }
0x79: {  	[sflag:s31] =	ssyncadd.s32 $0xFFFFC000  }
0x7a: {  	[spmem:s1] =	stream.indirect.scatter.add.f32 [tilespmem:s22], [sflag:$0x4], $0x80, s25, s26, $0xb8;
	[tilespmem:$0x1BB40] =	vst v63  }
0x7b: {  	_ =	swait.ge [sflag:s21], $0x4000  }
0x7c: {  	[sflag:s21] =	ssyncset.done $0x0  }
0x7d: {  	s12 =	sadd.s32 s8, s16;
	[sflag:s21] =	ssyncadd.s32 $0xFFFFC000  }
0x7e: {  	[tilespmem:s24], [sflag:$0x4] =	stream.linear.gather [hbm4b:s12+s2], $0x80, $0x38;
	[tilespmem:$0x1BB40] =	vst v63  }
0x7f: {  	_ =	swait.ge [sflag:s21], $0x80  }
0x80: {  	s12 =	sadd.s32 s8, s17;
	[sflag:s21] =	ssyncset.done $0x0  }
0x81: {  	s13 =	sadd.s32 $0x20, s12;
	[sflag:s21] =	ssyncadd.s32 $0xFFFFFF80  }
0x82: {  	[tilespmem:s25], [sflag:$0x4] =	stream.linear.gather [hbm4b:s13+s2], $0x80, $0x38;
	[tilespmem:$0x1BB40] =	vst v63  }
0x83: {  	_ =	swait.ge [sflag:s21], $0x80  }
0x84: {  	[sflag:s21] =	ssyncset.done $0x0  }
0x85: {  	[sflag:s21] =	ssyncadd.s32 $0xFFFFFF80  }
0x86: {  	[tilespmem:s22], [sflag:$0x2] =	stream.indirect.gather [hbm4b:s4+s26], $0x80, s24, s26, $0xb8;
	[tilespmem:$0x1BB40] =	vst v63  }
0x87: {  	_ =	swait.ge [sflag:s0], $0x4000  }
0x88: {  	[sflag:s0] =	ssyncset.done $0x0  }
0x89: {  	[sflag:s0] =	ssyncadd.s32 $0xFFFFC000  }
0x8a: {  	[spmem:s1] =	stream.indirect.scatter.add.f32 [tilespmem:s30], [sflag:$0x4], $0x80, s29, s26, $0xb8;
	[tilespmem:$0x1BB40] =	vst v63  }
0x8b: {  	_ =	swait.ge [sflag:s21], $0x4000  }
0x8c: {  	[sflag:s21] =	ssyncset.done $0x0  }
0x8d: {  	s8 =	sadd.s32 s8, s18;
	[sflag:s21] =	ssyncadd.s32 $0xFFFFC000  }
0x8e: {  	[tilespmem:s28], [sflag:$0x4] =	stream.linear.gather [hbm4b:s8+s2], $0x80, $0x38;
	[tilespmem:$0x1BB40] =	vst v63  }
0x8f: {  	_ =	swait.ge [sflag:s21], $0x80  }
0x90: {  	[sflag:s21] =	ssyncset.done $0x0  }
.Ltmp1:
0x91: {  	s8 =	sadd.s32 $0x30, s12;
	[sflag:s21] =	ssyncadd.s32 $0xFFFFFF80;
	(pc) =	sbr.rel @p0 .LBB2_4-.Ltmp1, $4  }
0x92: {  	[tilespmem:s29], [sflag:$0x4] =	stream.linear.gather [hbm4b:s8+s2], $0x80, $0x38;
	[tilespmem:$0x1BB40] =	vst v63  }
0x93: {  	_ =	swait.ge [sflag:s21], $0x80  }
0x94: {  	[sflag:s21] =	ssyncset.done $0x0  }
0x95: {  	[sflag:s21] =	ssyncadd.s32 $0xFFFFFF80  }
0x96: {  	[tilespmem:s30], [sflag:$0x3] =	stream.indirect.gather [hbm4b:s4+s26], $0x80, s28, s26, $0xb8;
	[tilespmem:$0x1BB40] =	vst v63  }
0x97: {  	_ =	swait.ge [sflag:s31], $0x4000  }
0x98: {  	[sflag:s31] =	ssyncset.done $0x0  }
0x99: {  	[sflag:s31] =	ssyncadd.s32 $0xFFFFC000  }
0x9a: {  	[spmem:s1] =	stream.indirect.scatter.add.f32 [tilespmem:s22], [sflag:$0x4], $0x80, s25, s26, $0xb8;
	[tilespmem:$0x1BB40] =	vst v63  }
0x9b: {  	_ =	swait.ge [sflag:s21], $0x4000  }
0x9c: {  	[sflag:s21] =	ssyncset.done $0x0  }
0x9d: {  	s8 =	rddreg [dreg:$0x3];
	[sflag:s21] =	ssyncadd.s32 $0xFFFFC000  }
0x9e: {  	[tilespmem:s24], [sflag:$0x4] =	stream.linear.gather [hbm4b:s8+s2], $0x80, $0x38;
	[tilespmem:$0x1BB40] =	vst v63  }
0x9f: {  	_ =	swait.ge [sflag:s21], $0x80  }
0xa0: {  	[sflag:s21] =	ssyncset.done $0x0  }
0xa1: {  	[sflag:s21] =	ssyncadd.s32 $0xFFFFFF80  }
0xa2: {  	[tilespmem:s25], [sflag:$0x4] =	stream.linear.gather [hbm4b:s9+s2], $0x80, $0x38;
	[tilespmem:$0x1BB40] =	vst v63  }
0xa3: {  	_ =	swait.ge [sflag:s21], $0x80  }
0xa4: {  	[sflag:s21] =	ssyncset.done $0x0  }
0xa5: {  	[sflag:s21] =	ssyncadd.s32 $0xFFFFFF80  }
0xa6: {  	[tilespmem:s22], [sflag:$0x2] =	stream.indirect.gather [hbm4b:s4+s26], $0x80, s24, s26, $0xb8;
	[tilespmem:$0x1BB40] =	vst v63  }
0xa7: {  	_ =	swait.ge [sflag:s0], $0x4000  }
0xa8: {  	[sflag:s0] =	ssyncset.done $0x0  }
0xa9: {  	[sflag:s0] =	ssyncadd.s32 $0xFFFFC000  }
0xaa: {  	[spmem:s1] =	stream.indirect.scatter.add.f32 [tilespmem:s30], [sflag:$0x4], $0x80, s29, s26, $0xb8;
	[tilespmem:$0x1BB40] =	vst v63  }
0xab: {  	_ =	swait.ge [sflag:s21], $0x4000  }
0xac: {  	[sflag:s21] =	ssyncset.done $0x0  }
0xad: {  	[sflag:s21] =	ssyncadd.s32 $0xFFFFC000  }
0xae: {  	[tilespmem:s28], [sflag:$0x4] =	stream.linear.gather [hbm4b:s8+s2], $0x80, $0x38;
	[tilespmem:$0x1BB40] =	vst v63  }
0xaf: {  	_ =	swait.ge [sflag:s21], $0x80  }
0xb0: {  	[sflag:s21] =	ssyncset.done $0x0  }
0xb1: {  	[sflag:s21] =	ssyncadd.s32 $0xFFFFFF80  }
0xb2: {  	[tilespmem:s29], [sflag:$0x4] =	stream.linear.gather [hbm4b:s9+s2], $0x80, $0x38;
	[tilespmem:$0x1BB40] =	vst v63  }
0xb3: {  	_ =	swait.ge [sflag:s21], $0x80  }
0xb4: {  	[sflag:s21] =	ssyncset.done $0x0  }
0xb5: {  	[sflag:s21] =	ssyncadd.s32 $0xFFFFFF80  }
0xb6: {  	[tilespmem:s30], [sflag:$0x3] =	stream.indirect.gather [hbm4b:s4+s26], $0x80, s28, s26, $0xb8;
	[tilespmem:$0x1BB40] =	vst v63  }
0xb7: {  	_ =	swait.ge [sflag:s31], $0x4000  }
0xb8: {  	[sflag:s31] =	ssyncset.done $0x0  }
0xb9: {  	[sflag:s31] =	ssyncadd.s32 $0xFFFFC000  }
0xba: {  	_ =	swait.ge [sflag:s0], $0x4000  }
0xbb: {  	[sflag:s0] =	ssyncset.done $0x0  }
0xbc: {  	[sflag:s0] =	ssyncadd.s32 $0xFFFFC000  }
0xbd: {  	[bflag:$0x0] =	sbarrier.arrive $0xFFFF  }
0xbe: {  	s14 =	rddreg [dreg:$0x6]  }
0xbf: {  	p1 =	sne.s32 s14, $0x1  }
.Ltmp2:
0xc0: {  	_ = 	snop;
	(pc) =	sbr.rel @!p1 .LBB2_6-.Ltmp2, $2  }
0xc1: {  	_ =	sdelay $0x2  }
0xc2: {  	s12 =	sshrl.u32 s15, $0x3;
	p0 =	por $0x0, $0x0;
	s11 =	sadd.s32 $0xFFFFFFFF, s14  }
0xc3: {  	s8 =	sadd.s32 s5, s12  }
0xc4: {  	[tilespmem:s20], [sflag:$0x4] =	stream.linear.gather [hbm4b:s8+s2], $0x50, $0x38;
	[tilespmem:$0x1BB40] =	vst v63  }
0xc5: {  	_ =	swait.ge [sflag:s21], $0x50  }
0xc6: {  	[sflag:s21] =	ssyncset.done $0x0  }
0xc7: {  	[sflag:s21] =	ssyncadd.s32 $0xFFFFFFB0  }
0xc8: {  	[tilespmem:s22], [sflag:$0x1] =	stream.indirect.gather [spmem:s1], $0x80, s20, s23, $0xb8;
	[tilespmem:$0x1BB40] =	vst v63  }
0xc9: {  	p1 =	sne.s32 s11, $0x1;
	_ =	swait.ge [sflag:s3], $0x2800  }
.Ltmp3:
0xca: {  	[sflag:s3] =	ssyncset.done $0x0;
	(pc) =	sbr.rel @!p1 .LBB2_8-.Ltmp3, $4  }
0xcb: {  	s13 =	sadd.s32 $0xFFFFFFFF, s11;
	[sflag:s3] =	ssyncadd.s32 $0xFFFFD800  }
0xcc: {  	[hbm4b:s19+s2] =	stream.linear.scatter [tilespmem:s22], [sflag:$0x4], $0x2800, $0x38;
	[tilespmem:$0x1BB40] =	vst v63  }
0xcd: {  	s14 =	sadd.s32 $0x50, s15;
	p0 =	por $0x1, $0x1;
	_ =	swait.ge [sflag:s21], $0x2800  }
0xce: {  	s11 =	smov.u32 s19;
	s12 =	sshrl.u32 s14, $0x3;
	[sflag:s21] =	ssyncset.done $0x0  }
.LBB2_9:
0xcf: {  	s8 =	sadd.s32 s5, s12;
	[sflag:s21] =	ssyncadd.s32 $0xFFFFD800;
	s11 =	sadd.s32 $0x500, s11  }
0xd0: {  	[tilespmem:s20], [sflag:$0x4] =	stream.linear.gather [hbm4b:s8+s2], $0x50, $0x38;
	[tilespmem:$0x1BB40] =	vst v63  }
0xd1: {  	p1 =	sne.s32 s13, $0x1;
	s13 =	sadd.s32 $0xFFFFFFFF, s13;
	_ =	swait.ge [sflag:s21], $0x50  }
0xd2: {  	[sflag:s21] =	ssyncset.done $0x0  }
0xd3: {  	[sflag:s21] =	ssyncadd.s32 $0xFFFFFFB0  }
0xd4: {  	[tilespmem:s22], [sflag:$0x1] =	stream.indirect.gather [spmem:s1], $0x80, s20, s23, $0xb8;
	[tilespmem:$0x1BB40] =	vst v63  }
0xd5: {  	_ =	swait.ge [sflag:s3], $0x2800  }
.Ltmp4:
0xd6: {  	[sflag:s3] =	ssyncset.done $0x0;
	(pc) =	sbr.rel @p1 .LBB2_9-.Ltmp4, $4  }
0xd7: {  	[sflag:s3] =	ssyncadd.s32 $0xFFFFD800  }
0xd8: {  	[hbm4b:s11+s2] =	stream.linear.scatter [tilespmem:s22], [sflag:$0x4], $0x2800, $0x38;
	[tilespmem:$0x1BB40] =	vst v63  }
0xd9: {  	s14 =	sadd.s32 $0x50, s14;
	_ =	swait.ge [sflag:s21], $0x2800  }
0xda: {  	s12 =	sshrl.u32 s14, $0x3;
	[sflag:s21] =	ssyncset.done $0x0  }
.LBB2_10:
0xdb: {  	s8 =	sadd.s32 s5, s12;
	[sflag:s21] =	ssyncadd.s32 @p0 $0xFFFFD800  }
0xdc: {  	[tilespmem:s20], [sflag:$0x4] =	stream.linear.gather [hbm4b:s8+s2], $0x50, $0x38;
	[tilespmem:$0x1BB40] =	vst v63  }
0xdd: {  	_ =	swait.ge [sflag:s21], $0x50  }
0xde: {  	[sflag:s21] =	ssyncset.done $0x0  }
0xdf: {  	[sflag:s21] =	ssyncadd.s32 $0xFFFFFFB0  }
0xe0: {  	[tilespmem:s22], [sflag:$0x1] =	stream.indirect.gather [spmem:s1], $0x80, s20, s23, $0xb8;
	[tilespmem:$0x1BB40] =	vst v63  }
0xe1: {  	_ =	swait.ge [sflag:s3], $0x2800  }
0xe2: {  	s8 =	sadd.s32 @p0 $0x500, s11;
	s11 =	smov.u32 s19;
	[sflag:s3] =	ssyncset.done $0x0  }
0xe3: {  	s11 =	smov.u32 @p0 s8;
	[sflag:s3] =	ssyncadd.s32 $0xFFFFD800  }
0xe4: {  	[hbm4b:s11+s2] =	stream.linear.scatter [tilespmem:s22], [sflag:$0x4], $0x2800, $0x38;
	[tilespmem:$0x1BB40] =	vst v63  }
0xe5: {  	_ =	swait.ge [sflag:s21], $0x2800  }
0xe6: {  	s10 =	sadd.s32 $0x1, s10;
	s14 =	rddreg [dreg:$0x7]  }
0xe7: {  	p0 =	sne.s32 s10, s14  }
.Ltmp5:
0xe8: {  	_ = 	snop;
	(pc) =	sbr.rel @p0 .LBB2_1-.Ltmp5, $4  }
.Ltmp6:
0xe9: {  	_ = 	snop;
	(pc) =	sbr.rel @!p0 .LBB2_11-.Ltmp6, $4  }
0xea: {  	_ = 	snop  }
0xeb: {  	[sflag:s21] =	ssyncset.done $0x0  }
0xec: {  	[sflag:s21] =	ssyncadd.s32 $0xFFFFD800  }
0xed: {  	_ = 	snop  }
.LBB2_6:
.Ltmp7:
0xee: {  	(pc) =	sbr.rel .LBB2_10-.Ltmp7, $2  }
0xef: {  	_ =	sdelay $0x2  }
0xf0: {  	s11 =	smov.u32 s19  }
.LBB2_8:
.Ltmp8:
0xf1: {  	(pc) =	sbr.rel .LBB2_10-.Ltmp8, $2  }
0xf2: {  	_ =	sdelay $0x2  }
0xf3: {  	s11 =	smov.u32 s19  }
.LBB2_11:
0xf4: {  	_ =	sfence.sel $0x180000  }
0xf5: {  	[bflag:$0x0] =	sbarrier.arrive $0xFFFF  }
0xf6: {  	_ =	strace $0x9000004D  }
0xf7: {  	s0 =	stileid.u32;
	[bflag:$0x2] =	sbarrier.arrive $0xFFFF  }
0xf8: {  	p0 =	sne.s32 s0, $0x0;
	s0 =	rddreg [dreg:$0x2]  }
0xf9: {  	s0 =	sadd.s32 @!p0 $0x100000, s0  }
0xfa: {  	[sflag:s0] =	ssyncadd.tile.s32 @!p0 $0x1;
	_ =	shalt  }
.Lfunc_end2:
_tile_overlayer_lowered:
.L_overlay_start_2:
0xfb: {  	(tag) =	ssettag $0x2  }
0xfc: {  	s0 =	rddreg [dreg:$0x0];
	s2 =	stileid.u32  }
0xfd: {  	s1 =	rddreg [dreg:$0x1];
	p0 =	sne.s32 s2, $0x0  }
0xfe: {  	s3 =	rddreg [dreg:$0x2];
	[bflag:$0x3] =	sbarrier.arrive $0xFFFF;
	s2 =	simm.s32 @!p0 $0x1C04  }
0xff: {  	[timem:s3], [sflag:s2] =	dma.local @!p0 [hbm:s0], s1  }
0x100: {  	s0 =	simm.s32 @!p0 $0x4  }
0x101: {  	_ =	swait.ge @!p0 [sflag:s0], s1  }
0x102: {  	s1 =	ssub.s32 @!p0 $0x0, s1;
	[sflag:s0] =	ssyncset.done @!p0 $0x0  }
0x103: {  	[sflag:s0] =	ssyncadd.s32 @!p0 s1  }
0x104: {  	[bflag:$0x3] =	sbarrier.arrive $0xFFFF  }
0x105: {  	_ =	shalt  }

// kernel: kernel.20.cloned.1.call-start
scs
__scs_entry_jumppad:
0x0: {  	(pc) =	sbr.rel $0x88, $3  }
0x1: {  	(tag) =	ssettag $0x0;
	lr =	simm.s32 $0x1  }
0x2: {  	[smem:$0x3F8F] =	sst lr;
	_ =	strace $0xD0000000  }
0x3: {  	_ = 	snop  }
0x4: {  	_ = 	snop  }
0x5: {  	_ = 	snop  }
0x6: {  	_ = 	snop  }
0x7: {  	_ = 	snop  }
__scs_overlays_trampoline_lowered:
0x8: {  	[smem:$0x3F9E] =	sst s0  }
0x9: {  	[smem:$0x3F9F] =	sst s1  }
0xa: {  	[smem:$0x3FA0] =	sst s2  }
0xb: {  	[smem:$0x3FA1] =	sst s3  }
0xc: {  	[smem:$0x3FA2] =	sst s4  }
0xd: {  	[smem:$0x3FA3] =	sst s5  }
0xe: {  	[smem:$0x3FA4] =	sst s6  }
0xf: {  	[smem:$0x3FA5] =	sst s7  }
0x10: {  	[smem:$0x3FA6] =	sst s8  }
0x11: {  	[smem:$0x3FA7] =	sst s9;
	s0 =	simm.s32 @!p0 $0x0  }
0x12: {  	s1 =	sld [smem:$0x3F8D];
	s0 =	simm.s32 @p0 $0x1  }
0x13: {  	[smem:$0x3FA8] =	sst s0;
	s0 =	simm.s32 @!p1 $0x0  }
0x14: {  	s2 =	sld [smem:$0x3F8C];
	s0 =	simm.s32 @p1 $0x1  }
0x15: {  	[smem:$0x3FA9] =	sst s0;
	s0 =	simm.s32 @!p2 $0x0  }
0x16: {  	s3 =	sld [smem:$0x3FDB];
	s0 =	simm.s32 @p2 $0x1  }
0x17: {  	s4 =	simm.s32 $0x1BF5;
	[smem:$0x3FAB] =	sst s0  }
0x18: {  	s0 =	sld [smem:$0x3F8E];
	_ =	swait.ge [sflag:s4], $0x0  }
0x19: {  	s7 =	sld [smem:$0x3F8F]  }
0x1a: {  	s8 =	sadd.s32 $0xFFFFE003, lr  }
0x1b: {  	s9 =	sadd.s32 $0xFFFFFEF7, lr;
	s5 =	simm.s32 $0xFFFFFFFF;
	p2 =	slt.u32 s8, $0xFFFFF086  }
0x1c: {  	p1 =	slt.u32 s9, $0xF7A;
	s5 =	simm.s32 @!p2 $0x0  }
0x1d: {  	s5 =	simm.s32 @p1 $0x1;
	p0 =	seq.s32 s7, s2  }
0x1e: {  	s7 =	smul.u32 @!p0 $0xF7A, s2;
	p2 =	seq.s32 @!p0 s5, $0x0  }
0x1f: {  	s9 =	smul.u32 $0xF7A, s1;
	s8 =	simm.s32 @!p0 $0x1BF5;
	p2 =	por !p2, p0  }
0x20: {  	[sflag:s8] =	ssyncset.s32 @!p0 $0xFFFFF086;
	s6 =	sadd.s32 @!p0 s3, s7;
	s7 =	simm.s32 @!p0 $0x108  }
0x21: {  	s3 =	sadd.s32 s3, s9;
	s6 =	sadd.s32 @!p0 $0x88, s6;
	s7 =	simm.s32 @p2 $0x1082  }
0x22: {  	[simem:s7], [sflag:s8] =	dma.local @!p0 [hbm:s6], $0xF7A  }
0x23: {  	s9 =	sor.u32 $0xD0000000, s2;
	s6 =	simm.s32 $0x108;
	_ =	swait.ge @!p0 [sflag:s8], $0x0  }
0x24: {  	s3 =	sadd.s32 $0x88, s3;
	s6 =	simm.s32 @!p1 $0x1082;
	[sflag:s4] =	ssyncset.s32 $0xFFFFF086  }
0x25: {  	[simem:s6], [sflag:s4] =	dma.local [hbm:s3], $0xF7A  }
0x26: {  	[smem:$0x3F8F] =	sst s1;
	(tag) =	ssettag s2;
	_ =	strace s9  }
0x27: {  	s1 =	sld [smem:$0x3F9F]  }
0x28: {  	s2 =	sld [smem:$0x3FA0]  }
0x29: {  	s4 =	sld [smem:$0x3FA2]  }
0x2a: {  	p0 =	seq.s32 s5, $0x0;
	s5 =	sld [smem:$0x3FA3]  }
0x2b: {  	s6 =	sld [smem:$0x3FA4]  }
0x2c: {  	s7 =	sld [smem:$0x3FA5]  }
0x2d: {  	s3 =	simm.s32 $0x108;
	s8 =	sld [smem:$0x3FA6]  }
0x2e: {  	s3 =	simm.s32 @!p0 $0x1082;
	s9 =	sld [smem:$0x3FA7]  }
0x2f: {  	lr =	sadd.s32 s0, s3;
	s0 =	sld [smem:$0x3F9E]  }
0x30: {  	s3 =	sld [smem:$0x3FA1]  }
0x31: {  	[smem:$0x3FAA] =	sst s10  }
0x32: {  	s10 =	sld [smem:$0x3FA8];
	_ =	sdelay $0x3  }
0x33: {  	p0 =	seq.s32 s10, $0x1;
	s10 =	sld [smem:$0x3FAA];
	_ =	sdelay $0x3  }
0x34: {  	[smem:$0x3FAA] =	sst s10  }
0x35: {  	s10 =	sld [smem:$0x3FA9];
	_ =	sdelay $0x3  }
0x36: {  	p1 =	seq.s32 s10, $0x1;
	s10 =	sld [smem:$0x3FAA];
	_ =	sdelay $0x3  }
0x37: {  	[smem:$0x3FAA] =	sst s10  }
0x38: {  	s10 =	sld [smem:$0x3FAB]  }
0x39: {  	_ = 	snop;
	(pc) =	sbr.ind lr, $3  }
0x3a: {  	_ = 	snop  }
0x3b: {  	_ = 	snop  }
0x3c: {  	p2 =	seq.s32 s10, $0x1;
	s10 =	sld [smem:$0x3FAA]  }
0x3d: {  	_ =	shalt  }
0x3e: {  	_ =	shalt  }
0x3f: {  	_ =	shalt  }
0x40: {  	_ =	shalt  }
0x41: {  	_ =	shalt  }
0x42: {  	_ =	shalt  }
0x43: {  	_ =	shalt  }
0x44: {  	_ =	shalt  }
0x45: {  	_ =	shalt  }
0x46: {  	_ =	shalt  }
0x47: {  	_ =	shalt  }
0x48: {  	_ =	shalt  }
0x49: {  	_ =	shalt  }
0x4a: {  	_ =	shalt  }
0x4b: {  	_ =	shalt  }
0x4c: {  	_ =	shalt  }
0x4d: {  	_ =	shalt  }
0x4e: {  	_ =	shalt  }
0x4f: {  	_ =	shalt  }
0x50: {  	_ =	shalt  }
0x51: {  	_ =	shalt  }
0x52: {  	_ =	shalt  }
0x53: {  	_ =	shalt  }
0x54: {  	_ =	shalt  }
0x55: {  	_ =	shalt  }
0x56: {  	_ =	shalt  }
0x57: {  	_ =	shalt  }
0x58: {  	_ =	shalt  }
0x59: {  	_ =	shalt  }
0x5a: {  	_ =	shalt  }
0x5b: {  	_ =	shalt  }
0x5c: {  	_ =	shalt  }
0x5d: {  	_ =	shalt  }
0x5e: {  	_ =	shalt  }
0x5f: {  	_ =	shalt  }
0x60: {  	_ =	shalt  }
0x61: {  	_ =	shalt  }
0x62: {  	_ =	shalt  }
0x63: {  	_ =	shalt  }
0x64: {  	_ =	shalt  }
0x65: {  	_ =	shalt  }
0x66: {  	_ =	shalt  }
0x67: {  	_ =	shalt  }
0x68: {  	_ =	shalt  }
0x69: {  	_ =	shalt  }
0x6a: {  	_ =	shalt  }
0x6b: {  	_ =	shalt  }
0x6c: {  	_ =	shalt  }
0x6d: {  	_ =	shalt  }
0x6e: {  	_ =	shalt  }
0x6f: {  	_ =	shalt  }
0x70: {  	_ =	shalt  }
0x71: {  	_ =	shalt  }
0x72: {  	_ =	shalt  }
0x73: {  	_ =	shalt  }
0x74: {  	_ =	shalt  }
0x75: {  	_ =	shalt  }
0x76: {  	_ =	shalt  }
0x77: {  	_ =	shalt  }
0x78: {  	_ =	shalt  }
0x79: {  	_ =	shalt  }
0x7a: {  	_ =	shalt  }
0x7b: {  	_ =	shalt  }
0x7c: {  	_ =	shalt  }
0x7d: {  	_ =	shalt  }
0x7e: {  	_ =	shalt  }
0x7f: {  	_ =	shalt  }
0x80: {  	_ =	shalt  }
0x81: {  	_ =	shalt  }
0x82: {  	_ =	shalt  }
0x83: {  	_ =	shalt  }
0x84: {  	_ =	shalt  }
0x85: {  	_ =	shalt  }
0x86: {  	_ =	shalt  }
0x87: {  	_ =	shalt  }
.Lfunc_end0:
.L_simem_size_0:
called_computation.3_lowered:
.L_overlay_start_0:
0x88: {  	s2 =	sld [smem:$0x3FD9]  }
0x89: {  	s3 =	sld [smem:$0x3FFE];
	_ =	sdelay $0x1  }
0x8a: {  	s1 =	srdreg.scid  }
0x8b: {  	s0 =	sand.u32 $0x1, s1  }
0x8c: {  	s16 =	sshll.u32 s0, $0xA;
	s2 =	sadd.s32 s3, s2  }
0x8d: {  	s2 =	sadd.s32 s2, s16  }
0x8e: {  	[smem:$0x3FB6] =	sst s2  }
0x8f: {  	_ = 	snop  }
0x90: {  	(tm) =	ssettm $0x1  }
0x91: {  	s17 =	sld [smem:$0x3FFB];
	_ =	sdelay $0x3  }
0x92: {  	_ =	strace s17  }
0x93: {  	s2 =	sld [smem:$0x3FFC];
	_ =	sdelay $0x3  }
0x94: {  	_ =	strace s2  }
0x95: {  	s2 =	sld [smem:$0x3FFD];
	_ =	sdelay $0x3  }
0x96: {  	_ =	strace s2  }
0x97: {  	_ =	strace $0x8FFFFFFF  }
0x98: {  	s18 =	sld [smem:$0x3FDB];
	_ =	sdelay $0x1  }
0x99: {  	s19 =	simm.s32 $_scs_section_size  }
0x9a: {  	s4 =	simm.s32 $_size__tile_overlayer_lowered;
	s5 =	simm.s32 $_tile_overlayer_lowered  }
0x9b: {  	s22 =	simm.s32 $0x1BFF;
	s21 =	sshll.u32 s5, $0x1;
	s2 =	sadd.s32 s19, s18  }
0x9c: {  	s6 =	simm.s32 $0x0;
	s20 =	sshll.u32 s4, $0x1;
	s4 =	sadd.s32 s21, s2  }
0x9d: {  	[timem:s6], [sflag:s22] =	dma.local [hbm:s4], s20  }
0x9e: {  	_ =	swait.ge [sflag:s22], s20  }
0x9f: {  	s3 =	ssub.s32 $0x0, s20;
	[sflag:s22] =	ssyncset.done $0x0  }
0xa0: {  	[sflag:s22] =	ssyncadd.s32 s3;
	_ =	sdelay $0x1  }
0xa1: {  	s23 =	simm.s32 $0x1B8B  }
0xa2: {  	_ =	swait.ge [sflag:s23], $0x1  }
0xa3: {  	[sflag:s23] =	ssyncset.done $0x0  }
0xa4: {  	s25 =	simm.s32 $0x1B8E;
	s24 =	sld [smem:$0x3FFE];
	[sflag:s23] =	ssyncadd.s32 $0xFFFFFFFF  }
0xa5: {  	s26 =	simm.s32 $execute0_lowered;
	[smem:$0x3FD2] =	sst s25  }
0xa6: {  	s4 =	sshll.u32 s26, $0x1;
	_ =	strace $0x8000004F;
	[dreg:$0x1] =	wrdreg $0xFFFFFFFF  }
0xa7: {  	s28 =	simm.s32 $_size_execute0_lowered;
	s2 =	sadd.s32 s2, s4;
	[dreg:$0x0] =	wrdreg $0x0  }
0xa8: {  	s4 =	sshll.u32 s28, $0x1;
	[dreg:$0x2] =	wrdreg s2  }
0xa9: {  	[dreg:$0x3] =	wrdreg s4  }
0xaa: {  	[dreg:$0x4] =	wrdreg $0xC0  }
0xab: {  	_ =	task [dreg:s6], $0x5FFFF  }
0xac: {  	[dreg:$0x1] =	wrdreg $0xFFFFFFFF  }
0xad: {  	[dreg:$0x0] =	wrdreg $0x60  }
0xae: {  	[dreg:$0x2] =	wrdreg s24  }
0xaf: {  	[dreg:$0x3] =	wrdreg $0x0  }
0xb0: {  	[dreg:$0x4] =	wrdreg $0x9  }
0xb1: {  	_ =	task.clear_ibuf [dreg:s6], $0x5FFFF;
	_ =	strace $0x9000004F  }
0xb2: {  	s29 =	simm.s32 $0x9;
	_ =	strace $0x80000051  }
0xb3: {  	_ =	swait.ge [sflag:s29], $0x1  }
0xb4: {  	[sflag:s29] =	ssyncadd.s32 $0xFFFFFFFF  }
0xb5: {  	_ =	strace $0x90000051  }
0xb6: {  	_ =	sfence  }
0xb7: {  	s30 =	sld [smem:$0x0];
	_ =	sdelay $0x2  }
0xb8: {  	s31 =	sshll.u32 s1, $0xD;
	s1 =	sshrl.u32 s1, $0x2  }
0xb9: {  	s3 =	sand.u32 $0x4000, s31;
	s1 =	sadd.s32 s1, s30  }
0xba: {  	s0 =	sor.u32 s3, s0;
	s1 =	sshll.u32 s1, $0x11  }
0xbb: {  	s0 =	sor.u32 s1, s0  }
0xbc: {  	s0 =	sadd.s32 $0x8F2B, s0  }
0xbd: {  	[sflag:s0] =	ssyncadd.remote.s32 $0x1  }
0xbe: {  	_ =	sfence.sel $0xFFFF  }
0xbf: {  	[dreg:$0x0] =	wrdreg $0xFFFFFFFF;
	(pc) =	sbr.abs _section_cstart, $3  }
0xc0: {  	[dreg:$0x1] =	wrdreg $0xFFFFFFFF  }
0xc1: {  	_ =	task.clear_ibuf [dreg:s6], $0x2FFFF;
	_ =	strace $0x9FFFFFFF  }
0xc2: {  	(tm) =	ssettm $0x7FFFFFFF  }
0xc3: {  	_ =	shalt  }
tec
execute0_lowered:
.L_overlay_start_1:
0x0: {  	(tag) =	ssettag $0x1  }
0x1: {  	s0 =	rddreg [dreg:$0x0]  }
0x2: {  	s1 =	rddreg [dreg:$0x1];
	s2 =	simm.s32 $0x0  }
0x3: {  	s3 =	srdreg.scid;
	s15 =	stileid.u32;
	s20 =	simm.s32 $0x13AC0  }
0x4: {  	s28 =	simm.s32 $0x13940;
	s29 =	simm.s32 $0x13A40;
	s30 =	simm.s32 $0x17B40  }
0x5: {  	s31 =	simm.s32 $0x2;
	[smem:$0x7FF] =	sst s2;
	s12 =	smul.u32 $0x5000, s15  }
0x6: {  	s3 =	sand.u32 $0x1, s3;
	s4 =	sadd.s32 $0x4B200, s0;
	s14 =	smul.u32 $0x50, s15  }
0x7: {  	s10 =	sadd.s32 $0x37200, s0;
	s11 =	sadd.s32 $0x4800, s0;
	s25 =	smul.u32 $0xA00, s15  }
0x8: {  	p0 =	seq.s32 s15, $0xF;
	s26 =	smul.u32 $0x2800, s15;
	_ =	strace $0x80000050  }
0x9: {  	s5 =	sshll.u32 s3, $0x4;
	s6 =	smul.u32 $0x27100, s3;
	s7 =	ssub.s32 $0x2, s3  }
0xa: {  	s5 =	sor.u32 s15, s5;
	s9 =	sshrl.u32 s7, $0x1;
	s21 =	sshrl.u32 s12, $0x3  }
0xb: {  	s17 =	sadd.s32 s25, s11;
	s25 =	simm.s32 $0x139C0;
	s8 =	smul.u32 $0x5000, s5  }
0xc: {  	s5 =	sadd.s32 $0xFA00, s0;
	s13 =	ssub.s32 s7, s9;
	s7 =	smul.u32 $0x2710, s3  }
0xd: {  	s0 =	sadd.s32 s6, s0;
	s6 =	sshll.u32 s15, $0x3;
	s3 =	smul.u32 $0x50000, s3  }
0xe: {  	s9 =	sadd.s32 s11, s21;
	s15 =	smul.u32 $0x280, s15;
	s21 =	simm.s32 $0x4  }
0xf: {  	s22 =	sadd.s32 $0x10, s9;
	s23 =	smax.u32 s13, $0x1;
	s24 =	sadd.s32 s14, s5  }
0x10: {  	s0 =	sadd.s32 s26, s0;
	s26 =	simm.s32 $0x80;
	[dreg:$0x5] =	wrdreg s22  }
0x11: {  	s8 =	sshrl.u32 s8, $0x3;
	[dreg:$0x7] =	wrdreg s23;
	s3 =	sadd.s32 s12, s3  }
0x12: {  	[dreg:$0x8] =	wrdreg s24;
	s19 =	sadd.s32 $0x99400, s0;
	s22 =	simm.s32 $0x13B40  }
0x13: {  	s23 =	simm.s32 $0x50;
	s24 =	simm.s32 $0x138C0;
	s0 =	simm.s32 $0x3  }
0x14: {  	s8 =	sadd.s32 s10, s8;
	s12 =	sor.u32 $0x100, s3;
	s3 =	sor.u32 $0x180, s3  }
0x15: {  	[dreg:$0x3] =	wrdreg s8;
	s8 =	sadd.s32 $0x10, s8;
	s12 =	sshrl.u32 s12, $0x3  }
0x16: {  	s3 =	sshrl.u32 s3, $0x3;
	[dreg:$0x4] =	wrdreg s8;
	s8 =	simm.s32 $0x5  }
0x17: {  	s16 =	sadd.s32 s12, s10;
	s18 =	sadd.s32 s3, s10;
	s8 =	simm.s32 @!p0 $0x8  }
0x18: {  	s3 =	simm.s32 $0x1;
	s10 =	simm.s32 $0x0;
	[dreg:$0x6] =	wrdreg s8  }
.LBB2_1:
0x19: {  	s11 =	sadd.s32 $0x0, s6  }
0x1a: {  	s8 =	rddreg [dreg:$0x8];
	p0 =	slt.u32 s11, $0x7D;
	s11 =	smov.u32 s15  }
0x1b: {  	[tilespmem:s20], [sflag:$0x4] =	stream.linear.gather [hbm4b:s8+s2], $0x50, $0x38;
	[tilespmem:$0x1BB40] =	vst v63  }
0x1c: {  	s11 =	simm.s32 @!p0 $0x0  }
0x1d: {  	_ =	swait.ge [sflag:s21], $0x50;
	s11 =	sadd.s32 s7, s11  }
0x1e: {  	[sflag:s21] =	ssyncset.done $0x0;
	s11 =	sshll.u32 s11, $0x4  }
0x1f: {  	[sflag:s21] =	ssyncadd.s32 $0xFFFFFFB0;
	s11 =	sadd.s32 s4, s11  }
0x20: {  	[tilespmem:s22], [sflag:$0x4] =	stream.linear.gather [hbm4b:s11+s2], $0x2800, $0x38;
	[tilespmem:$0x1BB40] =	vst v63  }
0x21: {  	_ =	swait.ge [sflag:s21], $0x2800  }
0x22: {  	[sflag:s21] =	ssyncset.done $0x0  }
0x23: {  	s12 =	simm.s32 $0x2;
	s14 =	sadd.s32 $0x1, s6;
	[sflag:s21] =	ssyncadd.s32 $0xFFFFD800  }
0x24: {  	[spmem:s1] =	stream.indirect.scatter [tilespmem:s22], [sflag:$0x4], $0x80, s20, s23, $0xb8;
	[tilespmem:$0x1BB40] =	vst v63  }
0x25: {  	s13 =	sadd.s32 $0xA, s8;
	s11 =	sadd.s32 $0x50, s15;
	_ =	swait.ge [sflag:s21], $0x2800  }
.LBB2_2:
0x26: {  	p1 =	slt.u32 s14, $0x7D;
	[sflag:s21] =	ssyncset.done $0x0;
	s14 =	smov.u32 s12  }
0x27: {  	s8 =	sadd.s32 $0x1, s12;
	p0 =	sne.s32 s12, $0x7;
	s12 =	smov.u32 s11  }
0x28: {  	s12 =	simm.s32 @!p1 $0x0;
	[sflag:s21] =	ssyncadd.s32 $0xFFFFD800  }
0x29: {  	[tilespmem:s20], [sflag:$0x4] =	stream.linear.gather [hbm4b:s13+s2], $0x50, $0x38;
	[tilespmem:$0x1BB40] =	vst v63  }
0x2a: {  	s12 =	sadd.s32 s7, s12;
	_ =	swait.ge [sflag:s21], $0x50  }
0x2b: {  	s12 =	sshll.u32 s12, $0x4;
	[sflag:s21] =	ssyncset.done $0x0  }
0x2c: {  	s12 =	sadd.s32 s4, s12;
	[sflag:s21] =	ssyncadd.s32 $0xFFFFFFB0  }
0x2d: {  	[tilespmem:s22], [sflag:$0x4] =	stream.linear.gather [hbm4b:s12+s2], $0x2800, $0x38;
	[tilespmem:$0x1BB40] =	vst v63  }
.Ltmp0:
0x2e: {  	_ =	swait.ge [sflag:s21], $0x2800;
	(pc) =	sbr.rel @p0 .LBB2_2-.Ltmp0, $4  }
0x2f: {  	[sflag:s21] =	ssyncset.done $0x0  }
0x30: {  	s11 =	sadd.s32 $0x50, s11;
	s14 =	sadd.s32 s14, s6;
	[sflag:s21] =	ssyncadd.s32 $0xFFFFD800  }
0x31: {  	[spmem:s1] =	stream.indirect.scatter [tilespmem:s22], [sflag:$0x4], $0x80, s20, s23, $0xb8;
	[tilespmem:$0x1BB40] =	vst v63  }
0x32: {  	s13 =	sadd.s32 $0xA, s13;
	s12 =	smov.u32 s8;
	_ =	swait.ge [sflag:s21], $0x2800  }
0x33: {  	p0 =	slt.u32 s14, $0x7D;
	[sflag:s21] =	ssyncset.done $0x0  }
0x34: {  	s11 =	simm.s32 @!p0 $0x0;
	[sflag:s21] =	ssyncadd.s32 $0xFFFFD800  }
0x35: {  	[tilespmem:s20], [sflag:$0x4] =	stream.linear.gather [hbm4b:s13+s2], $0x50, $0x38;
	[tilespmem:$0x1BB40] =	vst v63  }
0x36: {  	s8 =	sadd.s32 s7, s11;
	_ =	swait.ge [sflag:s21], $0x50  }
0x37: {  	s8 =	sshll.u32 s8, $0x4;
	[sflag:s21] =	ssyncset.done $0x0  }
0x38: {  	s8 =	sadd.s32 s4, s8;
	[sflag:s21] =	ssyncadd.s32 $0xFFFFFFB0  }
0x39: {  	[tilespmem:s22], [sflag:$0x4] =	stream.linear.gather [hbm4b:s8+s2], $0x2800, $0x38;
	[tilespmem:$0x1BB40] =	vst v63  }
0x3a: {  	_ =	swait.ge [sflag:s21], $0x2800  }
0x3b: {  	[sflag:s21] =	ssyncset.done $0x0  }
0x3c: {  	[sflag:s21] =	ssyncadd.s32 $0xFFFFD800  }
0x3d: {  	[spmem:s1] =	stream.indirect.scatter [tilespmem:s22], [sflag:$0x4], $0x80, s20, s23, $0xb8;
	[tilespmem:$0x1BB40] =	vst v63  }
0x3e: {  	_ =	swait.ge [sflag:s21], $0x2800  }
0x3f: {  	[sflag:s21] =	ssyncset.done $0x0  }
0x40: {  	[sflag:s21] =	ssyncadd.s32 $0xFFFFD800  }
0x41: {  	[bflag:$0x0] =	sbarrier.arrive $0xFFFF  }
0x42: {  	s8 =	simm.s32 $0x0;
	s12 =	rddreg [dreg:$0x3]  }
0x43: {  	[tilespmem:s24], [sflag:$0x4] =	stream.linear.gather [hbm4b:s12+s8], $0x80, $0x38;
	[tilespmem:$0x1BB40] =	vst v63  }
0x44: {  	_ =	swait.ge [sflag:s21], $0x80  }
0x45: {  	[sflag:s21] =	ssyncset.done $0x0  }
0x46: {  	[sflag:s21] =	ssyncadd.s32 $0xFFFFFF80  }
0x47: {  	[tilespmem:s25], [sflag:$0x4] =	stream.linear.gather [hbm4b:s9+s8], $0x80, $0x38;
	[tilespmem:$0x1BB40] =	vst v63  }
0x48: {  	_ =	swait.ge [sflag:s21], $0x80  }
0x49: {  	[sflag:s21] =	ssyncset.done $0x0  }
0x4a: {  	[sflag:s21] =	ssyncadd.s32 $0xFFFFFF80  }
0x4b: {  	[tilespmem:s22], [sflag:$0x2] =	stream.indirect.gather [hbm4b:s4+s26], $0x80, s24, s26, $0xb8;
	[tilespmem:$0x1BB40] =	vst v63  }
0x4c: {  	s13 =	rddreg [dreg:$0x4]  }
0x4d: {  	[tilespmem:s28], [sflag:$0x4] =	stream.linear.gather [hbm4b:s13+s8], $0x80, $0x38;
	[tilespmem:$0x1BB40] =	vst v63  }
0x4e: {  	_ =	swait.ge [sflag:s21], $0x80  }
0x4f: {  	[sflag:s21] =	ssyncset.done $0x0  }
0x50: {  	s14 =	rddreg [dreg:$0x5];
	[sflag:s21] =	ssyncadd.s32 $0xFFFFFF80  }
0x51: {  	[tilespmem:s29], [sflag:$0x4] =	stream.linear.gather [hbm4b:s14+s8], $0x80, $0x38;
	[tilespmem:$0x1BB40] =	vst v63  }
0x52: {  	_ =	swait.ge [sflag:s21], $0x80  }
0x53: {  	[sflag:s21] =	ssyncset.done $0x0  }
0x54: {  	[sflag:s21] =	ssyncadd.s32 $0xFFFFFF80  }
0x55: {  	[tilespmem:s30], [sflag:$0x3] =	stream.indirect.gather [hbm4b:s4+s26], $0x80, s28, s26, $0xb8;
	[tilespmem:$0x1BB40] =	vst v63  }
0x56: {  	_ =	swait.ge [sflag:s31], $0x4000  }
0x57: {  	[sflag:s31] =	ssyncset.done $0x0  }
0x58: {  	[sflag:s31] =	ssyncadd.s32 $0xFFFFC000  }
0x59: {  	[spmem:s1] =	stream.indirect.scatter.add.f32 [tilespmem:s22], [sflag:$0x4], $0x80, s25, s26, $0xb8;
	[tilespmem:$0x1BB40] =	vst v63  }
0x5a: {  	_ =	swait.ge [sflag:s21], $0x4000  }
0x5b: {  	[sflag:s21] =	ssyncset.done $0x0  }
0x5c: {  	s11 =	sadd.s32 $0x0, s16;
	[sflag:s21] =	ssyncadd.s32 $0xFFFFC000  }
0x5d: {  	[tilespmem:s24], [sflag:$0x4] =	stream.linear.gather [hbm4b:s11+s2], $0x80, $0x38;
	[tilespmem:$0x1BB40] =	vst v63  }
0x5e: {  	_ =	swait.ge [sflag:s21], $0x80  }
0x5f: {  	s12 =	sadd.s32 $0x0, s17;
	[sflag:s21] =	ssyncset.done $0x0  }
0x60: {  	s13 =	sadd.s32 $0x20, s12;
	[sflag:s21] =	ssyncadd.s32 $0xFFFFFF80  }
0x61: {  	[tilespmem:s25], [sflag:$0x4] =	stream.linear.gather [hbm4b:s13+s2], $0x80, $0x38;
	[tilespmem:$0x1BB40] =	vst v63  }
0x62: {  	_ =	swait.ge [sflag:s21], $0x80  }
0x63: {  	[sflag:s21] =	ssyncset.done $0x0  }
0x64: {  	[sflag:s21] =	ssyncadd.s32 $0xFFFFFF80  }
0x65: {  	[tilespmem:s22], [sflag:$0x2] =	stream.indirect.gather [hbm4b:s4+s26], $0x80, s24, s26, $0xb8;
	[tilespmem:$0x1BB40] =	vst v63  }
0x66: {  	_ =	swait.ge [sflag:s0], $0x4000  }
0x67: {  	[sflag:s0] =	ssyncset.done $0x0  }
0x68: {  	[sflag:s0] =	ssyncadd.s32 $0xFFFFC000  }
0x69: {  	[spmem:s1] =	stream.indirect.scatter.add.f32 [tilespmem:s30], [sflag:$0x4], $0x80, s29, s26, $0xb8;
	[tilespmem:$0x1BB40] =	vst v63  }
0x6a: {  	_ =	swait.ge [sflag:s21], $0x4000  }
0x6b: {  	[sflag:s21] =	ssyncset.done $0x0  }
0x6c: {  	s14 =	sadd.s32 $0x0, s18;
	[sflag:s21] =	ssyncadd.s32 $0xFFFFC000  }
0x6d: {  	[tilespmem:s28], [sflag:$0x4] =	stream.linear.gather [hbm4b:s14+s2], $0x80, $0x38;
	[tilespmem:$0x1BB40] =	vst v63  }
0x6e: {  	_ =	swait.ge [sflag:s21], $0x80  }
0x6f: {  	[sflag:s21] =	ssyncset.done $0x0  }
0x70: {  	s8 =	sadd.s32 $0x30, s12;
	[sflag:s21] =	ssyncadd.s32 $0xFFFFFF80  }
0x71: {  	[tilespmem:s29], [sflag:$0x4] =	stream.linear.gather [hbm4b:s8+s2], $0x80, $0x38;
	[tilespmem:$0x1BB40] =	vst v63  }
0x72: {  	_ =	swait.ge [sflag:s21], $0x80  }
0x73: {  	[sflag:s21] =	ssyncset.done $0x0  }
0x74: {  	s11 =	simm.s32 $0x20;
	[sflag:s21] =	ssyncadd.s32 $0xFFFFFF80  }
.LBB2_4:
0x75: {  	[tilespmem:s30], [sflag:$0x3] =	stream.indirect.gather [hbm4b:s4+s26], $0x80, s28, s26, $0xb8;
	[tilespmem:$0x1BB40] =	vst v63  }
0x76: {  	s8 =	smov.u32 s11  }
0x77: {  	p0 =	sne.s32 s11, $0x9C0;
	s11 =	sadd.s32 $0x20, s11;
	_ =	swait.ge [sflag:s31], $0x4000  }
0x78: {  	[sflag:s31] =	ssyncset.done $0x0  }
0x79: {  	[sflag:s31] =	ssyncadd.s32 $0xFFFFC000  }
0x7a: {  	[spmem:s1] =	stream.indirect.scatter.add.f32 [tilespmem:s22], [sflag:$0x4], $0x80, s25, s26, $0xb8;
	[tilespmem:$0x1BB40] =	vst v63  }
0x7b: {  	_ =	swait.ge [sflag:s21], $0x4000  }
0x7c: {  	[sflag:s21] =	ssyncset.done $0x0  }
0x7d: {  	s12 =	sadd.s32 s8, s16;
	[sflag:s21] =	ssyncadd.s32 $0xFFFFC000  }
0x7e: {  	[tilespmem:s24], [sflag:$0x4] =	stream.linear.gather [hbm4b:s12+s2], $0x80, $0x38;
	[tilespmem:$0x1BB40] =	vst v63  }
0x7f: {  	_ =	swait.ge [sflag:s21], $0x80  }
0x80: {  	s12 =	sadd.s32 s8, s17;
	[sflag:s21] =	ssyncset.done $0x0  }
0x81: {  	s13 =	sadd.s32 $0x20, s12;
	[sflag:s21] =	ssyncadd.s32 $0xFFFFFF80  }
0x82: {  	[tilespmem:s25], [sflag:$0x4] =	stream.linear.gather [hbm4b:s13+s2], $0x80, $0x38;
	[tilespmem:$0x1BB40] =	vst v63  }
0x83: {  	_ =	swait.ge [sflag:s21], $0x80  }
0x84: {  	[sflag:s21] =	ssyncset.done $0x0  }
0x85: {  	[sflag:s21] =	ssyncadd.s32 $0xFFFFFF80  }
0x86: {  	[tilespmem:s22], [sflag:$0x2] =	stream.indirect.gather [hbm4b:s4+s26], $0x80, s24, s26, $0xb8;
	[tilespmem:$0x1BB40] =	vst v63  }
0x87: {  	_ =	swait.ge [sflag:s0], $0x4000  }
0x88: {  	[sflag:s0] =	ssyncset.done $0x0  }
0x89: {  	[sflag:s0] =	ssyncadd.s32 $0xFFFFC000  }
0x8a: {  	[spmem:s1] =	stream.indirect.scatter.add.f32 [tilespmem:s30], [sflag:$0x4], $0x80, s29, s26, $0xb8;
	[tilespmem:$0x1BB40] =	vst v63  }
0x8b: {  	_ =	swait.ge [sflag:s21], $0x4000  }
0x8c: {  	[sflag:s21] =	ssyncset.done $0x0  }
0x8d: {  	s8 =	sadd.s32 s8, s18;
	[sflag:s21] =	ssyncadd.s32 $0xFFFFC000  }
0x8e: {  	[tilespmem:s28], [sflag:$0x4] =	stream.linear.gather [hbm4b:s8+s2], $0x80, $0x38;
	[tilespmem:$0x1BB40] =	vst v63  }
0x8f: {  	_ =	swait.ge [sflag:s21], $0x80  }
0x90: {  	[sflag:s21] =	ssyncset.done $0x0  }
.Ltmp1:
0x91: {  	s8 =	sadd.s32 $0x30, s12;
	[sflag:s21] =	ssyncadd.s32 $0xFFFFFF80;
	(pc) =	sbr.rel @p0 .LBB2_4-.Ltmp1, $4  }
0x92: {  	[tilespmem:s29], [sflag:$0x4] =	stream.linear.gather [hbm4b:s8+s2], $0x80, $0x38;
	[tilespmem:$0x1BB40] =	vst v63  }
0x93: {  	_ =	swait.ge [sflag:s21], $0x80  }
0x94: {  	[sflag:s21] =	ssyncset.done $0x0  }
0x95: {  	[sflag:s21] =	ssyncadd.s32 $0xFFFFFF80  }
0x96: {  	[tilespmem:s30], [sflag:$0x3] =	stream.indirect.gather [hbm4b:s4+s26], $0x80, s28, s26, $0xb8;
	[tilespmem:$0x1BB40] =	vst v63  }
0x97: {  	_ =	swait.ge [sflag:s31], $0x4000  }
0x98: {  	[sflag:s31] =	ssyncset.done $0x0  }
0x99: {  	[sflag:s31] =	ssyncadd.s32 $0xFFFFC000  }
0x9a: {  	[spmem:s1] =	stream.indirect.scatter.add.f32 [tilespmem:s22], [sflag:$0x4], $0x80, s25, s26, $0xb8;
	[tilespmem:$0x1BB40] =	vst v63  }
0x9b: {  	_ =	swait.ge [sflag:s21], $0x4000  }
0x9c: {  	[sflag:s21] =	ssyncset.done $0x0  }
0x9d: {  	s8 =	rddreg [dreg:$0x3];
	[sflag:s21] =	ssyncadd.s32 $0xFFFFC000  }
0x9e: {  	[tilespmem:s24], [sflag:$0x4] =	stream.linear.gather [hbm4b:s8+s2], $0x80, $0x38;
	[tilespmem:$0x1BB40] =	vst v63  }
0x9f: {  	_ =	swait.ge [sflag:s21], $0x80  }
0xa0: {  	[sflag:s21] =	ssyncset.done $0x0  }
0xa1: {  	[sflag:s21] =	ssyncadd.s32 $0xFFFFFF80  }
0xa2: {  	[tilespmem:s25], [sflag:$0x4] =	stream.linear.gather [hbm4b:s9+s2], $0x80, $0x38;
	[tilespmem:$0x1BB40] =	vst v63  }
0xa3: {  	_ =	swait.ge [sflag:s21], $0x80  }
0xa4: {  	[sflag:s21] =	ssyncset.done $0x0  }
0xa5: {  	[sflag:s21] =	ssyncadd.s32 $0xFFFFFF80  }
0xa6: {  	[tilespmem:s22], [sflag:$0x2] =	stream.indirect.gather [hbm4b:s4+s26], $0x80, s24, s26, $0xb8;
	[tilespmem:$0x1BB40] =	vst v63  }
0xa7: {  	_ =	swait.ge [sflag:s0], $0x4000  }
0xa8: {  	[sflag:s0] =	ssyncset.done $0x0  }
0xa9: {  	[sflag:s0] =	ssyncadd.s32 $0xFFFFC000  }
0xaa: {  	[spmem:s1] =	stream.indirect.scatter.add.f32 [tilespmem:s30], [sflag:$0x4], $0x80, s29, s26, $0xb8;
	[tilespmem:$0x1BB40] =	vst v63  }
0xab: {  	_ =	swait.ge [sflag:s21], $0x4000  }
0xac: {  	[sflag:s21] =	ssyncset.done $0x0  }
0xad: {  	[sflag:s21] =	ssyncadd.s32 $0xFFFFC000  }
0xae: {  	[tilespmem:s28], [sflag:$0x4] =	stream.linear.gather [hbm4b:s8+s2], $0x80, $0x38;
	[tilespmem:$0x1BB40] =	vst v63  }
0xaf: {  	_ =	swait.ge [sflag:s21], $0x80  }
0xb0: {  	[sflag:s21] =	ssyncset.done $0x0  }
0xb1: {  	[sflag:s21] =	ssyncadd.s32 $0xFFFFFF80  }
0xb2: {  	[tilespmem:s29], [sflag:$0x4] =	stream.linear.gather [hbm4b:s9+s2], $0x80, $0x38;
	[tilespmem:$0x1BB40] =	vst v63  }
0xb3: {  	_ =	swait.ge [sflag:s21], $0x80  }
0xb4: {  	[sflag:s21] =	ssyncset.done $0x0  }
0xb5: {  	[sflag:s21] =	ssyncadd.s32 $0xFFFFFF80  }
0xb6: {  	[tilespmem:s30], [sflag:$0x3] =	stream.indirect.gather [hbm4b:s4+s26], $0x80, s28, s26, $0xb8;
	[tilespmem:$0x1BB40] =	vst v63  }
0xb7: {  	_ =	swait.ge [sflag:s31], $0x4000  }
0xb8: {  	[sflag:s31] =	ssyncset.done $0x0  }
0xb9: {  	[sflag:s31] =	ssyncadd.s32 $0xFFFFC000  }
0xba: {  	_ =	swait.ge [sflag:s0], $0x4000  }
0xbb: {  	[sflag:s0] =	ssyncset.done $0x0  }
0xbc: {  	[sflag:s0] =	ssyncadd.s32 $0xFFFFC000  }
0xbd: {  	[bflag:$0x0] =	sbarrier.arrive $0xFFFF  }
0xbe: {  	s14 =	rddreg [dreg:$0x6]  }
0xbf: {  	p1 =	sne.s32 s14, $0x1  }
.Ltmp2:
0xc0: {  	_ = 	snop;
	(pc) =	sbr.rel @!p1 .LBB2_6-.Ltmp2, $2  }
0xc1: {  	_ =	sdelay $0x2  }
0xc2: {  	s12 =	sshrl.u32 s15, $0x3;
	p0 =	por $0x0, $0x0;
	s11 =	sadd.s32 $0xFFFFFFFF, s14  }
0xc3: {  	s8 =	sadd.s32 s5, s12  }
0xc4: {  	[tilespmem:s20], [sflag:$0x4] =	stream.linear.gather [hbm4b:s8+s2], $0x50, $0x38;
	[tilespmem:$0x1BB40] =	vst v63  }
0xc5: {  	_ =	swait.ge [sflag:s21], $0x50  }
0xc6: {  	[sflag:s21] =	ssyncset.done $0x0  }
0xc7: {  	[sflag:s21] =	ssyncadd.s32 $0xFFFFFFB0  }
0xc8: {  	[tilespmem:s22], [sflag:$0x1] =	stream.indirect.gather [spmem:s1], $0x80, s20, s23, $0xb8;
	[tilespmem:$0x1BB40] =	vst v63  }
0xc9: {  	p1 =	sne.s32 s11, $0x1;
	_ =	swait.ge [sflag:s3], $0x2800  }
.Ltmp3:
0xca: {  	[sflag:s3] =	ssyncset.done $0x0;
	(pc) =	sbr.rel @!p1 .LBB2_8-.Ltmp3, $4  }
0xcb: {  	s13 =	sadd.s32 $0xFFFFFFFF, s11;
	[sflag:s3] =	ssyncadd.s32 $0xFFFFD800  }
0xcc: {  	[hbm4b:s19+s2] =	stream.linear.scatter [tilespmem:s22], [sflag:$0x4], $0x2800, $0x38;
	[tilespmem:$0x1BB40] =	vst v63  }
0xcd: {  	s14 =	sadd.s32 $0x50, s15;
	p0 =	por $0x1, $0x1;
	_ =	swait.ge [sflag:s21], $0x2800  }
0xce: {  	s11 =	smov.u32 s19;
	s12 =	sshrl.u32 s14, $0x3;
	[sflag:s21] =	ssyncset.done $0x0  }
.LBB2_9:
0xcf: {  	s8 =	sadd.s32 s5, s12;
	[sflag:s21] =	ssyncadd.s32 $0xFFFFD800;
	s11 =	sadd.s32 $0x500, s11  }
0xd0: {  	[tilespmem:s20], [sflag:$0x4] =	stream.linear.gather [hbm4b:s8+s2], $0x50, $0x38;
	[tilespmem:$0x1BB40] =	vst v63  }
0xd1: {  	p1 =	sne.s32 s13, $0x1;
	s13 =	sadd.s32 $0xFFFFFFFF, s13;
	_ =	swait.ge [sflag:s21], $0x50  }
0xd2: {  	[sflag:s21] =	ssyncset.done $0x0  }
0xd3: {  	[sflag:s21] =	ssyncadd.s32 $0xFFFFFFB0  }
0xd4: {  	[tilespmem:s22], [sflag:$0x1] =	stream.indirect.gather [spmem:s1], $0x80, s20, s23, $0xb8;
	[tilespmem:$0x1BB40] =	vst v63  }
0xd5: {  	_ =	swait.ge [sflag:s3], $0x2800  }
.Ltmp4:
0xd6: {  	[sflag:s3] =	ssyncset.done $0x0;
	(pc) =	sbr.rel @p1 .LBB2_9-.Ltmp4, $4  }
0xd7: {  	[sflag:s3] =	ssyncadd.s32 $0xFFFFD800  }
0xd8: {  	[hbm4b:s11+s2] =	stream.linear.scatter [tilespmem:s22], [sflag:$0x4], $0x2800, $0x38;
	[tilespmem:$0x1BB40] =	vst v63  }
0xd9: {  	s14 =	sadd.s32 $0x50, s14;
	_ =	swait.ge [sflag:s21], $0x2800  }
0xda: {  	s12 =	sshrl.u32 s14, $0x3;
	[sflag:s21] =	ssyncset.done $0x0  }
.LBB2_10:
0xdb: {  	s8 =	sadd.s32 s5, s12;
	[sflag:s21] =	ssyncadd.s32 @p0 $0xFFFFD800  }
0xdc: {  	[tilespmem:s20], [sflag:$0x4] =	stream.linear.gather [hbm4b:s8+s2], $0x50, $0x38;
	[tilespmem:$0x1BB40] =	vst v63  }
0xdd: {  	_ =	swait.ge [sflag:s21], $0x50  }
0xde: {  	[sflag:s21] =	ssyncset.done $0x0  }
0xdf: {  	[sflag:s21] =	ssyncadd.s32 $0xFFFFFFB0  }
0xe0: {  	[tilespmem:s22], [sflag:$0x1] =	stream.indirect.gather [spmem:s1], $0x80, s20, s23, $0xb8;
	[tilespmem:$0x1BB40] =	vst v63  }
0xe1: {  	_ =	swait.ge [sflag:s3], $0x2800  }
0xe2: {  	s8 =	sadd.s32 @p0 $0x500, s11;
	s11 =	smov.u32 s19;
	[sflag:s3] =	ssyncset.done $0x0  }
0xe3: {  	s11 =	smov.u32 @p0 s8;
	[sflag:s3] =	ssyncadd.s32 $0xFFFFD800  }
0xe4: {  	[hbm4b:s11+s2] =	stream.linear.scatter [tilespmem:s22], [sflag:$0x4], $0x2800, $0x38;
	[tilespmem:$0x1BB40] =	vst v63  }
0xe5: {  	_ =	swait.ge [sflag:s21], $0x2800  }
0xe6: {  	s10 =	sadd.s32 $0x1, s10;
	s14 =	rddreg [dreg:$0x7]  }
0xe7: {  	p0 =	sne.s32 s10, s14  }
.Ltmp5:
0xe8: {  	_ = 	snop;
	(pc) =	sbr.rel @p0 .LBB2_1-.Ltmp5, $4  }
.Ltmp6:
0xe9: {  	_ = 	snop;
	(pc) =	sbr.rel @!p0 .LBB2_11-.Ltmp6, $4  }
0xea: {  	_ = 	snop  }
0xeb: {  	[sflag:s21] =	ssyncset.done $0x0  }
0xec: {  	[sflag:s21] =	ssyncadd.s32 $0xFFFFD800  }
0xed: {  	_ = 	snop  }
.LBB2_6:
.Ltmp7:
0xee: {  	(pc) =	sbr.rel .LBB2_10-.Ltmp7, $2  }
0xef: {  	_ =	sdelay $0x2  }
0xf0: {  	s11 =	smov.u32 s19  }
.LBB2_8:
.Ltmp8:
0xf1: {  	(pc) =	sbr.rel .LBB2_10-.Ltmp8, $2  }
0xf2: {  	_ =	sdelay $0x2  }
0xf3: {  	s11 =	smov.u32 s19  }
.LBB2_11:
0xf4: {  	_ =	sfence.sel $0x180000  }
0xf5: {  	[bflag:$0x0] =	sbarrier.arrive $0xFFFF  }
0xf6: {  	_ =	strace $0x90000050  }
0xf7: {  	s0 =	stileid.u32;
	[bflag:$0x2] =	sbarrier.arrive $0xFFFF  }
0xf8: {  	p0 =	sne.s32 s0, $0x0;
	s0 =	rddreg [dreg:$0x2]  }
0xf9: {  	s0 =	sadd.s32 @!p0 $0x100000, s0  }
0xfa: {  	[sflag:s0] =	ssyncadd.tile.s32 @!p0 $0x1;
	_ =	shalt  }
.Lfunc_end2:
_tile_overlayer_lowered:
.L_overlay_start_2:
0xfb: {  	(tag) =	ssettag $0x2  }
0xfc: {  	s0 =	rddreg [dreg:$0x0];
	s2 =	stileid.u32  }
0xfd: {  	s1 =	rddreg [dreg:$0x1];
	p0 =	sne.s32 s2, $0x0  }
0xfe: {  	s3 =	rddreg [dreg:$0x2];
	[bflag:$0x3] =	sbarrier.arrive $0xFFFF;
	s2 =	simm.s32 @!p0 $0x1C04  }
0xff: {  	[timem:s3], [sflag:s2] =	dma.local @!p0 [hbm:s0], s1  }
0x100: {  	s0 =	simm.s32 @!p0 $0x4  }
0x101: {  	_ =	swait.ge @!p0 [sflag:s0], s1  }
0x102: {  	s1 =	ssub.s32 @!p0 $0x0, s1;
	[sflag:s0] =	ssyncset.done @!p0 $0x0  }
0x103: {  	[sflag:s0] =	ssyncadd.s32 @!p0 s1  }
0x104: {  	[bflag:$0x3] =	sbarrier.arrive $0xFFFF  }
0x105: {  	_ =	shalt  }

</sc_bundles>
